<compile_context>
chip_gen: v7x
topology: tpu7x:2x2x1
jax: 0.10.2.dev20260603
libtpu: 0.0.44.dev20260713+nightly
codegen_flags: <defaults>
</compile_context>

<pallas_src>
import functools

import jax
import jax.numpy as jnp
from jax import lax
from jax.experimental import pallas as pl
from jax.experimental.pallas import tpu as pltpu
from jax.experimental.pallas import tpu_sc as plsc

N = 10000
D = 128
DH = D // 2
NNZ = 320000
NC, NS, L = 2, 16, 16
GSZ = 128
G = 160
NNZ_PAD = NS * G * GSZ
NP = 10240
ROWS_PER_TILE = NP // NS
GD = 80
NBUF = 2
NCHUNK = 2
GC = G // NCHUNK


def _sc_mesh():
    return plsc.VectorSubcoreMesh(core_axis_name="c", subcore_axis_name="s")


def _degrees(v_blk, e_blk):
    @functools.partial(
        pl.kernel,
        out_type=(
            jax.ShapeDtypeStruct((NC, NS, ROWS_PER_TILE), jnp.float32),
            jax.ShapeDtypeStruct((NC, NS, ROWS_PER_TILE), jnp.float32),
        ),
        mesh=_sc_mesh(),
        scratch_types=[
            pltpu.VMEM((GD, GSZ), jnp.int32),
            pltpu.VMEM((GD, GSZ), jnp.int32),
            pltpu.VMEM((GSZ,), jnp.float32),
            pltpu.VMEM((ROWS_PER_TILE,), jnp.float32),
            pltpu.VMEM_SHARED((NP,), jnp.float32),
            pltpu.VMEM_SHARED((NP,), jnp.float32),
        ],
    )
    def k(v_hbm, e_hbm, degv_hbm, dege_hbm, idx_v, idx_e, ones, zbuf,
          accv, acce):
        c = lax.axis_index("c")
        s = lax.axis_index("s")
        wid = s * NC + c

        def fill(i, _):
            ones[pl.ds(i * L, L)] = jnp.ones((L,), jnp.float32)
            return 0

        lax.fori_loop(0, GSZ // L, fill, 0)

        def zfill(i, _):
            zbuf[pl.ds(i * L, L)] = jnp.zeros((L,), jnp.float32)
            return 0

        lax.fori_loop(0, ROWS_PER_TILE // L, zfill, 0)

        base = s * ROWS_PER_TILE
        pltpu.sync_copy(zbuf, accv.at[pl.ds(base, ROWS_PER_TILE)])
        pltpu.sync_copy(zbuf, acce.at[pl.ds(base, ROWS_PER_TILE)])
        pltpu.sync_copy(v_hbm.at[wid], idx_v)
        pltpu.sync_copy(e_hbm.at[wid], idx_e)
        plsc.subcore_barrier()

        def body(g, _):
            pltpu.sync_copy(ones, accv.at[idx_v.at[g]], add=True)
            pltpu.sync_copy(ones, acce.at[idx_e.at[g]], add=True)
            return 0

        lax.fori_loop(0, GD, body, 0)
        plsc.subcore_barrier()

        pltpu.sync_copy(accv.at[pl.ds(base, ROWS_PER_TILE)], degv_hbm.at[c, s])
        pltpu.sync_copy(acce.at[pl.ds(base, ROWS_PER_TILE)], dege_hbm.at[c, s])

    return k(v_blk, e_blk)


def _fused_smooth(y_col, ide, isdv, v_blk, e_blk):
    @functools.partial(
        pl.kernel,
        out_type=jax.ShapeDtypeStruct((NP, D), jnp.float32),
        mesh=_sc_mesh(),
        compiler_params=pltpu.CompilerParams(use_tc_tiling_on_sc=False),
        scratch_types=[
            pltpu.VMEM((GC, GSZ), jnp.int32),
            pltpu.VMEM((GC, GSZ), jnp.int32),
            [pltpu.VMEM((GSZ, DH), jnp.float32) for _ in range(NBUF)],
            pltpu.VMEM((ROWS_PER_TILE + L,), jnp.float32),
            pltpu.VMEM((ROWS_PER_TILE + L,), jnp.float32),
            pltpu.VMEM_SHARED((NP, DH), jnp.float32),
            pltpu.VMEM_SHARED((NP, DH), jnp.float32),
            [pltpu.SemaphoreType.DMA for _ in range(NBUF)],
            [pltpu.SemaphoreType.DMA for _ in range(NBUF)],
        ],
    )
    def k(y_hbm, ide_hbm, isdv_hbm, v_hbm, e_hbm, out_hbm, idx_g, idx_s,
          bufs, ide_v, isdv_v, tabA, tabB, gsem, ssem):
        c = lax.axis_index("c")
        s = lax.axis_index("s")
        base = s * ROWS_PER_TILE

        def zero_buf(buf):
            def zrow(i, _):
                r = i // (DH // L)
                col = (i % (DH // L)) * L
                buf[r, pl.ds(col, L)] = jnp.zeros((L,), jnp.float32)
                return 0

            lax.fori_loop(0, GSZ * (DH // L), zrow, 0)

        def zero_slice(tab, buf):
            for z in range(ROWS_PER_TILE // GSZ):
                pltpu.sync_copy(buf, tab.at[pl.ds(base + z * GSZ, GSZ)])

        def run_phase(tab_src, tab_dst, g_hbm, s_hbm):
            for h in range(NCHUNK):
                pltpu.sync_copy(g_hbm.at[s, pl.ds(h * GC, GC)], idx_g)
                pltpu.sync_copy(s_hbm.at[s, pl.ds(h * GC, GC)], idx_s)

                for b in range(NBUF):
                    pltpu.async_copy(
                        tab_src.at[idx_g.at[b]], bufs[b], gsem[b])

                def body(i, _):
                    for b in range(NBUF):
                        g = NBUF * i + b
                        pltpu.make_async_copy(
                            tab_src.at[idx_g.at[g]], bufs[b], gsem[b]).wait()
                        pltpu.async_copy(
                            bufs[b], tab_dst.at[idx_s.at[g]], ssem[b],
                            add=True)

                    @pl.when(i + 1 < GC // NBUF)
                    def _():
                        for b in range(NBUF):
                            g = NBUF * (i + 1) + b
                            pltpu.make_async_copy(
                                bufs[b], tab_dst.at[idx_s.at[g - NBUF]],
                                ssem[b]).wait()
                            pltpu.async_copy(
                                tab_src.at[idx_g.at[g]], bufs[b], gsem[b])

                    return 0

                lax.fori_loop(0, GC // NBUF, body, 0)
                for b in range(NBUF):
                    pltpu.make_async_copy(
                        bufs[b], tab_dst.at[idx_s.at[GC - NBUF + b]],
                        ssem[b]).wait()

        pltpu.sync_copy(y_hbm.at[c, pl.ds(base, ROWS_PER_TILE)],
                        tabA.at[pl.ds(base, ROWS_PER_TILE)])
        pltpu.sync_copy(ide_hbm.at[pl.ds(base, ROWS_PER_TILE)],
                        ide_v.at[pl.ds(0, ROWS_PER_TILE)])
        pltpu.sync_copy(isdv_hbm.at[pl.ds(base, ROWS_PER_TILE)],
                        isdv_v.at[pl.ds(0, ROWS_PER_TILE)])
        zero_buf(bufs[0])
        zero_slice(tabB, bufs[0])
        plsc.subcore_barrier()

        run_phase(tabA, tabB, v_hbm, e_hbm)
        plsc.subcore_barrier()

        for z in range(ROWS_PER_TILE // GSZ):
            pltpu.sync_copy(tabB.at[pl.ds(base + z * GSZ, GSZ)], bufs[0])

            def scale_row(r, _):
                v = ide_v[pl.ds(z * GSZ + r, L)]
                f = jnp.full((L,), v[0], jnp.float32)
                for col in range(DH // L):
                    sl = pl.ds(col * L, L)
                    bufs[0][r, sl] = bufs[0][r, sl] * f
                return 0

            lax.fori_loop(0, GSZ, scale_row, 0)
            pltpu.sync_copy(bufs[0], tabB.at[pl.ds(base + z * GSZ, GSZ)])

        zero_buf(bufs[0])
        zero_slice(tabA, bufs[0])
        plsc.subcore_barrier()

        run_phase(tabB, tabA, e_hbm, v_hbm)
        plsc.subcore_barrier()

        for z in range(ROWS_PER_TILE // GSZ):
            pltpu.sync_copy(tabA.at[pl.ds(base + z * GSZ, GSZ)], bufs[0])

            def out_row(r, _):
                v = isdv_v[pl.ds(z * GSZ + r, L)]
                f = jnp.full((L,), v[0], jnp.float32)
                zero = jnp.zeros((L,), jnp.float32)
                for col in range(DH // L):
                    sl = pl.ds(col * L, L)
                    bufs[0][r, sl] = jnp.maximum(bufs[0][r, sl] * f, zero)
                return 0

            lax.fori_loop(0, GSZ, out_row, 0)
            pltpu.sync_copy(
                bufs[0],
                out_hbm.at[pl.ds(base + z * GSZ, GSZ), pl.ds(c * DH, DH)])

    return k(y_col, ide, isdv, v_blk, e_blk)


_BROWS = 1280


def _proj_kernel(x_ref, w_ref, b_ref, dv_ref, de_ref, y_ref, isdv_ref,
                 ide_ref):
    dv = dv_ref[0] + dv_ref[1]
    de = de_ref[0] + de_ref[1]
    isdv = jnp.where(dv > 0, lax.rsqrt(dv), 0.0)
    isdv_ref[...] = isdv
    ide_ref[...] = jnp.where(de > 0, 1.0 / de, 0.0)
    y = jnp.dot(x_ref[...], w_ref[...].T, preferred_element_type=jnp.float32)
    y = (y + b_ref[...]) * isdv
    y_ref[0] = y[:, :DH]
    y_ref[1] = y[:, DH:]


def _project(x_pad, w, b, degv, dege):
    return pl.pallas_call(
        _proj_kernel,
        grid=(NP // _BROWS,),
        in_specs=[
            pl.BlockSpec((_BROWS, D), lambda i: (i, 0)),
            pl.BlockSpec((D, D), lambda i: (0, 0)),
            pl.BlockSpec((1, D), lambda i: (0, 0)),
            pl.BlockSpec((2, _BROWS, 1), lambda i: (0, i, 0)),
            pl.BlockSpec((2, _BROWS, 1), lambda i: (0, i, 0)),
        ],
        out_specs=[
            pl.BlockSpec((2, _BROWS, DH), lambda i: (0, i, 0)),
            pl.BlockSpec((_BROWS, 1), lambda i: (i, 0)),
            pl.BlockSpec((_BROWS, 1), lambda i: (i, 0)),
        ],
        out_shape=[
            jax.ShapeDtypeStruct((NC, NP, DH), jnp.float32),
            jax.ShapeDtypeStruct((NP, 1), jnp.float32),
            jax.ShapeDtypeStruct((NP, 1), jnp.float32),
        ],
    )(x_pad, w, b, degv, dege)


def kernel(X, v_idx, e_idx, W, b):
    pad = jnp.full((NNZ_PAD - NNZ,), N, dtype=jnp.int32)
    v_blk = jnp.concatenate([v_idx, pad]).reshape(NS, G, GSZ)
    e_blk = jnp.concatenate([e_idx, pad]).reshape(NS, G, GSZ)
    v32 = v_blk.reshape(NC * NS, GD, GSZ)
    e32 = e_blk.reshape(NC * NS, GD, GSZ)
    x_pad = jnp.concatenate(
        [X, jnp.zeros((NP - N, D), dtype=jnp.float32)], axis=0)

    degv, dege = _degrees(v32, e32)
    degv = degv.reshape(NC, NP, 1)
    dege = dege.reshape(NC, NP, 1)
    y, isdv, ide = _project(x_pad, W, b.reshape(1, D), degv, dege)

    out = _fused_smooth(y, ide.reshape(NP), isdv.reshape(NP), v_blk, e_blk)
    return out[:N]

# --- scband reference (transcript-rebuilt; emitter-appended) ---
"""Pipeline reference for scband-hgnnconv-78048145703099 (READ-ONLY COPY).

The authoritative reference and input builder live on the scoring server;
editing this copy changes nothing except your own understanding.
"""

import jax, jax.numpy as jnp
import numpy as np

N_NODES = 10000
N_HEDGES = 10000
NNZ = 320000
D_IN = 128
D_OUT = 128


def setup_inputs(seed: int = 0) -> dict:
    key = jax.random.key(seed)
    k1, k2, k3, k4 = jax.random.split(key, 4)
    X = jax.random.normal(k1, (N_NODES, D_IN), dtype=jnp.float32)
    # Hypergraph incidence structure: (vertex, hyperedge) pairs
    v_idx = jax.random.randint(k2, (NNZ,), 0, N_NODES, dtype=jnp.int32)
    e_idx = jax.random.randint(k3, (NNZ,), 0, N_HEDGES, dtype=jnp.int32)
    # theta: Linear(in_channels, out_channels) with kaiming_normal_ init
    W = jax.random.normal(k4, (D_OUT, D_IN), dtype=jnp.float32) * np.sqrt(2.0 / D_IN)
    b = jnp.zeros((D_OUT,), dtype=jnp.float32)
    return {"X": X, "v_idx": v_idx, "e_idx": e_idx, "W": W, "b": b}


def reference(X, v_idx, e_idx, W, b):
    # X = self.theta(X)
    Xt = X @ W.T + b
    # hg.smoothing_with_HGNN(X): D_v^{-1/2} H W_e D_e^{-1} H^T D_v^{-1/2} X
    ones = jnp.ones((v_idx.shape[0],), dtype=Xt.dtype)
    deg_v = jax.ops.segment_sum(ones, v_idx, num_segments=N_NODES)
    deg_e = jax.ops.segment_sum(ones, e_idx, num_segments=N_HEDGES)
    inv_sqrt_dv = jnp.where(deg_v > 0, 1.0 / jnp.sqrt(deg_v), 0.0)
    inv_de = jnp.where(deg_e > 0, 1.0 / deg_e, 0.0)
    # D_v^{-1/2} X
    Y = Xt * inv_sqrt_dv[:, None]
    # H^T (gather vertices into incidences, scatter-add to hyperedges)
    msg = Y[v_idx]
    edge_feat = jax.ops.segment_sum(msg, e_idx, num_segments=N_HEDGES)
    # W_e = I, D_e^{-1}
    edge_feat = edge_feat * inv_de[:, None]
    # H (gather hyperedges into incidences, scatter-add to vertices)
    msg2 = edge_feat[e_idx]
    out = jax.ops.segment_sum(msg2, v_idx, num_segments=N_NODES)
    # D_v^{-1/2}
    out = out * inv_sqrt_dv[:, None]
    # not is_last: X = self.act2(X) (ReLU); bn is None; dropout p=0.0 (identity in eval)
    return jax.nn.relu(out)

if __name__ == "__main__":
    import jax
    _d = setup_inputs()
    print(jax.jit(kernel)(*tuple(_d.values())))

</pallas_src>

<mosaic_0001>
#map = affine_map<(d0, d1) -> (0, 0, 0)>
#map1 = affine_map<(d0, d1) -> (0)>
#map2 = affine_map<(d0, d1) -> (0, 0)>
module attributes {stable_mosaic.version = 14 : i64} {
  func.func @k(%arg0: i32, %arg1: i32, %arg2: memref<2x10240x64xf32, #tpu.memory_space<hbm>>, %arg3: memref<10240xf32, #tpu.memory_space<hbm>>, %arg4: memref<10240xf32, #tpu.memory_space<hbm>>, %arg5: memref<16x160x128xi32, #tpu.memory_space<hbm>>, %arg6: memref<16x160x128xi32, #tpu.memory_space<hbm>>, %arg7: memref<10240x128xf32, #tpu.memory_space<hbm>>, %arg8: memref<80x128xi32, #tpu.memory_space<vmem>>, %arg9: memref<80x128xi32, #tpu.memory_space<vmem>>, %arg10: memref<128x64xf32, #tpu.memory_space<vmem>>, %arg11: memref<128x64xf32, #tpu.memory_space<vmem>>, %arg12: memref<656xf32, #tpu.memory_space<vmem>>, %arg13: memref<656xf32, #tpu.memory_space<vmem>>, %arg14: memref<10240x64xf32, #tpu.memory_space<vmem_shared>>, %arg15: memref<10240x64xf32, #tpu.memory_space<vmem_shared>>, %arg16: memref<!tpu.dma_semaphore, #tpu.memory_space<semaphore_mem>>, %arg17: memref<!tpu.dma_semaphore, #tpu.memory_space<semaphore_mem>>, %arg18: memref<!tpu.dma_semaphore, #tpu.memory_space<semaphore_mem>>, %arg19: memref<!tpu.dma_semaphore, #tpu.memory_space<semaphore_mem>>) attributes {dimension_semantics = [#tpu.dimension_semantics<core_parallel>, #tpu.dimension_semantics<subcore_parallel>], iteration_bounds = array<i64: 2, 16>, scalar_prefetch = 0 : i64, scratch_operands = 12 : i64, tpu.core_type = #tpu.core_type<sc_vector_subcore>, window_params = [{transform_indices = #map}, {transform_indices = #map1}, {transform_indices = #map1}, {transform_indices = #map}, {transform_indices = #map}, {transform_indices = #map2}]} {
    %mul3A = arith.constant 640 : i32
    %mul3A_0 = arith.muli %arg1, %mul3A : i32
    "tpu.region"() ({
      %run_scoped3A = tpu.sem_alloc : memref<!tpu.dma_semaphore, #tpu.memory_space<semaphore_mem>>
      %dma_start3A_294 = arith.constant 0 : i32
      %dma_start3A_295 = tpu.memref_slice %arg14[%mul3A_0, %dma_start3A_294] : memref<10240x64xf32, #tpu.memory_space<vmem_shared>> -> memref<640x64xf32, #tpu.memory_space<vmem_shared>>
      %dma_start3A_296 = arith.constant 0 : i32
      %dma_start3A_297 = tpu.memref_slice %arg2[%arg0, %mul3A_0, %dma_start3A_296] : memref<2x10240x64xf32, #tpu.memory_space<hbm>> -> memref<1x640x64xf32, #tpu.memory_space<hbm>>
      %dma_start3A_298 = tpu.memref_squeeze %dma_start3A_297 : memref<1x640x64xf32, #tpu.memory_space<hbm>> -> memref<640x64xf32, #tpu.memory_space<hbm>>
      tpu.enqueue_dma source(%dma_start3A_298 : memref<640x64xf32, #tpu.memory_space<hbm>>) target(%dma_start3A_295 : memref<640x64xf32, #tpu.memory_space<vmem_shared>>) target_semaphore(%run_scoped3A : memref<!tpu.dma_semaphore, #tpu.memory_space<semaphore_mem>>)
      %dma_wait3A_299 = arith.constant 0 : i32
      %dma_wait3A_300 = tpu.memref_slice %arg14[%mul3A_0, %dma_wait3A_299] : memref<10240x64xf32, #tpu.memory_space<vmem_shared>> -> memref<640x64xf32, #tpu.memory_space<vmem_shared>>
      %dma_wait3A_301 = arith.constant 0 : i32
      %dma_wait3A_302 = tpu.memref_slice %arg2[%arg0, %mul3A_0, %dma_wait3A_301] : memref<2x10240x64xf32, #tpu.memory_space<hbm>> -> memref<1x640x64xf32, #tpu.memory_space<hbm>>
      %dma_wait3A_303 = tpu.memref_squeeze %dma_wait3A_302 : memref<1x640x64xf32, #tpu.memory_space<hbm>> -> memref<640x64xf32, #tpu.memory_space<hbm>>
      tpu.wait_dma2 semaphore(%run_scoped3A : memref<!tpu.dma_semaphore, #tpu.memory_space<semaphore_mem>>) src(%dma_wait3A_303 : memref<640x64xf32, #tpu.memory_space<hbm>>) dst(%dma_wait3A_300 : memref<640x64xf32, #tpu.memory_space<vmem_shared>>)
      tpu.yield
    }) : () -> ()
    "tpu.region"() ({
      %run_scoped3A = tpu.sem_alloc : memref<!tpu.dma_semaphore, #tpu.memory_space<semaphore_mem>>
      %dma_start3A_294 = arith.constant 0 : i32
      %dma_start3A_295 = tpu.memref_slice %arg12[%dma_start3A_294] : memref<656xf32, #tpu.memory_space<vmem>> -> memref<640xf32, #tpu.memory_space<vmem>>
      %dma_start3A_296 = tpu.memref_slice %arg3[%mul3A_0] : memref<10240xf32, #tpu.memory_space<hbm>> -> memref<640xf32, #tpu.memory_space<hbm>>
      %dma_start3A_297 = arith.constant 0 : i32
      %dma_start3A_298 = tpu.memref_slice %arg12[%dma_start3A_297] : memref<656xf32, #tpu.memory_space<vmem>> -> memref<640xf32, #tpu.memory_space<vmem>>
      %dma_start3A_299 = tpu.memref_slice %arg3[%mul3A_0] : memref<10240xf32, #tpu.memory_space<hbm>> -> memref<640xf32, #tpu.memory_space<hbm>>
      tpu.enqueue_dma source(%dma_start3A_299 : memref<640xf32, #tpu.memory_space<hbm>>) target(%dma_start3A_298 : memref<640xf32, #tpu.memory_space<vmem>>) target_semaphore(%run_scoped3A : memref<!tpu.dma_semaphore, #tpu.memory_space<semaphore_mem>>)
      %dma_wait3A_300 = arith.constant 0 : i32
      %dma_wait3A_301 = tpu.memref_slice %arg12[%dma_wait3A_300] : memref<656xf32, #tpu.memory_space<vmem>> -> memref<640xf32, #tpu.memory_space<vmem>>
      %dma_wait3A_302 = tpu.memref_slice %arg3[%mul3A_0] : memref<10240xf32, #tpu.memory_space<hbm>> -> memref<640xf32, #tpu.memory_space<hbm>>
      %dma_wait3A_303 = arith.constant 0 : i32
      %dma_wait3A_304 = tpu.memref_slice %arg12[%dma_wait3A_303] : memref<656xf32, #tpu.memory_space<vmem>> -> memref<640xf32, #tpu.memory_space<vmem>>
      %dma_wait3A_305 = tpu.memref_slice %arg3[%mul3A_0] : memref<10240xf32, #tpu.memory_space<hbm>> -> memref<640xf32, #tpu.memory_space<hbm>>
      tpu.wait_dma2 semaphore(%run_scoped3A : memref<!tpu.dma_semaphore, #tpu.memory_space<semaphore_mem>>) src(%dma_wait3A_305 : memref<640xf32, #tpu.memory_space<hbm>>) dst(%dma_wait3A_304 : memref<640xf32, #tpu.memory_space<vmem>>)
      tpu.yield
    }) : () -> ()
    "tpu.region"() ({
      %run_scoped3A = tpu.sem_alloc : memref<!tpu.dma_semaphore, #tpu.memory_space<semaphore_mem>>
      %dma_start3A_294 = arith.constant 0 : i32
      %dma_start3A_295 = tpu.memref_slice %arg13[%dma_start3A_294] : memref<656xf32, #tpu.memory_space<vmem>> -> memref<640xf32, #tpu.memory_space<vmem>>
      %dma_start3A_296 = tpu.memref_slice %arg4[%mul3A_0] : memref<10240xf32, #tpu.memory_space<hbm>> -> memref<640xf32, #tpu.memory_space<hbm>>
      %dma_start3A_297 = arith.constant 0 : i32
      %dma_start3A_298 = tpu.memref_slice %arg13[%dma_start3A_297] : memref<656xf32, #tpu.memory_space<vmem>> -> memref<640xf32, #tpu.memory_space<vmem>>
      %dma_start3A_299 = tpu.memref_slice %arg4[%mul3A_0] : memref<10240xf32, #tpu.memory_space<hbm>> -> memref<640xf32, #tpu.memory_space<hbm>>
      tpu.enqueue_dma source(%dma_start3A_299 : memref<640xf32, #tpu.memory_space<hbm>>) target(%dma_start3A_298 : memref<640xf32, #tpu.memory_space<vmem>>) target_semaphore(%run_scoped3A : memref<!tpu.dma_semaphore, #tpu.memory_space<semaphore_mem>>)
      %dma_wait3A_300 = arith.constant 0 : i32
      %dma_wait3A_301 = tpu.memref_slice %arg13[%dma_wait3A_300] : memref<656xf32, #tpu.memory_space<vmem>> -> memref<640xf32, #tpu.memory_space<vmem>>
      %dma_wait3A_302 = tpu.memref_slice %arg4[%mul3A_0] : memref<10240xf32, #tpu.memory_space<hbm>> -> memref<640xf32, #tpu.memory_space<hbm>>
      %dma_wait3A_303 = arith.constant 0 : i32
      %dma_wait3A_304 = tpu.memref_slice %arg13[%dma_wait3A_303] : memref<656xf32, #tpu.memory_space<vmem>> -> memref<640xf32, #tpu.memory_space<vmem>>
      %dma_wait3A_305 = tpu.memref_slice %arg4[%mul3A_0] : memref<10240xf32, #tpu.memory_space<hbm>> -> memref<640xf32, #tpu.memory_space<hbm>>
      tpu.wait_dma2 semaphore(%run_scoped3A : memref<!tpu.dma_semaphore, #tpu.memory_space<semaphore_mem>>) src(%dma_wait3A_305 : memref<640xf32, #tpu.memory_space<hbm>>) dst(%dma_wait3A_304 : memref<640xf32, #tpu.memory_space<vmem>>)
      tpu.yield
    }) : () -> ()
    %scan3A = arith.constant 0 : i32
    %scan3A_1 = arith.constant 0 : i32
    %scan3A_2 = arith.constant 512 : i32
    %scan3A_3 = arith.addi %scan3A_1, %scan3A_2 : i32
    %scan3A_4 = arith.constant 1 : i32
    %scan3A_5 = scf.for %scan3A_294 = %scan3A_1 to %scan3A_3 step %scan3A_4 iter_args(%scan3A_295 = %scan3A) -> (i32)  : i32 {
      %jit3A = arith.constant 4 : i32
      %div3A = arith.divsi %scan3A_294, %jit3A : i32
      %sign3A = arith.constant 0 : i32
      %sign3A_296 = arith.cmpi sgt, %scan3A_294, %sign3A : i32
      %sign3A_297 = arith.extui %sign3A_296 : i1 to i32
      %sign3A_298 = arith.constant 0 : i32
      %sign3A_299 = arith.cmpi slt, %scan3A_294, %sign3A_298 : i32
      %sign3A_300 = arith.extui %sign3A_299 : i1 to i32
      %sign3A_301 = arith.subi %sign3A_297, %sign3A_300 : i32
      %sign3A_302 = arith.constant 0 : i32
      %sign3A_303 = arith.cmpi sgt, %jit3A, %sign3A_302 : i32
      %sign3A_304 = arith.extui %sign3A_303 : i1 to i32
      %sign3A_305 = arith.constant 0 : i32
      %sign3A_306 = arith.cmpi slt, %jit3A, %sign3A_305 : i32
      %sign3A_307 = arith.extui %sign3A_306 : i1 to i32
      %sign3A_308 = arith.subi %sign3A_304, %sign3A_307 : i32
      %ne3A = arith.cmpi ne, %sign3A_301, %sign3A_308 : i32
      %rem3A = arith.remsi %scan3A_294, %jit3A : i32
      %ne3A_309 = arith.constant 0 : i32
      %ne3A_310 = arith.cmpi ne, %rem3A, %ne3A_309 : i32
      %and3A = arith.andi %ne3A, %ne3A_310 : i1
      %sub3A = arith.constant 1 : i32
      %sub3A_311 = arith.subi %div3A, %sub3A : i32
      %select_n3A = arith.select %and3A, %sub3A_311, %div3A : i32
      %jit3A_312 = arith.constant 4 : i32
      %eq3A = arith.constant 0 : i32
      %eq3A_313 = arith.cmpi eq, %jit3A_312, %eq3A : i32
      %jit3A_314 = arith.constant 1 : i32
      %select_n3A_315 = arith.select %eq3A_313, %jit3A_314, %jit3A_312 : i32
      %rem3A_316 = arith.remsi %scan3A_294, %select_n3A_315 : i32
      %ne3A_317 = arith.constant 0 : i32
      %ne3A_318 = arith.cmpi ne, %rem3A_316, %ne3A_317 : i32
      %lt3A = arith.constant 0 : i32
      %lt3A_319 = arith.cmpi slt, %rem3A_316, %lt3A : i32
      %lt3A_320 = arith.constant 0 : i32
      %lt3A_321 = arith.cmpi slt, %select_n3A_315, %lt3A_320 : i32
      %ne3A_322 = arith.xori %lt3A_319, %lt3A_321 : i1
      %and3A_323 = arith.andi %ne3A_322, %ne3A_318 : i1
      %add3A_324 = arith.addi %rem3A_316, %select_n3A_315 : i32
      %select_n3A_325 = arith.select %and3A_323, %add3A_324, %rem3A_316 : i32
      %mul3A_326 = arith.constant 16 : i32
      %mul3A_327 = arith.muli %select_n3A_325, %mul3A_326 : i32
      %broadcast_in_dim3A = arith.constant 0.000000e+00 : f32
      %broadcast_in_dim3A_328 = vector.broadcast %broadcast_in_dim3A : f32 to vector<16xf32>
      %swap3A = arith.index_cast %select_n3A : i32 to index
      %swap3A_329 = arith.index_cast %mul3A_327 : i32 to index
      %swap3A_330 = tpu.vector_load %arg10[%swap3A, %swap3A_329] {strides = array<i32>} : memref<128x64xf32, #tpu.memory_space<vmem>>, vector<1x16xf32>,
      %swap3A_331 = vector.shape_cast %swap3A_330 : vector<1x16xf32> to vector<16xf32>
      %swap3A_332 = vector.shape_cast %broadcast_in_dim3A_328 : vector<16xf32> to vector<1x16xf32>
      tpu.vector_store %arg10[%swap3A, %swap3A_329], %swap3A_332 {strides = array<i32>} : memref<128x64xf32, #tpu.memory_space<vmem>>, vector<1x16xf32>,
      %scan3A_333 = arith.constant 0 : i32
      scf.yield %scan3A_333 : i32
    }
    %scan3A_6 = arith.constant 512 : i32
    %add3A = arith.constant 0 : i32
    %add3A_7 = arith.addi %mul3A_0, %add3A : i32
    "tpu.region"() ({
      %run_scoped3A = tpu.sem_alloc : memref<!tpu.dma_semaphore, #tpu.memory_space<semaphore_mem>>
      %dma_start3A_294 = arith.constant 0 : i32
      %dma_start3A_295 = tpu.memref_slice %arg15[%add3A_7, %dma_start3A_294] : memref<10240x64xf32, #tpu.memory_space<vmem_shared>> -> memref<128x64xf32, #tpu.memory_space<vmem_shared>>
      %dma_start3A_296 = arith.constant 0 : i32
      %dma_start3A_297 = tpu.memref_slice %arg15[%add3A_7, %dma_start3A_296] : memref<10240x64xf32, #tpu.memory_space<vmem_shared>> -> memref<128x64xf32, #tpu.memory_space<vmem_shared>>
      tpu.enqueue_dma source(%arg10 : memref<128x64xf32, #tpu.memory_space<vmem>>) target(%dma_start3A_297 : memref<128x64xf32, #tpu.memory_space<vmem_shared>>) target_semaphore(%run_scoped3A : memref<!tpu.dma_semaphore, #tpu.memory_space<semaphore_mem>>)
      %dma_wait3A_298 = arith.constant 0 : i32
      %dma_wait3A_299 = tpu.memref_slice %arg15[%add3A_7, %dma_wait3A_298] : memref<10240x64xf32, #tpu.memory_space<vmem_shared>> -> memref<128x64xf32, #tpu.memory_space<vmem_shared>>
      %dma_wait3A_300 = arith.constant 0 : i32
      %dma_wait3A_301 = tpu.memref_slice %arg15[%add3A_7, %dma_wait3A_300] : memref<10240x64xf32, #tpu.memory_space<vmem_shared>> -> memref<128x64xf32, #tpu.memory_space<vmem_shared>>
      tpu.wait_dma2 semaphore(%run_scoped3A : memref<!tpu.dma_semaphore, #tpu.memory_space<semaphore_mem>>) src(%arg10 : memref<128x64xf32, #tpu.memory_space<vmem>>) dst(%dma_wait3A_301 : memref<128x64xf32, #tpu.memory_space<vmem_shared>>)
      tpu.yield
    }) : () -> ()
    %add3A_8 = arith.constant 128 : i32
    %add3A_9 = arith.addi %mul3A_0, %add3A_8 : i32
    "tpu.region"() ({
      %run_scoped3A = tpu.sem_alloc : memref<!tpu.dma_semaphore, #tpu.memory_space<semaphore_mem>>
      %dma_start3A_294 = arith.constant 0 : i32
      %dma_start3A_295 = tpu.memref_slice %arg15[%add3A_9, %dma_start3A_294] : memref<10240x64xf32, #tpu.memory_space<vmem_shared>> -> memref<128x64xf32, #tpu.memory_space<vmem_shared>>
      %dma_start3A_296 = arith.constant 0 : i32
      %dma_start3A_297 = tpu.memref_slice %arg15[%add3A_9, %dma_start3A_296] : memref<10240x64xf32, #tpu.memory_space<vmem_shared>> -> memref<128x64xf32, #tpu.memory_space<vmem_shared>>
      tpu.enqueue_dma source(%arg10 : memref<128x64xf32, #tpu.memory_space<vmem>>) target(%dma_start3A_297 : memref<128x64xf32, #tpu.memory_space<vmem_shared>>) target_semaphore(%run_scoped3A : memref<!tpu.dma_semaphore, #tpu.memory_space<semaphore_mem>>)
      %dma_wait3A_298 = arith.constant 0 : i32
      %dma_wait3A_299 = tpu.memref_slice %arg15[%add3A_9, %dma_wait3A_298] : memref<10240x64xf32, #tpu.memory_space<vmem_shared>> -> memref<128x64xf32, #tpu.memory_space<vmem_shared>>
      %dma_wait3A_300 = arith.constant 0 : i32
      %dma_wait3A_301 = tpu.memref_slice %arg15[%add3A_9, %dma_wait3A_300] : memref<10240x64xf32, #tpu.memory_space<vmem_shared>> -> memref<128x64xf32, #tpu.memory_space<vmem_shared>>
      tpu.wait_dma2 semaphore(%run_scoped3A : memref<!tpu.dma_semaphore, #tpu.memory_space<semaphore_mem>>) src(%arg10 : memref<128x64xf32, #tpu.memory_space<vmem>>) dst(%dma_wait3A_301 : memref<128x64xf32, #tpu.memory_space<vmem_shared>>)
      tpu.yield
    }) : () -> ()
    %add3A_10 = arith.constant 256 : i32
    %add3A_11 = arith.addi %mul3A_0, %add3A_10 : i32
    "tpu.region"() ({
      %run_scoped3A = tpu.sem_alloc : memref<!tpu.dma_semaphore, #tpu.memory_space<semaphore_mem>>
      %dma_start3A_294 = arith.constant 0 : i32
      %dma_start3A_295 = tpu.memref_slice %arg15[%add3A_11, %dma_start3A_294] : memref<10240x64xf32, #tpu.memory_space<vmem_shared>> -> memref<128x64xf32, #tpu.memory_space<vmem_shared>>
      %dma_start3A_296 = arith.constant 0 : i32
      %dma_start3A_297 = tpu.memref_slice %arg15[%add3A_11, %dma_start3A_296] : memref<10240x64xf32, #tpu.memory_space<vmem_shared>> -> memref<128x64xf32, #tpu.memory_space<vmem_shared>>
      tpu.enqueue_dma source(%arg10 : memref<128x64xf32, #tpu.memory_space<vmem>>) target(%dma_start3A_297 : memref<128x64xf32, #tpu.memory_space<vmem_shared>>) target_semaphore(%run_scoped3A : memref<!tpu.dma_semaphore, #tpu.memory_space<semaphore_mem>>)
      %dma_wait3A_298 = arith.constant 0 : i32
      %dma_wait3A_299 = tpu.memref_slice %arg15[%add3A_11, %dma_wait3A_298] : memref<10240x64xf32, #tpu.memory_space<vmem_shared>> -> memref<128x64xf32, #tpu.memory_space<vmem_shared>>
      %dma_wait3A_300 = arith.constant 0 : i32
      %dma_wait3A_301 = tpu.memref_slice %arg15[%add3A_11, %dma_wait3A_300] : memref<10240x64xf32, #tpu.memory_space<vmem_shared>> -> memref<128x64xf32, #tpu.memory_space<vmem_shared>>
      tpu.wait_dma2 semaphore(%run_scoped3A : memref<!tpu.dma_semaphore, #tpu.memory_space<semaphore_mem>>) src(%arg10 : memref<128x64xf32, #tpu.memory_space<vmem>>) dst(%dma_wait3A_301 : memref<128x64xf32, #tpu.memory_space<vmem_shared>>)
      tpu.yield
    }) : () -> ()
    %add3A_12 = arith.constant 384 : i32
    %add3A_13 = arith.addi %mul3A_0, %add3A_12 : i32
    "tpu.region"() ({
      %run_scoped3A = tpu.sem_alloc : memref<!tpu.dma_semaphore, #tpu.memory_space<semaphore_mem>>
      %dma_start3A_294 = arith.constant 0 : i32
      %dma_start3A_295 = tpu.memref_slice %arg15[%add3A_13, %dma_start3A_294] : memref<10240x64xf32, #tpu.memory_space<vmem_shared>> -> memref<128x64xf32, #tpu.memory_space<vmem_shared>>
      %dma_start3A_296 = arith.constant 0 : i32
      %dma_start3A_297 = tpu.memref_slice %arg15[%add3A_13, %dma_start3A_296] : memref<10240x64xf32, #tpu.memory_space<vmem_shared>> -> memref<128x64xf32, #tpu.memory_space<vmem_shared>>
      tpu.enqueue_dma source(%arg10 : memref<128x64xf32, #tpu.memory_space<vmem>>) target(%dma_start3A_297 : memref<128x64xf32, #tpu.memory_space<vmem_shared>>) target_semaphore(%run_scoped3A : memref<!tpu.dma_semaphore, #tpu.memory_space<semaphore_mem>>)
      %dma_wait3A_298 = arith.constant 0 : i32
      %dma_wait3A_299 = tpu.memref_slice %arg15[%add3A_13, %dma_wait3A_298] : memref<10240x64xf32, #tpu.memory_space<vmem_shared>> -> memref<128x64xf32, #tpu.memory_space<vmem_shared>>
      %dma_wait3A_300 = arith.constant 0 : i32
      %dma_wait3A_301 = tpu.memref_slice %arg15[%add3A_13, %dma_wait3A_300] : memref<10240x64xf32, #tpu.memory_space<vmem_shared>> -> memref<128x64xf32, #tpu.memory_space<vmem_shared>>
      tpu.wait_dma2 semaphore(%run_scoped3A : memref<!tpu.dma_semaphore, #tpu.memory_space<semaphore_mem>>) src(%arg10 : memref<128x64xf32, #tpu.memory_space<vmem>>) dst(%dma_wait3A_301 : memref<128x64xf32, #tpu.memory_space<vmem_shared>>)
      tpu.yield
    }) : () -> ()
    %add3A_14 = arith.constant 512 : i32
    %add3A_15 = arith.addi %mul3A_0, %add3A_14 : i32
    "tpu.region"() ({
      %run_scoped3A = tpu.sem_alloc : memref<!tpu.dma_semaphore, #tpu.memory_space<semaphore_mem>>
      %dma_start3A_294 = arith.constant 0 : i32
      %dma_start3A_295 = tpu.memref_slice %arg15[%add3A_15, %dma_start3A_294] : memref<10240x64xf32, #tpu.memory_space<vmem_shared>> -> memref<128x64xf32, #tpu.memory_space<vmem_shared>>
      %dma_start3A_296 = arith.constant 0 : i32
      %dma_start3A_297 = tpu.memref_slice %arg15[%add3A_15, %dma_start3A_296] : memref<10240x64xf32, #tpu.memory_space<vmem_shared>> -> memref<128x64xf32, #tpu.memory_space<vmem_shared>>
      tpu.enqueue_dma source(%arg10 : memref<128x64xf32, #tpu.memory_space<vmem>>) target(%dma_start3A_297 : memref<128x64xf32, #tpu.memory_space<vmem_shared>>) target_semaphore(%run_scoped3A : memref<!tpu.dma_semaphore, #tpu.memory_space<semaphore_mem>>)
      %dma_wait3A_298 = arith.constant 0 : i32
      %dma_wait3A_299 = tpu.memref_slice %arg15[%add3A_15, %dma_wait3A_298] : memref<10240x64xf32, #tpu.memory_space<vmem_shared>> -> memref<128x64xf32, #tpu.memory_space<vmem_shared>>
      %dma_wait3A_300 = arith.constant 0 : i32
      %dma_wait3A_301 = tpu.memref_slice %arg15[%add3A_15, %dma_wait3A_300] : memref<10240x64xf32, #tpu.memory_space<vmem_shared>> -> memref<128x64xf32, #tpu.memory_space<vmem_shared>>
      tpu.wait_dma2 semaphore(%run_scoped3A : memref<!tpu.dma_semaphore, #tpu.memory_space<semaphore_mem>>) src(%arg10 : memref<128x64xf32, #tpu.memory_space<vmem>>) dst(%dma_wait3A_301 : memref<128x64xf32, #tpu.memory_space<vmem_shared>>)
      tpu.yield
    }) : () -> ()
    %barrier3A = arith.constant 0 : index
    tpu.barrier barrier_id(%barrier3A)
    "tpu.region"() ({
      %run_scoped3A = tpu.sem_alloc : memref<!tpu.dma_semaphore, #tpu.memory_space<semaphore_mem>>
      %dma_start3A_294 = arith.constant 0 : i32
      %dma_start3A_295 = arith.constant 0 : i32
      %dma_start3A_296 = tpu.memref_slice %arg5[%arg1, %dma_start3A_294, %dma_start3A_295] : memref<16x160x128xi32, #tpu.memory_space<hbm>> -> memref<1x80x128xi32, #tpu.memory_space<hbm>>
      %dma_start3A_297 = tpu.memref_squeeze %dma_start3A_296 : memref<1x80x128xi32, #tpu.memory_space<hbm>> -> memref<80x128xi32, #tpu.memory_space<hbm>>
      %dma_start3A_298 = arith.constant 0 : i32
      %dma_start3A_299 = arith.constant 0 : i32
      %dma_start3A_300 = tpu.memref_slice %arg5[%arg1, %dma_start3A_298, %dma_start3A_299] : memref<16x160x128xi32, #tpu.memory_space<hbm>> -> memref<1x80x128xi32, #tpu.memory_space<hbm>>
      %dma_start3A_301 = tpu.memref_squeeze %dma_start3A_300 : memref<1x80x128xi32, #tpu.memory_space<hbm>> -> memref<80x128xi32, #tpu.memory_space<hbm>>
      tpu.enqueue_dma source(%dma_start3A_301 : memref<80x128xi32, #tpu.memory_space<hbm>>) target(%arg8 : memref<80x128xi32, #tpu.memory_space<vmem>>) target_semaphore(%run_scoped3A : memref<!tpu.dma_semaphore, #tpu.memory_space<semaphore_mem>>)
      %dma_wait3A_302 = arith.constant 0 : i32
      %dma_wait3A_303 = arith.constant 0 : i32
      %dma_wait3A_304 = tpu.memref_slice %arg5[%arg1, %dma_wait3A_302, %dma_wait3A_303] : memref<16x160x128xi32, #tpu.memory_space<hbm>> -> memref<1x80x128xi32, #tpu.memory_space<hbm>>
      %dma_wait3A_305 = tpu.memref_squeeze %dma_wait3A_304 : memref<1x80x128xi32, #tpu.memory_space<hbm>> -> memref<80x128xi32, #tpu.memory_space<hbm>>
      %dma_wait3A_306 = arith.constant 0 : i32
      %dma_wait3A_307 = arith.constant 0 : i32
      %dma_wait3A_308 = tpu.memref_slice %arg5[%arg1, %dma_wait3A_306, %dma_wait3A_307] : memref<16x160x128xi32, #tpu.memory_space<hbm>> -> memref<1x80x128xi32, #tpu.memory_space<hbm>>
      %dma_wait3A_309 = tpu.memref_squeeze %dma_wait3A_308 : memref<1x80x128xi32, #tpu.memory_space<hbm>> -> memref<80x128xi32, #tpu.memory_space<hbm>>
      tpu.wait_dma2 semaphore(%run_scoped3A : memref<!tpu.dma_semaphore, #tpu.memory_space<semaphore_mem>>) src(%dma_wait3A_309 : memref<80x128xi32, #tpu.memory_space<hbm>>) dst(%arg8 : memref<80x128xi32, #tpu.memory_space<vmem>>)
      tpu.yield
    }) : () -> ()
    "tpu.region"() ({
      %run_scoped3A = tpu.sem_alloc : memref<!tpu.dma_semaphore, #tpu.memory_space<semaphore_mem>>
      %dma_start3A_294 = arith.constant 0 : i32
      %dma_start3A_295 = arith.constant 0 : i32
      %dma_start3A_296 = tpu.memref_slice %arg6[%arg1, %dma_start3A_294, %dma_start3A_295] : memref<16x160x128xi32, #tpu.memory_space<hbm>> -> memref<1x80x128xi32, #tpu.memory_space<hbm>>
      %dma_start3A_297 = tpu.memref_squeeze %dma_start3A_296 : memref<1x80x128xi32, #tpu.memory_space<hbm>> -> memref<80x128xi32, #tpu.memory_space<hbm>>
      %dma_start3A_298 = arith.constant 0 : i32
      %dma_start3A_299 = arith.constant 0 : i32
      %dma_start3A_300 = tpu.memref_slice %arg6[%arg1, %dma_start3A_298, %dma_start3A_299] : memref<16x160x128xi32, #tpu.memory_space<hbm>> -> memref<1x80x128xi32, #tpu.memory_space<hbm>>
      %dma_start3A_301 = tpu.memref_squeeze %dma_start3A_300 : memref<1x80x128xi32, #tpu.memory_space<hbm>> -> memref<80x128xi32, #tpu.memory_space<hbm>>
      tpu.enqueue_dma source(%dma_start3A_301 : memref<80x128xi32, #tpu.memory_space<hbm>>) target(%arg9 : memref<80x128xi32, #tpu.memory_space<vmem>>) target_semaphore(%run_scoped3A : memref<!tpu.dma_semaphore, #tpu.memory_space<semaphore_mem>>)
      %dma_wait3A_302 = arith.constant 0 : i32
      %dma_wait3A_303 = arith.constant 0 : i32
      %dma_wait3A_304 = tpu.memref_slice %arg6[%arg1, %dma_wait3A_302, %dma_wait3A_303] : memref<16x160x128xi32, #tpu.memory_space<hbm>> -> memref<1x80x128xi32, #tpu.memory_space<hbm>>
      %dma_wait3A_305 = tpu.memref_squeeze %dma_wait3A_304 : memref<1x80x128xi32, #tpu.memory_space<hbm>> -> memref<80x128xi32, #tpu.memory_space<hbm>>
      %dma_wait3A_306 = arith.constant 0 : i32
      %dma_wait3A_307 = arith.constant 0 : i32
      %dma_wait3A_308 = tpu.memref_slice %arg6[%arg1, %dma_wait3A_306, %dma_wait3A_307] : memref<16x160x128xi32, #tpu.memory_space<hbm>> -> memref<1x80x128xi32, #tpu.memory_space<hbm>>
      %dma_wait3A_309 = tpu.memref_squeeze %dma_wait3A_308 : memref<1x80x128xi32, #tpu.memory_space<hbm>> -> memref<80x128xi32, #tpu.memory_space<hbm>>
      tpu.wait_dma2 semaphore(%run_scoped3A : memref<!tpu.dma_semaphore, #tpu.memory_space<semaphore_mem>>) src(%dma_wait3A_309 : memref<80x128xi32, #tpu.memory_space<hbm>>) dst(%arg9 : memref<80x128xi32, #tpu.memory_space<vmem>>)
      tpu.yield
    }) : () -> ()
    %dma_start3A = arith.constant 0 : i32
    %dma_start3A_16 = arith.constant 0 : i32
    %dma_start3A_17 = tpu.memref_slice %arg8[%dma_start3A, %dma_start3A_16] : memref<80x128xi32, #tpu.memory_space<vmem>> -> memref<1x128xi32, #tpu.memory_space<vmem>>
    %dma_start3A_18 = tpu.memref_squeeze %dma_start3A_17 : memref<1x128xi32, #tpu.memory_space<vmem>> -> memref<128xi32, #tpu.memory_space<vmem>>
    %dma_start3A_19 = arith.constant 0 : i32
    %dma_start3A_20 = arith.constant 0 : i32
    %dma_start3A_21 = tpu.memref_slice %arg14[%dma_start3A_19, %dma_start3A_20] : memref<10240x64xf32, #tpu.memory_space<vmem_shared>> -> memref<10240x64xf32, #tpu.memory_space<vmem_shared>>
    tpu.enqueue_indirect_dma source(%dma_start3A_21 : memref<10240x64xf32, #tpu.memory_space<vmem_shared>>) target(%arg10 : memref<128x64xf32, #tpu.memory_space<vmem>>) offsets(%dma_start3A_18 : memref<128xi32, #tpu.memory_space<vmem>>) semaphore(%arg16 : memref<!tpu.dma_semaphore, #tpu.memory_space<semaphore_mem>>)
    %dma_start3A_22 = arith.constant 1 : i32
    %dma_start3A_23 = arith.constant 0 : i32
    %dma_start3A_24 = tpu.memref_slice %arg8[%dma_start3A_22, %dma_start3A_23] : memref<80x128xi32, #tpu.memory_space<vmem>> -> memref<1x128xi32, #tpu.memory_space<vmem>>
    %dma_start3A_25 = tpu.memref_squeeze %dma_start3A_24 : memref<1x128xi32, #tpu.memory_space<vmem>> -> memref<128xi32, #tpu.memory_space<vmem>>
    %dma_start3A_26 = arith.constant 0 : i32
    %dma_start3A_27 = arith.constant 0 : i32
    %dma_start3A_28 = tpu.memref_slice %arg14[%dma_start3A_26, %dma_start3A_27] : memref<10240x64xf32, #tpu.memory_space<vmem_shared>> -> memref<10240x64xf32, #tpu.memory_space<vmem_shared>>
    tpu.enqueue_indirect_dma source(%dma_start3A_28 : memref<10240x64xf32, #tpu.memory_space<vmem_shared>>) target(%arg11 : memref<128x64xf32, #tpu.memory_space<vmem>>) offsets(%dma_start3A_25 : memref<128xi32, #tpu.memory_space<vmem>>) semaphore(%arg17 : memref<!tpu.dma_semaphore, #tpu.memory_space<semaphore_mem>>)
    %scan3A_29 = arith.constant 0 : i32
    %scan3A_30 = arith.constant 0 : i32
    %scan3A_31 = arith.constant 40 : i32
    %scan3A_32 = arith.addi %scan3A_30, %scan3A_31 : i32
    %scan3A_33 = arith.constant 1 : i32
    %scan3A_34 = scf.for %scan3A_294 = %scan3A_30 to %scan3A_32 step %scan3A_33 iter_args(%scan3A_295 = %scan3A_29) -> (i32)  : i32 {
      %mul3A_296 = arith.constant 2 : i32
      %mul3A_297 = arith.muli %mul3A_296, %scan3A_294 : i32
      %add3A_298 = arith.constant 0 : i32
      %add3A_299 = arith.addi %mul3A_297, %add3A_298 : i32
      %dma_wait3A_300 = arith.constant 0 : i32
      %dma_wait3A_301 = tpu.memref_slice %arg8[%add3A_299, %dma_wait3A_300] : memref<80x128xi32, #tpu.memory_space<vmem>> -> memref<1x128xi32, #tpu.memory_space<vmem>>
      %dma_wait3A_302 = tpu.memref_squeeze %dma_wait3A_301 : memref<1x128xi32, #tpu.memory_space<vmem>> -> memref<128xi32, #tpu.memory_space<vmem>>
      %dma_wait3A_303 = arith.constant 0 : i32
      %dma_wait3A_304 = arith.constant 0 : i32
      %dma_wait3A_305 = tpu.memref_slice %arg14[%dma_wait3A_303, %dma_wait3A_304] : memref<10240x64xf32, #tpu.memory_space<vmem_shared>> -> memref<10240x64xf32, #tpu.memory_space<vmem_shared>>
      tpu.wait_indirect_dma semaphore(%arg16 : memref<!tpu.dma_semaphore, #tpu.memory_space<semaphore_mem>>) src(%dma_wait3A_305 : memref<10240x64xf32, #tpu.memory_space<vmem_shared>>) dst(%arg10 : memref<128x64xf32, #tpu.memory_space<vmem>>)
      %dma_start3A_306 = arith.constant 0 : i32
      %dma_start3A_307 = tpu.memref_slice %arg9[%add3A_299, %dma_start3A_306] : memref<80x128xi32, #tpu.memory_space<vmem>> -> memref<1x128xi32, #tpu.memory_space<vmem>>
      %dma_start3A_308 = tpu.memref_squeeze %dma_start3A_307 : memref<1x128xi32, #tpu.memory_space<vmem>> -> memref<128xi32, #tpu.memory_space<vmem>>
      %dma_start3A_309 = arith.constant 0 : i32
      %dma_start3A_310 = arith.constant 0 : i32
      %dma_start3A_311 = tpu.memref_slice %arg15[%dma_start3A_309, %dma_start3A_310] : memref<10240x64xf32, #tpu.memory_space<vmem_shared>> -> memref<10240x64xf32, #tpu.memory_space<vmem_shared>>
      tpu.enqueue_indirect_dma source(%arg10 : memref<128x64xf32, #tpu.memory_space<vmem>>) target(%dma_start3A_311 : memref<10240x64xf32, #tpu.memory_space<vmem_shared>>) offsets(%dma_start3A_308 : memref<128xi32, #tpu.memory_space<vmem>>) semaphore(%arg18 : memref<!tpu.dma_semaphore, #tpu.memory_space<semaphore_mem>>) {add = true}
      %mul3A_312 = arith.constant 2 : i32
      %mul3A_313 = arith.muli %mul3A_312, %scan3A_294 : i32
      %add3A_314 = arith.constant 1 : i32
      %add3A_315 = arith.addi %mul3A_313, %add3A_314 : i32
      %dma_wait3A_316 = arith.constant 0 : i32
      %dma_wait3A_317 = tpu.memref_slice %arg8[%add3A_315, %dma_wait3A_316] : memref<80x128xi32, #tpu.memory_space<vmem>> -> memref<1x128xi32, #tpu.memory_space<vmem>>
      %dma_wait3A_318 = tpu.memref_squeeze %dma_wait3A_317 : memref<1x128xi32, #tpu.memory_space<vmem>> -> memref<128xi32, #tpu.memory_space<vmem>>
      %dma_wait3A_319 = arith.constant 0 : i32
      %dma_wait3A_320 = arith.constant 0 : i32
      %dma_wait3A_321 = tpu.memref_slice %arg14[%dma_wait3A_319, %dma_wait3A_320] : memref<10240x64xf32, #tpu.memory_space<vmem_shared>> -> memref<10240x64xf32, #tpu.memory_space<vmem_shared>>
      tpu.wait_indirect_dma semaphore(%arg17 : memref<!tpu.dma_semaphore, #tpu.memory_space<semaphore_mem>>) src(%dma_wait3A_321 : memref<10240x64xf32, #tpu.memory_space<vmem_shared>>) dst(%arg11 : memref<128x64xf32, #tpu.memory_space<vmem>>)
      %dma_start3A_322 = arith.constant 0 : i32
      %dma_start3A_323 = tpu.memref_slice %arg9[%add3A_315, %dma_start3A_322] : memref<80x128xi32, #tpu.memory_space<vmem>> -> memref<1x128xi32, #tpu.memory_space<vmem>>
      %dma_start3A_324 = tpu.memref_squeeze %dma_start3A_323 : memref<1x128xi32, #tpu.memory_space<vmem>> -> memref<128xi32, #tpu.memory_space<vmem>>
      %dma_start3A_325 = arith.constant 0 : i32
      %dma_start3A_326 = arith.constant 0 : i32
      %dma_start3A_327 = tpu.memref_slice %arg15[%dma_start3A_325, %dma_start3A_326] : memref<10240x64xf32, #tpu.memory_space<vmem_shared>> -> memref<10240x64xf32, #tpu.memory_space<vmem_shared>>
      tpu.enqueue_indirect_dma source(%arg11 : memref<128x64xf32, #tpu.memory_space<vmem>>) target(%dma_start3A_327 : memref<10240x64xf32, #tpu.memory_space<vmem_shared>>) offsets(%dma_start3A_324 : memref<128xi32, #tpu.memory_space<vmem>>) semaphore(%arg19 : memref<!tpu.dma_semaphore, #tpu.memory_space<semaphore_mem>>) {add = true}
      %add3A_328 = arith.constant 1 : i32
      %add3A_329 = arith.addi %scan3A_294, %add3A_328 : i32
      %lt3A = arith.constant 40 : i32
      %lt3A_330 = arith.cmpi slt, %add3A_329, %lt3A : i32
      %convert_element_type3A = arith.extui %lt3A_330 : i1 to i32
      %cond3A = arith.constant 0 : i32
      %cond3A_331 = arith.cmpi ne, %convert_element_type3A, %cond3A : i32
      scf.if %cond3A_331 {
        %add3A_333 = arith.constant 1 : i32
        %add3A_334 = arith.addi %scan3A_294, %add3A_333 : i32
        %mul3A_335 = arith.constant 2 : i32
        %mul3A_336 = arith.muli %mul3A_335, %add3A_334 : i32
        %add3A_337 = arith.constant 0 : i32
        %add3A_338 = arith.addi %mul3A_336, %add3A_337 : i32
        %sub3A = arith.constant 2 : i32
        %sub3A_339 = arith.subi %add3A_338, %sub3A : i32
        %dma_wait3A_340 = arith.constant 0 : i32
        %dma_wait3A_341 = tpu.memref_slice %arg9[%sub3A_339, %dma_wait3A_340] : memref<80x128xi32, #tpu.memory_space<vmem>> -> memref<1x128xi32, #tpu.memory_space<vmem>>
        %dma_wait3A_342 = tpu.memref_squeeze %dma_wait3A_341 : memref<1x128xi32, #tpu.memory_space<vmem>> -> memref<128xi32, #tpu.memory_space<vmem>>
        %dma_wait3A_343 = arith.constant 0 : i32
        %dma_wait3A_344 = arith.constant 0 : i32
        %dma_wait3A_345 = tpu.memref_slice %arg15[%dma_wait3A_343, %dma_wait3A_344] : memref<10240x64xf32, #tpu.memory_space<vmem_shared>> -> memref<10240x64xf32, #tpu.memory_space<vmem_shared>>
        tpu.wait_indirect_dma semaphore(%arg18 : memref<!tpu.dma_semaphore, #tpu.memory_space<semaphore_mem>>) src(%arg10 : memref<128x64xf32, #tpu.memory_space<vmem>>) dst(%dma_wait3A_345 : memref<10240x64xf32, #tpu.memory_space<vmem_shared>>)
        %dma_start3A_346 = arith.constant 0 : i32
        %dma_start3A_347 = tpu.memref_slice %arg8[%add3A_338, %dma_start3A_346] : memref<80x128xi32, #tpu.memory_space<vmem>> -> memref<1x128xi32, #tpu.memory_space<vmem>>
        %dma_start3A_348 = tpu.memref_squeeze %dma_start3A_347 : memref<1x128xi32, #tpu.memory_space<vmem>> -> memref<128xi32, #tpu.memory_space<vmem>>
        %dma_start3A_349 = arith.constant 0 : i32
        %dma_start3A_350 = arith.constant 0 : i32
        %dma_start3A_351 = tpu.memref_slice %arg14[%dma_start3A_349, %dma_start3A_350] : memref<10240x64xf32, #tpu.memory_space<vmem_shared>> -> memref<10240x64xf32, #tpu.memory_space<vmem_shared>>
        tpu.enqueue_indirect_dma source(%dma_start3A_351 : memref<10240x64xf32, #tpu.memory_space<vmem_shared>>) target(%arg10 : memref<128x64xf32, #tpu.memory_space<vmem>>) offsets(%dma_start3A_348 : memref<128xi32, #tpu.memory_space<vmem>>) semaphore(%arg16 : memref<!tpu.dma_semaphore, #tpu.memory_space<semaphore_mem>>)
        %add3A_352 = arith.constant 1 : i32
        %add3A_353 = arith.addi %scan3A_294, %add3A_352 : i32
        %mul3A_354 = arith.constant 2 : i32
        %mul3A_355 = arith.muli %mul3A_354, %add3A_353 : i32
        %add3A_356 = arith.constant 1 : i32
        %add3A_357 = arith.addi %mul3A_355, %add3A_356 : i32
        %sub3A_358 = arith.constant 2 : i32
        %sub3A_359 = arith.subi %add3A_357, %sub3A_358 : i32
        %dma_wait3A_360 = arith.constant 0 : i32
        %dma_wait3A_361 = tpu.memref_slice %arg9[%sub3A_359, %dma_wait3A_360] : memref<80x128xi32, #tpu.memory_space<vmem>> -> memref<1x128xi32, #tpu.memory_space<vmem>>
        %dma_wait3A_362 = tpu.memref_squeeze %dma_wait3A_361 : memref<1x128xi32, #tpu.memory_space<vmem>> -> memref<128xi32, #tpu.memory_space<vmem>>
        %dma_wait3A_363 = arith.constant 0 : i32
        %dma_wait3A_364 = arith.constant 0 : i32
        %dma_wait3A_365 = tpu.memref_slice %arg15[%dma_wait3A_363, %dma_wait3A_364] : memref<10240x64xf32, #tpu.memory_space<vmem_shared>> -> memref<10240x64xf32, #tpu.memory_space<vmem_shared>>
        tpu.wait_indirect_dma semaphore(%arg19 : memref<!tpu.dma_semaphore, #tpu.memory_space<semaphore_mem>>) src(%arg11 : memref<128x64xf32, #tpu.memory_space<vmem>>) dst(%dma_wait3A_365 : memref<10240x64xf32, #tpu.memory_space<vmem_shared>>)
        %dma_start3A_366 = arith.constant 0 : i32
        %dma_start3A_367 = tpu.memref_slice %arg8[%add3A_357, %dma_start3A_366] : memref<80x128xi32, #tpu.memory_space<vmem>> -> memref<1x128xi32, #tpu.memory_space<vmem>>
        %dma_start3A_368 = tpu.memref_squeeze %dma_start3A_367 : memref<1x128xi32, #tpu.memory_space<vmem>> -> memref<128xi32, #tpu.memory_space<vmem>>
        %dma_start3A_369 = arith.constant 0 : i32
        %dma_start3A_370 = arith.constant 0 : i32
        %dma_start3A_371 = tpu.memref_slice %arg14[%dma_start3A_369, %dma_start3A_370] : memref<10240x64xf32, #tpu.memory_space<vmem_shared>> -> memref<10240x64xf32, #tpu.memory_space<vmem_shared>>
        tpu.enqueue_indirect_dma source(%dma_start3A_371 : memref<10240x64xf32, #tpu.memory_space<vmem_shared>>) target(%arg11 : memref<128x64xf32, #tpu.memory_space<vmem>>) offsets(%dma_start3A_368 : memref<128xi32, #tpu.memory_space<vmem>>) semaphore(%arg17 : memref<!tpu.dma_semaphore, #tpu.memory_space<semaphore_mem>>)
      } else {
      }
      %scan3A_332 = arith.constant 0 : i32
      scf.yield %scan3A_332 : i32
    }
    %scan3A_35 = arith.constant 40 : i32
    %dma_wait3A = arith.constant 78 : i32
    %dma_wait3A_36 = arith.constant 0 : i32
    %dma_wait3A_37 = tpu.memref_slice %arg9[%dma_wait3A, %dma_wait3A_36] : memref<80x128xi32, #tpu.memory_space<vmem>> -> memref<1x128xi32, #tpu.memory_space<vmem>>
    %dma_wait3A_38 = tpu.memref_squeeze %dma_wait3A_37 : memref<1x128xi32, #tpu.memory_space<vmem>> -> memref<128xi32, #tpu.memory_space<vmem>>
    %dma_wait3A_39 = arith.constant 0 : i32
    %dma_wait3A_40 = arith.constant 0 : i32
    %dma_wait3A_41 = tpu.memref_slice %arg15[%dma_wait3A_39, %dma_wait3A_40] : memref<10240x64xf32, #tpu.memory_space<vmem_shared>> -> memref<10240x64xf32, #tpu.memory_space<vmem_shared>>
    tpu.wait_indirect_dma semaphore(%arg18 : memref<!tpu.dma_semaphore, #tpu.memory_space<semaphore_mem>>) src(%arg10 : memref<128x64xf32, #tpu.memory_space<vmem>>) dst(%dma_wait3A_41 : memref<10240x64xf32, #tpu.memory_space<vmem_shared>>)
    %dma_wait3A_42 = arith.constant 79 : i32
    %dma_wait3A_43 = arith.constant 0 : i32
    %dma_wait3A_44 = tpu.memref_slice %arg9[%dma_wait3A_42, %dma_wait3A_43] : memref<80x128xi32, #tpu.memory_space<vmem>> -> memref<1x128xi32, #tpu.memory_space<vmem>>
    %dma_wait3A_45 = tpu.memref_squeeze %dma_wait3A_44 : memref<1x128xi32, #tpu.memory_space<vmem>> -> memref<128xi32, #tpu.memory_space<vmem>>
    %dma_wait3A_46 = arith.constant 0 : i32
    %dma_wait3A_47 = arith.constant 0 : i32
    %dma_wait3A_48 = tpu.memref_slice %arg15[%dma_wait3A_46, %dma_wait3A_47] : memref<10240x64xf32, #tpu.memory_space<vmem_shared>> -> memref<10240x64xf32, #tpu.memory_space<vmem_shared>>
    tpu.wait_indirect_dma semaphore(%arg19 : memref<!tpu.dma_semaphore, #tpu.memory_space<semaphore_mem>>) src(%arg11 : memref<128x64xf32, #tpu.memory_space<vmem>>) dst(%dma_wait3A_48 : memref<10240x64xf32, #tpu.memory_space<vmem_shared>>)
    "tpu.region"() ({
      %run_scoped3A = tpu.sem_alloc : memref<!tpu.dma_semaphore, #tpu.memory_space<semaphore_mem>>
      %dma_start3A_294 = arith.constant 80 : i32
      %dma_start3A_295 = arith.constant 0 : i32
      %dma_start3A_296 = tpu.memref_slice %arg5[%arg1, %dma_start3A_294, %dma_start3A_295] : memref<16x160x128xi32, #tpu.memory_space<hbm>> -> memref<1x80x128xi32, #tpu.memory_space<hbm>>
      %dma_start3A_297 = tpu.memref_squeeze %dma_start3A_296 : memref<1x80x128xi32, #tpu.memory_space<hbm>> -> memref<80x128xi32, #tpu.memory_space<hbm>>
      %dma_start3A_298 = arith.constant 80 : i32
      %dma_start3A_299 = arith.constant 0 : i32
      %dma_start3A_300 = tpu.memref_slice %arg5[%arg1, %dma_start3A_298, %dma_start3A_299] : memref<16x160x128xi32, #tpu.memory_space<hbm>> -> memref<1x80x128xi32, #tpu.memory_space<hbm>>
      %dma_start3A_301 = tpu.memref_squeeze %dma_start3A_300 : memref<1x80x128xi32, #tpu.memory_space<hbm>> -> memref<80x128xi32, #tpu.memory_space<hbm>>
      tpu.enqueue_dma source(%dma_start3A_301 : memref<80x128xi32, #tpu.memory_space<hbm>>) target(%arg8 : memref<80x128xi32, #tpu.memory_space<vmem>>) target_semaphore(%run_scoped3A : memref<!tpu.dma_semaphore, #tpu.memory_space<semaphore_mem>>)
      %dma_wait3A_302 = arith.constant 80 : i32
      %dma_wait3A_303 = arith.constant 0 : i32
      %dma_wait3A_304 = tpu.memref_slice %arg5[%arg1, %dma_wait3A_302, %dma_wait3A_303] : memref<16x160x128xi32, #tpu.memory_space<hbm>> -> memref<1x80x128xi32, #tpu.memory_space<hbm>>
      %dma_wait3A_305 = tpu.memref_squeeze %dma_wait3A_304 : memref<1x80x128xi32, #tpu.memory_space<hbm>> -> memref<80x128xi32, #tpu.memory_space<hbm>>
      %dma_wait3A_306 = arith.constant 80 : i32
      %dma_wait3A_307 = arith.constant 0 : i32
      %dma_wait3A_308 = tpu.memref_slice %arg5[%arg1, %dma_wait3A_306, %dma_wait3A_307] : memref<16x160x128xi32, #tpu.memory_space<hbm>> -> memref<1x80x128xi32, #tpu.memory_space<hbm>>
      %dma_wait3A_309 = tpu.memref_squeeze %dma_wait3A_308 : memref<1x80x128xi32, #tpu.memory_space<hbm>> -> memref<80x128xi32, #tpu.memory_space<hbm>>
      tpu.wait_dma2 semaphore(%run_scoped3A : memref<!tpu.dma_semaphore, #tpu.memory_space<semaphore_mem>>) src(%dma_wait3A_309 : memref<80x128xi32, #tpu.memory_space<hbm>>) dst(%arg8 : memref<80x128xi32, #tpu.memory_space<vmem>>)
      tpu.yield
    }) : () -> ()
    "tpu.region"() ({
      %run_scoped3A = tpu.sem_alloc : memref<!tpu.dma_semaphore, #tpu.memory_space<semaphore_mem>>
      %dma_start3A_294 = arith.constant 80 : i32
      %dma_start3A_295 = arith.constant 0 : i32
      %dma_start3A_296 = tpu.memref_slice %arg6[%arg1, %dma_start3A_294, %dma_start3A_295] : memref<16x160x128xi32, #tpu.memory_space<hbm>> -> memref<1x80x128xi32, #tpu.memory_space<hbm>>
      %dma_start3A_297 = tpu.memref_squeeze %dma_start3A_296 : memref<1x80x128xi32, #tpu.memory_space<hbm>> -> memref<80x128xi32, #tpu.memory_space<hbm>>
      %dma_start3A_298 = arith.constant 80 : i32
      %dma_start3A_299 = arith.constant 0 : i32
      %dma_start3A_300 = tpu.memref_slice %arg6[%arg1, %dma_start3A_298, %dma_start3A_299] : memref<16x160x128xi32, #tpu.memory_space<hbm>> -> memref<1x80x128xi32, #tpu.memory_space<hbm>>
      %dma_start3A_301 = tpu.memref_squeeze %dma_start3A_300 : memref<1x80x128xi32, #tpu.memory_space<hbm>> -> memref<80x128xi32, #tpu.memory_space<hbm>>
      tpu.enqueue_dma source(%dma_start3A_301 : memref<80x128xi32, #tpu.memory_space<hbm>>) target(%arg9 : memref<80x128xi32, #tpu.memory_space<vmem>>) target_semaphore(%run_scoped3A : memref<!tpu.dma_semaphore, #tpu.memory_space<semaphore_mem>>)
      %dma_wait3A_302 = arith.constant 80 : i32
      %dma_wait3A_303 = arith.constant 0 : i32
      %dma_wait3A_304 = tpu.memref_slice %arg6[%arg1, %dma_wait3A_302, %dma_wait3A_303] : memref<16x160x128xi32, #tpu.memory_space<hbm>> -> memref<1x80x128xi32, #tpu.memory_space<hbm>>
      %dma_wait3A_305 = tpu.memref_squeeze %dma_wait3A_304 : memref<1x80x128xi32, #tpu.memory_space<hbm>> -> memref<80x128xi32, #tpu.memory_space<hbm>>
      %dma_wait3A_306 = arith.constant 80 : i32
      %dma_wait3A_307 = arith.constant 0 : i32
      %dma_wait3A_308 = tpu.memref_slice %arg6[%arg1, %dma_wait3A_306, %dma_wait3A_307] : memref<16x160x128xi32, #tpu.memory_space<hbm>> -> memref<1x80x128xi32, #tpu.memory_space<hbm>>
      %dma_wait3A_309 = tpu.memref_squeeze %dma_wait3A_308 : memref<1x80x128xi32, #tpu.memory_space<hbm>> -> memref<80x128xi32, #tpu.memory_space<hbm>>
      tpu.wait_dma2 semaphore(%run_scoped3A : memref<!tpu.dma_semaphore, #tpu.memory_space<semaphore_mem>>) src(%dma_wait3A_309 : memref<80x128xi32, #tpu.memory_space<hbm>>) dst(%arg9 : memref<80x128xi32, #tpu.memory_space<vmem>>)
      tpu.yield
    }) : () -> ()
    %dma_start3A_49 = arith.constant 0 : i32
    %dma_start3A_50 = arith.constant 0 : i32
    %dma_start3A_51 = tpu.memref_slice %arg8[%dma_start3A_49, %dma_start3A_50] : memref<80x128xi32, #tpu.memory_space<vmem>> -> memref<1x128xi32, #tpu.memory_space<vmem>>
    %dma_start3A_52 = tpu.memref_squeeze %dma_start3A_51 : memref<1x128xi32, #tpu.memory_space<vmem>> -> memref<128xi32, #tpu.memory_space<vmem>>
    %dma_start3A_53 = arith.constant 0 : i32
    %dma_start3A_54 = arith.constant 0 : i32
    %dma_start3A_55 = tpu.memref_slice %arg14[%dma_start3A_53, %dma_start3A_54] : memref<10240x64xf32, #tpu.memory_space<vmem_shared>> -> memref<10240x64xf32, #tpu.memory_space<vmem_shared>>
    tpu.enqueue_indirect_dma source(%dma_start3A_55 : memref<10240x64xf32, #tpu.memory_space<vmem_shared>>) target(%arg10 : memref<128x64xf32, #tpu.memory_space<vmem>>) offsets(%dma_start3A_52 : memref<128xi32, #tpu.memory_space<vmem>>) semaphore(%arg16 : memref<!tpu.dma_semaphore, #tpu.memory_space<semaphore_mem>>)
    %dma_start3A_56 = arith.constant 1 : i32
    %dma_start3A_57 = arith.constant 0 : i32
    %dma_start3A_58 = tpu.memref_slice %arg8[%dma_start3A_56, %dma_start3A_57] : memref<80x128xi32, #tpu.memory_space<vmem>> -> memref<1x128xi32, #tpu.memory_space<vmem>>
    %dma_start3A_59 = tpu.memref_squeeze %dma_start3A_58 : memref<1x128xi32, #tpu.memory_space<vmem>> -> memref<128xi32, #tpu.memory_space<vmem>>
    %dma_start3A_60 = arith.constant 0 : i32
    %dma_start3A_61 = arith.constant 0 : i32
    %dma_start3A_62 = tpu.memref_slice %arg14[%dma_start3A_60, %dma_start3A_61] : memref<10240x64xf32, #tpu.memory_space<vmem_shared>> -> memref<10240x64xf32, #tpu.memory_space<vmem_shared>>
    tpu.enqueue_indirect_dma source(%dma_start3A_62 : memref<10240x64xf32, #tpu.memory_space<vmem_shared>>) target(%arg11 : memref<128x64xf32, #tpu.memory_space<vmem>>) offsets(%dma_start3A_59 : memref<128xi32, #tpu.memory_space<vmem>>) semaphore(%arg17 : memref<!tpu.dma_semaphore, #tpu.memory_space<semaphore_mem>>)
    %scan3A_63 = arith.constant 0 : i32
    %scan3A_64 = arith.constant 0 : i32
    %scan3A_65 = arith.constant 40 : i32
    %scan3A_66 = arith.addi %scan3A_64, %scan3A_65 : i32
    %scan3A_67 = arith.constant 1 : i32
    %scan3A_68 = scf.for %scan3A_294 = %scan3A_64 to %scan3A_66 step %scan3A_67 iter_args(%scan3A_295 = %scan3A_63) -> (i32)  : i32 {
      %mul3A_296 = arith.constant 2 : i32
      %mul3A_297 = arith.muli %mul3A_296, %scan3A_294 : i32
      %add3A_298 = arith.constant 0 : i32
      %add3A_299 = arith.addi %mul3A_297, %add3A_298 : i32
      %dma_wait3A_300 = arith.constant 0 : i32
      %dma_wait3A_301 = tpu.memref_slice %arg8[%add3A_299, %dma_wait3A_300] : memref<80x128xi32, #tpu.memory_space<vmem>> -> memref<1x128xi32, #tpu.memory_space<vmem>>
      %dma_wait3A_302 = tpu.memref_squeeze %dma_wait3A_301 : memref<1x128xi32, #tpu.memory_space<vmem>> -> memref<128xi32, #tpu.memory_space<vmem>>
      %dma_wait3A_303 = arith.constant 0 : i32
      %dma_wait3A_304 = arith.constant 0 : i32
      %dma_wait3A_305 = tpu.memref_slice %arg14[%dma_wait3A_303, %dma_wait3A_304] : memref<10240x64xf32, #tpu.memory_space<vmem_shared>> -> memref<10240x64xf32, #tpu.memory_space<vmem_shared>>
      tpu.wait_indirect_dma semaphore(%arg16 : memref<!tpu.dma_semaphore, #tpu.memory_space<semaphore_mem>>) src(%dma_wait3A_305 : memref<10240x64xf32, #tpu.memory_space<vmem_shared>>) dst(%arg10 : memref<128x64xf32, #tpu.memory_space<vmem>>)
      %dma_start3A_306 = arith.constant 0 : i32
      %dma_start3A_307 = tpu.memref_slice %arg9[%add3A_299, %dma_start3A_306] : memref<80x128xi32, #tpu.memory_space<vmem>> -> memref<1x128xi32, #tpu.memory_space<vmem>>
      %dma_start3A_308 = tpu.memref_squeeze %dma_start3A_307 : memref<1x128xi32, #tpu.memory_space<vmem>> -> memref<128xi32, #tpu.memory_space<vmem>>
      %dma_start3A_309 = arith.constant 0 : i32
      %dma_start3A_310 = arith.constant 0 : i32
      %dma_start3A_311 = tpu.memref_slice %arg15[%dma_start3A_309, %dma_start3A_310] : memref<10240x64xf32, #tpu.memory_space<vmem_shared>> -> memref<10240x64xf32, #tpu.memory_space<vmem_shared>>
      tpu.enqueue_indirect_dma source(%arg10 : memref<128x64xf32, #tpu.memory_space<vmem>>) target(%dma_start3A_311 : memref<10240x64xf32, #tpu.memory_space<vmem_shared>>) offsets(%dma_start3A_308 : memref<128xi32, #tpu.memory_space<vmem>>) semaphore(%arg18 : memref<!tpu.dma_semaphore, #tpu.memory_space<semaphore_mem>>) {add = true}
      %mul3A_312 = arith.constant 2 : i32
      %mul3A_313 = arith.muli %mul3A_312, %scan3A_294 : i32
      %add3A_314 = arith.constant 1 : i32
      %add3A_315 = arith.addi %mul3A_313, %add3A_314 : i32
      %dma_wait3A_316 = arith.constant 0 : i32
      %dma_wait3A_317 = tpu.memref_slice %arg8[%add3A_315, %dma_wait3A_316] : memref<80x128xi32, #tpu.memory_space<vmem>> -> memref<1x128xi32, #tpu.memory_space<vmem>>
      %dma_wait3A_318 = tpu.memref_squeeze %dma_wait3A_317 : memref<1x128xi32, #tpu.memory_space<vmem>> -> memref<128xi32, #tpu.memory_space<vmem>>
      %dma_wait3A_319 = arith.constant 0 : i32
      %dma_wait3A_320 = arith.constant 0 : i32
      %dma_wait3A_321 = tpu.memref_slice %arg14[%dma_wait3A_319, %dma_wait3A_320] : memref<10240x64xf32, #tpu.memory_space<vmem_shared>> -> memref<10240x64xf32, #tpu.memory_space<vmem_shared>>
      tpu.wait_indirect_dma semaphore(%arg17 : memref<!tpu.dma_semaphore, #tpu.memory_space<semaphore_mem>>) src(%dma_wait3A_321 : memref<10240x64xf32, #tpu.memory_space<vmem_shared>>) dst(%arg11 : memref<128x64xf32, #tpu.memory_space<vmem>>)
      %dma_start3A_322 = arith.constant 0 : i32
      %dma_start3A_323 = tpu.memref_slice %arg9[%add3A_315, %dma_start3A_322] : memref<80x128xi32, #tpu.memory_space<vmem>> -> memref<1x128xi32, #tpu.memory_space<vmem>>
      %dma_start3A_324 = tpu.memref_squeeze %dma_start3A_323 : memref<1x128xi32, #tpu.memory_space<vmem>> -> memref<128xi32, #tpu.memory_space<vmem>>
      %dma_start3A_325 = arith.constant 0 : i32
      %dma_start3A_326 = arith.constant 0 : i32
      %dma_start3A_327 = tpu.memref_slice %arg15[%dma_start3A_325, %dma_start3A_326] : memref<10240x64xf32, #tpu.memory_space<vmem_shared>> -> memref<10240x64xf32, #tpu.memory_space<vmem_shared>>
      tpu.enqueue_indirect_dma source(%arg11 : memref<128x64xf32, #tpu.memory_space<vmem>>) target(%dma_start3A_327 : memref<10240x64xf32, #tpu.memory_space<vmem_shared>>) offsets(%dma_start3A_324 : memref<128xi32, #tpu.memory_space<vmem>>) semaphore(%arg19 : memref<!tpu.dma_semaphore, #tpu.memory_space<semaphore_mem>>) {add = true}
      %add3A_328 = arith.constant 1 : i32
      %add3A_329 = arith.addi %scan3A_294, %add3A_328 : i32
      %lt3A = arith.constant 40 : i32
      %lt3A_330 = arith.cmpi slt, %add3A_329, %lt3A : i32
      %convert_element_type3A = arith.extui %lt3A_330 : i1 to i32
      %cond3A = arith.constant 0 : i32
      %cond3A_331 = arith.cmpi ne, %convert_element_type3A, %cond3A : i32
      scf.if %cond3A_331 {
        %add3A_333 = arith.constant 1 : i32
        %add3A_334 = arith.addi %scan3A_294, %add3A_333 : i32
        %mul3A_335 = arith.constant 2 : i32
        %mul3A_336 = arith.muli %mul3A_335, %add3A_334 : i32
        %add3A_337 = arith.constant 0 : i32
        %add3A_338 = arith.addi %mul3A_336, %add3A_337 : i32
        %sub3A = arith.constant 2 : i32
        %sub3A_339 = arith.subi %add3A_338, %sub3A : i32
        %dma_wait3A_340 = arith.constant 0 : i32
        %dma_wait3A_341 = tpu.memref_slice %arg9[%sub3A_339, %dma_wait3A_340] : memref<80x128xi32, #tpu.memory_space<vmem>> -> memref<1x128xi32, #tpu.memory_space<vmem>>
        %dma_wait3A_342 = tpu.memref_squeeze %dma_wait3A_341 : memref<1x128xi32, #tpu.memory_space<vmem>> -> memref<128xi32, #tpu.memory_space<vmem>>
        %dma_wait3A_343 = arith.constant 0 : i32
        %dma_wait3A_344 = arith.constant 0 : i32
        %dma_wait3A_345 = tpu.memref_slice %arg15[%dma_wait3A_343, %dma_wait3A_344] : memref<10240x64xf32, #tpu.memory_space<vmem_shared>> -> memref<10240x64xf32, #tpu.memory_space<vmem_shared>>
        tpu.wait_indirect_dma semaphore(%arg18 : memref<!tpu.dma_semaphore, #tpu.memory_space<semaphore_mem>>) src(%arg10 : memref<128x64xf32, #tpu.memory_space<vmem>>) dst(%dma_wait3A_345 : memref<10240x64xf32, #tpu.memory_space<vmem_shared>>)
        %dma_start3A_346 = arith.constant 0 : i32
        %dma_start3A_347 = tpu.memref_slice %arg8[%add3A_338, %dma_start3A_346] : memref<80x128xi32, #tpu.memory_space<vmem>> -> memref<1x128xi32, #tpu.memory_space<vmem>>
        %dma_start3A_348 = tpu.memref_squeeze %dma_start3A_347 : memref<1x128xi32, #tpu.memory_space<vmem>> -> memref<128xi32, #tpu.memory_space<vmem>>
        %dma_start3A_349 = arith.constant 0 : i32
        %dma_start3A_350 = arith.constant 0 : i32
        %dma_start3A_351 = tpu.memref_slice %arg14[%dma_start3A_349, %dma_start3A_350] : memref<10240x64xf32, #tpu.memory_space<vmem_shared>> -> memref<10240x64xf32, #tpu.memory_space<vmem_shared>>
        tpu.enqueue_indirect_dma source(%dma_start3A_351 : memref<10240x64xf32, #tpu.memory_space<vmem_shared>>) target(%arg10 : memref<128x64xf32, #tpu.memory_space<vmem>>) offsets(%dma_start3A_348 : memref<128xi32, #tpu.memory_space<vmem>>) semaphore(%arg16 : memref<!tpu.dma_semaphore, #tpu.memory_space<semaphore_mem>>)
        %add3A_352 = arith.constant 1 : i32
        %add3A_353 = arith.addi %scan3A_294, %add3A_352 : i32
        %mul3A_354 = arith.constant 2 : i32
        %mul3A_355 = arith.muli %mul3A_354, %add3A_353 : i32
        %add3A_356 = arith.constant 1 : i32
        %add3A_357 = arith.addi %mul3A_355, %add3A_356 : i32
        %sub3A_358 = arith.constant 2 : i32
        %sub3A_359 = arith.subi %add3A_357, %sub3A_358 : i32
        %dma_wait3A_360 = arith.constant 0 : i32
        %dma_wait3A_361 = tpu.memref_slice %arg9[%sub3A_359, %dma_wait3A_360] : memref<80x128xi32, #tpu.memory_space<vmem>> -> memref<1x128xi32, #tpu.memory_space<vmem>>
        %dma_wait3A_362 = tpu.memref_squeeze %dma_wait3A_361 : memref<1x128xi32, #tpu.memory_space<vmem>> -> memref<128xi32, #tpu.memory_space<vmem>>
        %dma_wait3A_363 = arith.constant 0 : i32
        %dma_wait3A_364 = arith.constant 0 : i32
        %dma_wait3A_365 = tpu.memref_slice %arg15[%dma_wait3A_363, %dma_wait3A_364] : memref<10240x64xf32, #tpu.memory_space<vmem_shared>> -> memref<10240x64xf32, #tpu.memory_space<vmem_shared>>
        tpu.wait_indirect_dma semaphore(%arg19 : memref<!tpu.dma_semaphore, #tpu.memory_space<semaphore_mem>>) src(%arg11 : memref<128x64xf32, #tpu.memory_space<vmem>>) dst(%dma_wait3A_365 : memref<10240x64xf32, #tpu.memory_space<vmem_shared>>)
        %dma_start3A_366 = arith.constant 0 : i32
        %dma_start3A_367 = tpu.memref_slice %arg8[%add3A_357, %dma_start3A_366] : memref<80x128xi32, #tpu.memory_space<vmem>> -> memref<1x128xi32, #tpu.memory_space<vmem>>
        %dma_start3A_368 = tpu.memref_squeeze %dma_start3A_367 : memref<1x128xi32, #tpu.memory_space<vmem>> -> memref<128xi32, #tpu.memory_space<vmem>>
        %dma_start3A_369 = arith.constant 0 : i32
        %dma_start3A_370 = arith.constant 0 : i32
        %dma_start3A_371 = tpu.memref_slice %arg14[%dma_start3A_369, %dma_start3A_370] : memref<10240x64xf32, #tpu.memory_space<vmem_shared>> -> memref<10240x64xf32, #tpu.memory_space<vmem_shared>>
        tpu.enqueue_indirect_dma source(%dma_start3A_371 : memref<10240x64xf32, #tpu.memory_space<vmem_shared>>) target(%arg11 : memref<128x64xf32, #tpu.memory_space<vmem>>) offsets(%dma_start3A_368 : memref<128xi32, #tpu.memory_space<vmem>>) semaphore(%arg17 : memref<!tpu.dma_semaphore, #tpu.memory_space<semaphore_mem>>)
      } else {
      }
      %scan3A_332 = arith.constant 0 : i32
      scf.yield %scan3A_332 : i32
    }
    %scan3A_69 = arith.constant 40 : i32
    %dma_wait3A_70 = arith.constant 78 : i32
    %dma_wait3A_71 = arith.constant 0 : i32
    %dma_wait3A_72 = tpu.memref_slice %arg9[%dma_wait3A_70, %dma_wait3A_71] : memref<80x128xi32, #tpu.memory_space<vmem>> -> memref<1x128xi32, #tpu.memory_space<vmem>>
    %dma_wait3A_73 = tpu.memref_squeeze %dma_wait3A_72 : memref<1x128xi32, #tpu.memory_space<vmem>> -> memref<128xi32, #tpu.memory_space<vmem>>
    %dma_wait3A_74 = arith.constant 0 : i32
    %dma_wait3A_75 = arith.constant 0 : i32
    %dma_wait3A_76 = tpu.memref_slice %arg15[%dma_wait3A_74, %dma_wait3A_75] : memref<10240x64xf32, #tpu.memory_space<vmem_shared>> -> memref<10240x64xf32, #tpu.memory_space<vmem_shared>>
    tpu.wait_indirect_dma semaphore(%arg18 : memref<!tpu.dma_semaphore, #tpu.memory_space<semaphore_mem>>) src(%arg10 : memref<128x64xf32, #tpu.memory_space<vmem>>) dst(%dma_wait3A_76 : memref<10240x64xf32, #tpu.memory_space<vmem_shared>>)
    %dma_wait3A_77 = arith.constant 79 : i32
    %dma_wait3A_78 = arith.constant 0 : i32
    %dma_wait3A_79 = tpu.memref_slice %arg9[%dma_wait3A_77, %dma_wait3A_78] : memref<80x128xi32, #tpu.memory_space<vmem>> -> memref<1x128xi32, #tpu.memory_space<vmem>>
    %dma_wait3A_80 = tpu.memref_squeeze %dma_wait3A_79 : memref<1x128xi32, #tpu.memory_space<vmem>> -> memref<128xi32, #tpu.memory_space<vmem>>
    %dma_wait3A_81 = arith.constant 0 : i32
    %dma_wait3A_82 = arith.constant 0 : i32
    %dma_wait3A_83 = tpu.memref_slice %arg15[%dma_wait3A_81, %dma_wait3A_82] : memref<10240x64xf32, #tpu.memory_space<vmem_shared>> -> memref<10240x64xf32, #tpu.memory_space<vmem_shared>>
    tpu.wait_indirect_dma semaphore(%arg19 : memref<!tpu.dma_semaphore, #tpu.memory_space<semaphore_mem>>) src(%arg11 : memref<128x64xf32, #tpu.memory_space<vmem>>) dst(%dma_wait3A_83 : memref<10240x64xf32, #tpu.memory_space<vmem_shared>>)
    %barrier3A_84 = arith.constant 0 : index
    tpu.barrier barrier_id(%barrier3A_84)
    %add3A_85 = arith.constant 0 : i32
    %add3A_86 = arith.addi %mul3A_0, %add3A_85 : i32
    "tpu.region"() ({
      %run_scoped3A = tpu.sem_alloc : memref<!tpu.dma_semaphore, #tpu.memory_space<semaphore_mem>>
      %dma_start3A_294 = arith.constant 0 : i32
      %dma_start3A_295 = tpu.memref_slice %arg15[%add3A_86, %dma_start3A_294] : memref<10240x64xf32, #tpu.memory_space<vmem_shared>> -> memref<128x64xf32, #tpu.memory_space<vmem_shared>>
      %dma_start3A_296 = arith.constant 0 : i32
      %dma_start3A_297 = tpu.memref_slice %arg15[%add3A_86, %dma_start3A_296] : memref<10240x64xf32, #tpu.memory_space<vmem_shared>> -> memref<128x64xf32, #tpu.memory_space<vmem_shared>>
      tpu.enqueue_dma source(%dma_start3A_297 : memref<128x64xf32, #tpu.memory_space<vmem_shared>>) target(%arg10 : memref<128x64xf32, #tpu.memory_space<vmem>>) target_semaphore(%run_scoped3A : memref<!tpu.dma_semaphore, #tpu.memory_space<semaphore_mem>>)
      %dma_wait3A_298 = arith.constant 0 : i32
      %dma_wait3A_299 = tpu.memref_slice %arg15[%add3A_86, %dma_wait3A_298] : memref<10240x64xf32, #tpu.memory_space<vmem_shared>> -> memref<128x64xf32, #tpu.memory_space<vmem_shared>>
      %dma_wait3A_300 = arith.constant 0 : i32
      %dma_wait3A_301 = tpu.memref_slice %arg15[%add3A_86, %dma_wait3A_300] : memref<10240x64xf32, #tpu.memory_space<vmem_shared>> -> memref<128x64xf32, #tpu.memory_space<vmem_shared>>
      tpu.wait_dma2 semaphore(%run_scoped3A : memref<!tpu.dma_semaphore, #tpu.memory_space<semaphore_mem>>) src(%dma_wait3A_301 : memref<128x64xf32, #tpu.memory_space<vmem_shared>>) dst(%arg10 : memref<128x64xf32, #tpu.memory_space<vmem>>)
      tpu.yield
    }) : () -> ()
    %scan3A_87 = arith.constant 0 : i32
    %scan3A_88 = arith.constant 0 : i32
    %scan3A_89 = arith.constant 128 : i32
    %scan3A_90 = arith.addi %scan3A_88, %scan3A_89 : i32
    %scan3A_91 = arith.constant 1 : i32
    %scan3A_92 = scf.for %scan3A_294 = %scan3A_88 to %scan3A_90 step %scan3A_91 iter_args(%scan3A_295 = %scan3A_87) -> (i32)  : i32 {
      %add3A_296 = arith.constant 0 : i32
      %add3A_297 = arith.addi %add3A_296, %scan3A_294 : i32
      %get3A = arith.index_cast %add3A_297 : i32 to index
      %get3A_298 = tpu.vector_load %arg12[%get3A] {strides = array<i32>} : memref<656xf32, #tpu.memory_space<vmem>>, vector<16xf32>,
      %get3A_299 = vector.shape_cast %get3A_298 : vector<16xf32> to vector<16xf32>
      %slice3A = vector.extract_strided_slice %get3A_299 {offsets = [0], sizes = [1], strides = [1]} : vector<16xf32> to vector<1xf32>
      %squeeze3A = vector.extract %slice3A[0] : f32 from vector<1xf32>
      %broadcast_in_dim3A = vector.broadcast %squeeze3A : f32 to vector<16xf32>
      %get3A_300 = arith.index_cast %scan3A_294 : i32 to index
      %get3A_301 = arith.constant 0 : index
      %get3A_302 = tpu.vector_load %arg10[%get3A_300, %get3A_301] {strides = array<i32>} : memref<128x64xf32, #tpu.memory_space<vmem>>, vector<1x16xf32>,
      %get3A_303 = vector.shape_cast %get3A_302 : vector<1x16xf32> to vector<16xf32>
      %mul3A_304 = arith.mulf %get3A_303, %broadcast_in_dim3A : vector<16xf32>
      %swap3A = arith.index_cast %scan3A_294 : i32 to index
      %swap3A_305 = arith.constant 0 : index
      %swap3A_306 = tpu.vector_load %arg10[%swap3A, %swap3A_305] {strides = array<i32>} : memref<128x64xf32, #tpu.memory_space<vmem>>, vector<1x16xf32>,
      %swap3A_307 = vector.shape_cast %swap3A_306 : vector<1x16xf32> to vector<16xf32>
      %swap3A_308 = vector.shape_cast %mul3A_304 : vector<16xf32> to vector<1x16xf32>
      tpu.vector_store %arg10[%swap3A, %swap3A_305], %swap3A_308 {strides = array<i32>} : memref<128x64xf32, #tpu.memory_space<vmem>>, vector<1x16xf32>,
      %get3A_309 = arith.index_cast %scan3A_294 : i32 to index
      %get3A_310 = arith.constant 16 : index
      %get3A_311 = tpu.vector_load %arg10[%get3A_309, %get3A_310] {strides = array<i32>} : memref<128x64xf32, #tpu.memory_space<vmem>>, vector<1x16xf32>,
      %get3A_312 = vector.shape_cast %get3A_311 : vector<1x16xf32> to vector<16xf32>
      %mul3A_313 = arith.mulf %get3A_312, %broadcast_in_dim3A : vector<16xf32>
      %swap3A_314 = arith.index_cast %scan3A_294 : i32 to index
      %swap3A_315 = arith.constant 16 : index
      %swap3A_316 = tpu.vector_load %arg10[%swap3A_314, %swap3A_315] {strides = array<i32>} : memref<128x64xf32, #tpu.memory_space<vmem>>, vector<1x16xf32>,
      %swap3A_317 = vector.shape_cast %swap3A_316 : vector<1x16xf32> to vector<16xf32>
      %swap3A_318 = vector.shape_cast %mul3A_313 : vector<16xf32> to vector<1x16xf32>
      tpu.vector_store %arg10[%swap3A_314, %swap3A_315], %swap3A_318 {strides = array<i32>} : memref<128x64xf32, #tpu.memory_space<vmem>>, vector<1x16xf32>,
      %get3A_319 = arith.index_cast %scan3A_294 : i32 to index
      %get3A_320 = arith.constant 32 : index
      %get3A_321 = tpu.vector_load %arg10[%get3A_319, %get3A_320] {strides = array<i32>} : memref<128x64xf32, #tpu.memory_space<vmem>>, vector<1x16xf32>,
      %get3A_322 = vector.shape_cast %get3A_321 : vector<1x16xf32> to vector<16xf32>
      %mul3A_323 = arith.mulf %get3A_322, %broadcast_in_dim3A : vector<16xf32>
      %swap3A_324 = arith.index_cast %scan3A_294 : i32 to index
      %swap3A_325 = arith.constant 32 : index
      %swap3A_326 = tpu.vector_load %arg10[%swap3A_324, %swap3A_325] {strides = array<i32>} : memref<128x64xf32, #tpu.memory_space<vmem>>, vector<1x16xf32>,
      %swap3A_327 = vector.shape_cast %swap3A_326 : vector<1x16xf32> to vector<16xf32>
      %swap3A_328 = vector.shape_cast %mul3A_323 : vector<16xf32> to vector<1x16xf32>
      tpu.vector_store %arg10[%swap3A_324, %swap3A_325], %swap3A_328 {strides = array<i32>} : memref<128x64xf32, #tpu.memory_space<vmem>>, vector<1x16xf32>,
      %get3A_329 = arith.index_cast %scan3A_294 : i32 to index
      %get3A_330 = arith.constant 48 : index
      %get3A_331 = tpu.vector_load %arg10[%get3A_329, %get3A_330] {strides = array<i32>} : memref<128x64xf32, #tpu.memory_space<vmem>>, vector<1x16xf32>,
      %get3A_332 = vector.shape_cast %get3A_331 : vector<1x16xf32> to vector<16xf32>
      %mul3A_333 = arith.mulf %get3A_332, %broadcast_in_dim3A : vector<16xf32>
      %swap3A_334 = arith.index_cast %scan3A_294 : i32 to index
      %swap3A_335 = arith.constant 48 : index
      %swap3A_336 = tpu.vector_load %arg10[%swap3A_334, %swap3A_335] {strides = array<i32>} : memref<128x64xf32, #tpu.memory_space<vmem>>, vector<1x16xf32>,
      %swap3A_337 = vector.shape_cast %swap3A_336 : vector<1x16xf32> to vector<16xf32>
      %swap3A_338 = vector.shape_cast %mul3A_333 : vector<16xf32> to vector<1x16xf32>
      tpu.vector_store %arg10[%swap3A_334, %swap3A_335], %swap3A_338 {strides = array<i32>} : memref<128x64xf32, #tpu.memory_space<vmem>>, vector<1x16xf32>,
      %scan3A_339 = arith.constant 0 : i32
      scf.yield %scan3A_339 : i32
    }
    %scan3A_93 = arith.constant 128 : i32
    %add3A_94 = arith.constant 0 : i32
    %add3A_95 = arith.addi %mul3A_0, %add3A_94 : i32
    "tpu.region"() ({
      %run_scoped3A = tpu.sem_alloc : memref<!tpu.dma_semaphore, #tpu.memory_space<semaphore_mem>>
      %dma_start3A_294 = arith.constant 0 : i32
      %dma_start3A_295 = tpu.memref_slice %arg15[%add3A_95, %dma_start3A_294] : memref<10240x64xf32, #tpu.memory_space<vmem_shared>> -> memref<128x64xf32, #tpu.memory_space<vmem_shared>>
      %dma_start3A_296 = arith.constant 0 : i32
      %dma_start3A_297 = tpu.memref_slice %arg15[%add3A_95, %dma_start3A_296] : memref<10240x64xf32, #tpu.memory_space<vmem_shared>> -> memref<128x64xf32, #tpu.memory_space<vmem_shared>>
      tpu.enqueue_dma source(%arg10 : memref<128x64xf32, #tpu.memory_space<vmem>>) target(%dma_start3A_297 : memref<128x64xf32, #tpu.memory_space<vmem_shared>>) target_semaphore(%run_scoped3A : memref<!tpu.dma_semaphore, #tpu.memory_space<semaphore_mem>>)
      %dma_wait3A_298 = arith.constant 0 : i32
      %dma_wait3A_299 = tpu.memref_slice %arg15[%add3A_95, %dma_wait3A_298] : memref<10240x64xf32, #tpu.memory_space<vmem_shared>> -> memref<128x64xf32, #tpu.memory_space<vmem_shared>>
      %dma_wait3A_300 = arith.constant 0 : i32
      %dma_wait3A_301 = tpu.memref_slice %arg15[%add3A_95, %dma_wait3A_300] : memref<10240x64xf32, #tpu.memory_space<vmem_shared>> -> memref<128x64xf32, #tpu.memory_space<vmem_shared>>
      tpu.wait_dma2 semaphore(%run_scoped3A : memref<!tpu.dma_semaphore, #tpu.memory_space<semaphore_mem>>) src(%arg10 : memref<128x64xf32, #tpu.memory_space<vmem>>) dst(%dma_wait3A_301 : memref<128x64xf32, #tpu.memory_space<vmem_shared>>)
      tpu.yield
    }) : () -> ()
    %add3A_96 = arith.constant 128 : i32
    %add3A_97 = arith.addi %mul3A_0, %add3A_96 : i32
    "tpu.region"() ({
      %run_scoped3A = tpu.sem_alloc : memref<!tpu.dma_semaphore, #tpu.memory_space<semaphore_mem>>
      %dma_start3A_294 = arith.constant 0 : i32
      %dma_start3A_295 = tpu.memref_slice %arg15[%add3A_97, %dma_start3A_294] : memref<10240x64xf32, #tpu.memory_space<vmem_shared>> -> memref<128x64xf32, #tpu.memory_space<vmem_shared>>
      %dma_start3A_296 = arith.constant 0 : i32
      %dma_start3A_297 = tpu.memref_slice %arg15[%add3A_97, %dma_start3A_296] : memref<10240x64xf32, #tpu.memory_space<vmem_shared>> -> memref<128x64xf32, #tpu.memory_space<vmem_shared>>
      tpu.enqueue_dma source(%dma_start3A_297 : memref<128x64xf32, #tpu.memory_space<vmem_shared>>) target(%arg10 : memref<128x64xf32, #tpu.memory_space<vmem>>) target_semaphore(%run_scoped3A : memref<!tpu.dma_semaphore, #tpu.memory_space<semaphore_mem>>)
      %dma_wait3A_298 = arith.constant 0 : i32
      %dma_wait3A_299 = tpu.memref_slice %arg15[%add3A_97, %dma_wait3A_298] : memref<10240x64xf32, #tpu.memory_space<vmem_shared>> -> memref<128x64xf32, #tpu.memory_space<vmem_shared>>
      %dma_wait3A_300 = arith.constant 0 : i32
      %dma_wait3A_301 = tpu.memref_slice %arg15[%add3A_97, %dma_wait3A_300] : memref<10240x64xf32, #tpu.memory_space<vmem_shared>> -> memref<128x64xf32, #tpu.memory_space<vmem_shared>>
      tpu.wait_dma2 semaphore(%run_scoped3A : memref<!tpu.dma_semaphore, #tpu.memory_space<semaphore_mem>>) src(%dma_wait3A_301 : memref<128x64xf32, #tpu.memory_space<vmem_shared>>) dst(%arg10 : memref<128x64xf32, #tpu.memory_space<vmem>>)
      tpu.yield
    }) : () -> ()
    %scan3A_98 = arith.constant 0 : i32
    %scan3A_99 = arith.constant 0 : i32
    %scan3A_100 = arith.constant 128 : i32
    %scan3A_101 = arith.addi %scan3A_99, %scan3A_100 : i32
    %scan3A_102 = arith.constant 1 : i32
    %scan3A_103 = scf.for %scan3A_294 = %scan3A_99 to %scan3A_101 step %scan3A_102 iter_args(%scan3A_295 = %scan3A_98) -> (i32)  : i32 {
      %add3A_296 = arith.constant 128 : i32
      %add3A_297 = arith.addi %add3A_296, %scan3A_294 : i32
      %get3A = arith.index_cast %add3A_297 : i32 to index
      %get3A_298 = tpu.vector_load %arg12[%get3A] {strides = array<i32>} : memref<656xf32, #tpu.memory_space<vmem>>, vector<16xf32>,
      %get3A_299 = vector.shape_cast %get3A_298 : vector<16xf32> to vector<16xf32>
      %slice3A = vector.extract_strided_slice %get3A_299 {offsets = [0], sizes = [1], strides = [1]} : vector<16xf32> to vector<1xf32>
      %squeeze3A = vector.extract %slice3A[0] : f32 from vector<1xf32>
      %broadcast_in_dim3A = vector.broadcast %squeeze3A : f32 to vector<16xf32>
      %get3A_300 = arith.index_cast %scan3A_294 : i32 to index
      %get3A_301 = arith.constant 0 : index
      %get3A_302 = tpu.vector_load %arg10[%get3A_300, %get3A_301] {strides = array<i32>} : memref<128x64xf32, #tpu.memory_space<vmem>>, vector<1x16xf32>,
      %get3A_303 = vector.shape_cast %get3A_302 : vector<1x16xf32> to vector<16xf32>
      %mul3A_304 = arith.mulf %get3A_303, %broadcast_in_dim3A : vector<16xf32>
      %swap3A = arith.index_cast %scan3A_294 : i32 to index
      %swap3A_305 = arith.constant 0 : index
      %swap3A_306 = tpu.vector_load %arg10[%swap3A, %swap3A_305] {strides = array<i32>} : memref<128x64xf32, #tpu.memory_space<vmem>>, vector<1x16xf32>,
      %swap3A_307 = vector.shape_cast %swap3A_306 : vector<1x16xf32> to vector<16xf32>
      %swap3A_308 = vector.shape_cast %mul3A_304 : vector<16xf32> to vector<1x16xf32>
      tpu.vector_store %arg10[%swap3A, %swap3A_305], %swap3A_308 {strides = array<i32>} : memref<128x64xf32, #tpu.memory_space<vmem>>, vector<1x16xf32>,
      %get3A_309 = arith.index_cast %scan3A_294 : i32 to index
      %get3A_310 = arith.constant 16 : index
      %get3A_311 = tpu.vector_load %arg10[%get3A_309, %get3A_310] {strides = array<i32>} : memref<128x64xf32, #tpu.memory_space<vmem>>, vector<1x16xf32>,
      %get3A_312 = vector.shape_cast %get3A_311 : vector<1x16xf32> to vector<16xf32>
      %mul3A_313 = arith.mulf %get3A_312, %broadcast_in_dim3A : vector<16xf32>
      %swap3A_314 = arith.index_cast %scan3A_294 : i32 to index
      %swap3A_315 = arith.constant 16 : index
      %swap3A_316 = tpu.vector_load %arg10[%swap3A_314, %swap3A_315] {strides = array<i32>} : memref<128x64xf32, #tpu.memory_space<vmem>>, vector<1x16xf32>,
      %swap3A_317 = vector.shape_cast %swap3A_316 : vector<1x16xf32> to vector<16xf32>
      %swap3A_318 = vector.shape_cast %mul3A_313 : vector<16xf32> to vector<1x16xf32>
      tpu.vector_store %arg10[%swap3A_314, %swap3A_315], %swap3A_318 {strides = array<i32>} : memref<128x64xf32, #tpu.memory_space<vmem>>, vector<1x16xf32>,
      %get3A_319 = arith.index_cast %scan3A_294 : i32 to index
      %get3A_320 = arith.constant 32 : index
      %get3A_321 = tpu.vector_load %arg10[%get3A_319, %get3A_320] {strides = array<i32>} : memref<128x64xf32, #tpu.memory_space<vmem>>, vector<1x16xf32>,
      %get3A_322 = vector.shape_cast %get3A_321 : vector<1x16xf32> to vector<16xf32>
      %mul3A_323 = arith.mulf %get3A_322, %broadcast_in_dim3A : vector<16xf32>
      %swap3A_324 = arith.index_cast %scan3A_294 : i32 to index
      %swap3A_325 = arith.constant 32 : index
      %swap3A_326 = tpu.vector_load %arg10[%swap3A_324, %swap3A_325] {strides = array<i32>} : memref<128x64xf32, #tpu.memory_space<vmem>>, vector<1x16xf32>,
      %swap3A_327 = vector.shape_cast %swap3A_326 : vector<1x16xf32> to vector<16xf32>
      %swap3A_328 = vector.shape_cast %mul3A_323 : vector<16xf32> to vector<1x16xf32>
      tpu.vector_store %arg10[%swap3A_324, %swap3A_325], %swap3A_328 {strides = array<i32>} : memref<128x64xf32, #tpu.memory_space<vmem>>, vector<1x16xf32>,
      %get3A_329 = arith.index_cast %scan3A_294 : i32 to index
      %get3A_330 = arith.constant 48 : index
      %get3A_331 = tpu.vector_load %arg10[%get3A_329, %get3A_330] {strides = array<i32>} : memref<128x64xf32, #tpu.memory_space<vmem>>, vector<1x16xf32>,
      %get3A_332 = vector.shape_cast %get3A_331 : vector<1x16xf32> to vector<16xf32>
      %mul3A_333 = arith.mulf %get3A_332, %broadcast_in_dim3A : vector<16xf32>
      %swap3A_334 = arith.index_cast %scan3A_294 : i32 to index
      %swap3A_335 = arith.constant 48 : index
      %swap3A_336 = tpu.vector_load %arg10[%swap3A_334, %swap3A_335] {strides = array<i32>} : memref<128x64xf32, #tpu.memory_space<vmem>>, vector<1x16xf32>,
      %swap3A_337 = vector.shape_cast %swap3A_336 : vector<1x16xf32> to vector<16xf32>
      %swap3A_338 = vector.shape_cast %mul3A_333 : vector<16xf32> to vector<1x16xf32>
      tpu.vector_store %arg10[%swap3A_334, %swap3A_335], %swap3A_338 {strides = array<i32>} : memref<128x64xf32, #tpu.memory_space<vmem>>, vector<1x16xf32>,
      %scan3A_339 = arith.constant 0 : i32
      scf.yield %scan3A_339 : i32
    }
    %scan3A_104 = arith.constant 128 : i32
    %add3A_105 = arith.constant 128 : i32
    %add3A_106 = arith.addi %mul3A_0, %add3A_105 : i32
    "tpu.region"() ({
      %run_scoped3A = tpu.sem_alloc : memref<!tpu.dma_semaphore, #tpu.memory_space<semaphore_mem>>
      %dma_start3A_294 = arith.constant 0 : i32
      %dma_start3A_295 = tpu.memref_slice %arg15[%add3A_106, %dma_start3A_294] : memref<10240x64xf32, #tpu.memory_space<vmem_shared>> -> memref<128x64xf32, #tpu.memory_space<vmem_shared>>
      %dma_start3A_296 = arith.constant 0 : i32
      %dma_start3A_297 = tpu.memref_slice %arg15[%add3A_106, %dma_start3A_296] : memref<10240x64xf32, #tpu.memory_space<vmem_shared>> -> memref<128x64xf32, #tpu.memory_space<vmem_shared>>
      tpu.enqueue_dma source(%arg10 : memref<128x64xf32, #tpu.memory_space<vmem>>) target(%dma_start3A_297 : memref<128x64xf32, #tpu.memory_space<vmem_shared>>) target_semaphore(%run_scoped3A : memref<!tpu.dma_semaphore, #tpu.memory_space<semaphore_mem>>)
      %dma_wait3A_298 = arith.constant 0 : i32
      %dma_wait3A_299 = tpu.memref_slice %arg15[%add3A_106, %dma_wait3A_298] : memref<10240x64xf32, #tpu.memory_space<vmem_shared>> -> memref<128x64xf32, #tpu.memory_space<vmem_shared>>
      %dma_wait3A_300 = arith.constant 0 : i32
      %dma_wait3A_301 = tpu.memref_slice %arg15[%add3A_106, %dma_wait3A_300] : memref<10240x64xf32, #tpu.memory_space<vmem_shared>> -> memref<128x64xf32, #tpu.memory_space<vmem_shared>>
      tpu.wait_dma2 semaphore(%run_scoped3A : memref<!tpu.dma_semaphore, #tpu.memory_space<semaphore_mem>>) src(%arg10 : memref<128x64xf32, #tpu.memory_space<vmem>>) dst(%dma_wait3A_301 : memref<128x64xf32, #tpu.memory_space<vmem_shared>>)
      tpu.yield
    }) : () -> ()
    %add3A_107 = arith.constant 256 : i32
    %add3A_108 = arith.addi %mul3A_0, %add3A_107 : i32
    "tpu.region"() ({
      %run_scoped3A = tpu.sem_alloc : memref<!tpu.dma_semaphore, #tpu.memory_space<semaphore_mem>>
      %dma_start3A_294 = arith.constant 0 : i32
      %dma_start3A_295 = tpu.memref_slice %arg15[%add3A_108, %dma_start3A_294] : memref<10240x64xf32, #tpu.memory_space<vmem_shared>> -> memref<128x64xf32, #tpu.memory_space<vmem_shared>>
      %dma_start3A_296 = arith.constant 0 : i32
      %dma_start3A_297 = tpu.memref_slice %arg15[%add3A_108, %dma_start3A_296] : memref<10240x64xf32, #tpu.memory_space<vmem_shared>> -> memref<128x64xf32, #tpu.memory_space<vmem_shared>>
      tpu.enqueue_dma source(%dma_start3A_297 : memref<128x64xf32, #tpu.memory_space<vmem_shared>>) target(%arg10 : memref<128x64xf32, #tpu.memory_space<vmem>>) target_semaphore(%run_scoped3A : memref<!tpu.dma_semaphore, #tpu.memory_space<semaphore_mem>>)
      %dma_wait3A_298 = arith.constant 0 : i32
      %dma_wait3A_299 = tpu.memref_slice %arg15[%add3A_108, %dma_wait3A_298] : memref<10240x64xf32, #tpu.memory_space<vmem_shared>> -> memref<128x64xf32, #tpu.memory_space<vmem_shared>>
      %dma_wait3A_300 = arith.constant 0 : i32
      %dma_wait3A_301 = tpu.memref_slice %arg15[%add3A_108, %dma_wait3A_300] : memref<10240x64xf32, #tpu.memory_space<vmem_shared>> -> memref<128x64xf32, #tpu.memory_space<vmem_shared>>
      tpu.wait_dma2 semaphore(%run_scoped3A : memref<!tpu.dma_semaphore, #tpu.memory_space<semaphore_mem>>) src(%dma_wait3A_301 : memref<128x64xf32, #tpu.memory_space<vmem_shared>>) dst(%arg10 : memref<128x64xf32, #tpu.memory_space<vmem>>)
      tpu.yield
    }) : () -> ()
    %scan3A_109 = arith.constant 0 : i32
    %scan3A_110 = arith.constant 0 : i32
    %scan3A_111 = arith.constant 128 : i32
    %scan3A_112 = arith.addi %scan3A_110, %scan3A_111 : i32
    %scan3A_113 = arith.constant 1 : i32
    %scan3A_114 = scf.for %scan3A_294 = %scan3A_110 to %scan3A_112 step %scan3A_113 iter_args(%scan3A_295 = %scan3A_109) -> (i32)  : i32 {
      %add3A_296 = arith.constant 256 : i32
      %add3A_297 = arith.addi %add3A_296, %scan3A_294 : i32
      %get3A = arith.index_cast %add3A_297 : i32 to index
      %get3A_298 = tpu.vector_load %arg12[%get3A] {strides = array<i32>} : memref<656xf32, #tpu.memory_space<vmem>>, vector<16xf32>,
      %get3A_299 = vector.shape_cast %get3A_298 : vector<16xf32> to vector<16xf32>
      %slice3A = vector.extract_strided_slice %get3A_299 {offsets = [0], sizes = [1], strides = [1]} : vector<16xf32> to vector<1xf32>
      %squeeze3A = vector.extract %slice3A[0] : f32 from vector<1xf32>
      %broadcast_in_dim3A = vector.broadcast %squeeze3A : f32 to vector<16xf32>
      %get3A_300 = arith.index_cast %scan3A_294 : i32 to index
      %get3A_301 = arith.constant 0 : index
      %get3A_302 = tpu.vector_load %arg10[%get3A_300, %get3A_301] {strides = array<i32>} : memref<128x64xf32, #tpu.memory_space<vmem>>, vector<1x16xf32>,
      %get3A_303 = vector.shape_cast %get3A_302 : vector<1x16xf32> to vector<16xf32>
      %mul3A_304 = arith.mulf %get3A_303, %broadcast_in_dim3A : vector<16xf32>
      %swap3A = arith.index_cast %scan3A_294 : i32 to index
      %swap3A_305 = arith.constant 0 : index
      %swap3A_306 = tpu.vector_load %arg10[%swap3A, %swap3A_305] {strides = array<i32>} : memref<128x64xf32, #tpu.memory_space<vmem>>, vector<1x16xf32>,
      %swap3A_307 = vector.shape_cast %swap3A_306 : vector<1x16xf32> to vector<16xf32>
      %swap3A_308 = vector.shape_cast %mul3A_304 : vector<16xf32> to vector<1x16xf32>
      tpu.vector_store %arg10[%swap3A, %swap3A_305], %swap3A_308 {strides = array<i32>} : memref<128x64xf32, #tpu.memory_space<vmem>>, vector<1x16xf32>,
      %get3A_309 = arith.index_cast %scan3A_294 : i32 to index
      %get3A_310 = arith.constant 16 : index
      %get3A_311 = tpu.vector_load %arg10[%get3A_309, %get3A_310] {strides = array<i32>} : memref<128x64xf32, #tpu.memory_space<vmem>>, vector<1x16xf32>,
      %get3A_312 = vector.shape_cast %get3A_311 : vector<1x16xf32> to vector<16xf32>
      %mul3A_313 = arith.mulf %get3A_312, %broadcast_in_dim3A : vector<16xf32>
      %swap3A_314 = arith.index_cast %scan3A_294 : i32 to index
      %swap3A_315 = arith.constant 16 : index
      %swap3A_316 = tpu.vector_load %arg10[%swap3A_314, %swap3A_315] {strides = array<i32>} : memref<128x64xf32, #tpu.memory_space<vmem>>, vector<1x16xf32>,
      %swap3A_317 = vector.shape_cast %swap3A_316 : vector<1x16xf32> to vector<16xf32>
      %swap3A_318 = vector.shape_cast %mul3A_313 : vector<16xf32> to vector<1x16xf32>
      tpu.vector_store %arg10[%swap3A_314, %swap3A_315], %swap3A_318 {strides = array<i32>} : memref<128x64xf32, #tpu.memory_space<vmem>>, vector<1x16xf32>,
      %get3A_319 = arith.index_cast %scan3A_294 : i32 to index
      %get3A_320 = arith.constant 32 : index
      %get3A_321 = tpu.vector_load %arg10[%get3A_319, %get3A_320] {strides = array<i32>} : memref<128x64xf32, #tpu.memory_space<vmem>>, vector<1x16xf32>,
      %get3A_322 = vector.shape_cast %get3A_321 : vector<1x16xf32> to vector<16xf32>
      %mul3A_323 = arith.mulf %get3A_322, %broadcast_in_dim3A : vector<16xf32>
      %swap3A_324 = arith.index_cast %scan3A_294 : i32 to index
      %swap3A_325 = arith.constant 32 : index
      %swap3A_326 = tpu.vector_load %arg10[%swap3A_324, %swap3A_325] {strides = array<i32>} : memref<128x64xf32, #tpu.memory_space<vmem>>, vector<1x16xf32>,
      %swap3A_327 = vector.shape_cast %swap3A_326 : vector<1x16xf32> to vector<16xf32>
      %swap3A_328 = vector.shape_cast %mul3A_323 : vector<16xf32> to vector<1x16xf32>
      tpu.vector_store %arg10[%swap3A_324, %swap3A_325], %swap3A_328 {strides = array<i32>} : memref<128x64xf32, #tpu.memory_space<vmem>>, vector<1x16xf32>,
      %get3A_329 = arith.index_cast %scan3A_294 : i32 to index
      %get3A_330 = arith.constant 48 : index
      %get3A_331 = tpu.vector_load %arg10[%get3A_329, %get3A_330] {strides = array<i32>} : memref<128x64xf32, #tpu.memory_space<vmem>>, vector<1x16xf32>,
      %get3A_332 = vector.shape_cast %get3A_331 : vector<1x16xf32> to vector<16xf32>
      %mul3A_333 = arith.mulf %get3A_332, %broadcast_in_dim3A : vector<16xf32>
      %swap3A_334 = arith.index_cast %scan3A_294 : i32 to index
      %swap3A_335 = arith.constant 48 : index
      %swap3A_336 = tpu.vector_load %arg10[%swap3A_334, %swap3A_335] {strides = array<i32>} : memref<128x64xf32, #tpu.memory_space<vmem>>, vector<1x16xf32>,
      %swap3A_337 = vector.shape_cast %swap3A_336 : vector<1x16xf32> to vector<16xf32>
      %swap3A_338 = vector.shape_cast %mul3A_333 : vector<16xf32> to vector<1x16xf32>
      tpu.vector_store %arg10[%swap3A_334, %swap3A_335], %swap3A_338 {strides = array<i32>} : memref<128x64xf32, #tpu.memory_space<vmem>>, vector<1x16xf32>,
      %scan3A_339 = arith.constant 0 : i32
      scf.yield %scan3A_339 : i32
    }
    %scan3A_115 = arith.constant 128 : i32
    %add3A_116 = arith.constant 256 : i32
    %add3A_117 = arith.addi %mul3A_0, %add3A_116 : i32
    "tpu.region"() ({
      %run_scoped3A = tpu.sem_alloc : memref<!tpu.dma_semaphore, #tpu.memory_space<semaphore_mem>>
      %dma_start3A_294 = arith.constant 0 : i32
      %dma_start3A_295 = tpu.memref_slice %arg15[%add3A_117, %dma_start3A_294] : memref<10240x64xf32, #tpu.memory_space<vmem_shared>> -> memref<128x64xf32, #tpu.memory_space<vmem_shared>>
      %dma_start3A_296 = arith.constant 0 : i32
      %dma_start3A_297 = tpu.memref_slice %arg15[%add3A_117, %dma_start3A_296] : memref<10240x64xf32, #tpu.memory_space<vmem_shared>> -> memref<128x64xf32, #tpu.memory_space<vmem_shared>>
      tpu.enqueue_dma source(%arg10 : memref<128x64xf32, #tpu.memory_space<vmem>>) target(%dma_start3A_297 : memref<128x64xf32, #tpu.memory_space<vmem_shared>>) target_semaphore(%run_scoped3A : memref<!tpu.dma_semaphore, #tpu.memory_space<semaphore_mem>>)
      %dma_wait3A_298 = arith.constant 0 : i32
      %dma_wait3A_299 = tpu.memref_slice %arg15[%add3A_117, %dma_wait3A_298] : memref<10240x64xf32, #tpu.memory_space<vmem_shared>> -> memref<128x64xf32, #tpu.memory_space<vmem_shared>>
      %dma_wait3A_300 = arith.constant 0 : i32
      %dma_wait3A_301 = tpu.memref_slice %arg15[%add3A_117, %dma_wait3A_300] : memref<10240x64xf32, #tpu.memory_space<vmem_shared>> -> memref<128x64xf32, #tpu.memory_space<vmem_shared>>
      tpu.wait_dma2 semaphore(%run_scoped3A : memref<!tpu.dma_semaphore, #tpu.memory_space<semaphore_mem>>) src(%arg10 : memref<128x64xf32, #tpu.memory_space<vmem>>) dst(%dma_wait3A_301 : memref<128x64xf32, #tpu.memory_space<vmem_shared>>)
      tpu.yield
    }) : () -> ()
    %add3A_118 = arith.constant 384 : i32
    %add3A_119 = arith.addi %mul3A_0, %add3A_118 : i32
    "tpu.region"() ({
      %run_scoped3A = tpu.sem_alloc : memref<!tpu.dma_semaphore, #tpu.memory_space<semaphore_mem>>
      %dma_start3A_294 = arith.constant 0 : i32
      %dma_start3A_295 = tpu.memref_slice %arg15[%add3A_119, %dma_start3A_294] : memref<10240x64xf32, #tpu.memory_space<vmem_shared>> -> memref<128x64xf32, #tpu.memory_space<vmem_shared>>
      %dma_start3A_296 = arith.constant 0 : i32
      %dma_start3A_297 = tpu.memref_slice %arg15[%add3A_119, %dma_start3A_296] : memref<10240x64xf32, #tpu.memory_space<vmem_shared>> -> memref<128x64xf32, #tpu.memory_space<vmem_shared>>
      tpu.enqueue_dma source(%dma_start3A_297 : memref<128x64xf32, #tpu.memory_space<vmem_shared>>) target(%arg10 : memref<128x64xf32, #tpu.memory_space<vmem>>) target_semaphore(%run_scoped3A : memref<!tpu.dma_semaphore, #tpu.memory_space<semaphore_mem>>)
      %dma_wait3A_298 = arith.constant 0 : i32
      %dma_wait3A_299 = tpu.memref_slice %arg15[%add3A_119, %dma_wait3A_298] : memref<10240x64xf32, #tpu.memory_space<vmem_shared>> -> memref<128x64xf32, #tpu.memory_space<vmem_shared>>
      %dma_wait3A_300 = arith.constant 0 : i32
      %dma_wait3A_301 = tpu.memref_slice %arg15[%add3A_119, %dma_wait3A_300] : memref<10240x64xf32, #tpu.memory_space<vmem_shared>> -> memref<128x64xf32, #tpu.memory_space<vmem_shared>>
      tpu.wait_dma2 semaphore(%run_scoped3A : memref<!tpu.dma_semaphore, #tpu.memory_space<semaphore_mem>>) src(%dma_wait3A_301 : memref<128x64xf32, #tpu.memory_space<vmem_shared>>) dst(%arg10 : memref<128x64xf32, #tpu.memory_space<vmem>>)
      tpu.yield
    }) : () -> ()
    %scan3A_120 = arith.constant 0 : i32
    %scan3A_121 = arith.constant 0 : i32
    %scan3A_122 = arith.constant 128 : i32
    %scan3A_123 = arith.addi %scan3A_121, %scan3A_122 : i32
    %scan3A_124 = arith.constant 1 : i32
    %scan3A_125 = scf.for %scan3A_294 = %scan3A_121 to %scan3A_123 step %scan3A_124 iter_args(%scan3A_295 = %scan3A_120) -> (i32)  : i32 {
      %add3A_296 = arith.constant 384 : i32
      %add3A_297 = arith.addi %add3A_296, %scan3A_294 : i32
      %get3A = arith.index_cast %add3A_297 : i32 to index
      %get3A_298 = tpu.vector_load %arg12[%get3A] {strides = array<i32>} : memref<656xf32, #tpu.memory_space<vmem>>, vector<16xf32>,
      %get3A_299 = vector.shape_cast %get3A_298 : vector<16xf32> to vector<16xf32>
      %slice3A = vector.extract_strided_slice %get3A_299 {offsets = [0], sizes = [1], strides = [1]} : vector<16xf32> to vector<1xf32>
      %squeeze3A = vector.extract %slice3A[0] : f32 from vector<1xf32>
      %broadcast_in_dim3A = vector.broadcast %squeeze3A : f32 to vector<16xf32>
      %get3A_300 = arith.index_cast %scan3A_294 : i32 to index
      %get3A_301 = arith.constant 0 : index
      %get3A_302 = tpu.vector_load %arg10[%get3A_300, %get3A_301] {strides = array<i32>} : memref<128x64xf32, #tpu.memory_space<vmem>>, vector<1x16xf32>,
      %get3A_303 = vector.shape_cast %get3A_302 : vector<1x16xf32> to vector<16xf32>
      %mul3A_304 = arith.mulf %get3A_303, %broadcast_in_dim3A : vector<16xf32>
      %swap3A = arith.index_cast %scan3A_294 : i32 to index
      %swap3A_305 = arith.constant 0 : index
      %swap3A_306 = tpu.vector_load %arg10[%swap3A, %swap3A_305] {strides = array<i32>} : memref<128x64xf32, #tpu.memory_space<vmem>>, vector<1x16xf32>,
      %swap3A_307 = vector.shape_cast %swap3A_306 : vector<1x16xf32> to vector<16xf32>
      %swap3A_308 = vector.shape_cast %mul3A_304 : vector<16xf32> to vector<1x16xf32>
      tpu.vector_store %arg10[%swap3A, %swap3A_305], %swap3A_308 {strides = array<i32>} : memref<128x64xf32, #tpu.memory_space<vmem>>, vector<1x16xf32>,
      %get3A_309 = arith.index_cast %scan3A_294 : i32 to index
      %get3A_310 = arith.constant 16 : index
      %get3A_311 = tpu.vector_load %arg10[%get3A_309, %get3A_310] {strides = array<i32>} : memref<128x64xf32, #tpu.memory_space<vmem>>, vector<1x16xf32>,
      %get3A_312 = vector.shape_cast %get3A_311 : vector<1x16xf32> to vector<16xf32>
      %mul3A_313 = arith.mulf %get3A_312, %broadcast_in_dim3A : vector<16xf32>
      %swap3A_314 = arith.index_cast %scan3A_294 : i32 to index
      %swap3A_315 = arith.constant 16 : index
      %swap3A_316 = tpu.vector_load %arg10[%swap3A_314, %swap3A_315] {strides = array<i32>} : memref<128x64xf32, #tpu.memory_space<vmem>>, vector<1x16xf32>,
      %swap3A_317 = vector.shape_cast %swap3A_316 : vector<1x16xf32> to vector<16xf32>
      %swap3A_318 = vector.shape_cast %mul3A_313 : vector<16xf32> to vector<1x16xf32>
      tpu.vector_store %arg10[%swap3A_314, %swap3A_315], %swap3A_318 {strides = array<i32>} : memref<128x64xf32, #tpu.memory_space<vmem>>, vector<1x16xf32>,
      %get3A_319 = arith.index_cast %scan3A_294 : i32 to index
      %get3A_320 = arith.constant 32 : index
      %get3A_321 = tpu.vector_load %arg10[%get3A_319, %get3A_320] {strides = array<i32>} : memref<128x64xf32, #tpu.memory_space<vmem>>, vector<1x16xf32>,
      %get3A_322 = vector.shape_cast %get3A_321 : vector<1x16xf32> to vector<16xf32>
      %mul3A_323 = arith.mulf %get3A_322, %broadcast_in_dim3A : vector<16xf32>
      %swap3A_324 = arith.index_cast %scan3A_294 : i32 to index
      %swap3A_325 = arith.constant 32 : index
      %swap3A_326 = tpu.vector_load %arg10[%swap3A_324, %swap3A_325] {strides = array<i32>} : memref<128x64xf32, #tpu.memory_space<vmem>>, vector<1x16xf32>,
      %swap3A_327 = vector.shape_cast %swap3A_326 : vector<1x16xf32> to vector<16xf32>
      %swap3A_328 = vector.shape_cast %mul3A_323 : vector<16xf32> to vector<1x16xf32>
      tpu.vector_store %arg10[%swap3A_324, %swap3A_325], %swap3A_328 {strides = array<i32>} : memref<128x64xf32, #tpu.memory_space<vmem>>, vector<1x16xf32>,
      %get3A_329 = arith.index_cast %scan3A_294 : i32 to index
      %get3A_330 = arith.constant 48 : index
      %get3A_331 = tpu.vector_load %arg10[%get3A_329, %get3A_330] {strides = array<i32>} : memref<128x64xf32, #tpu.memory_space<vmem>>, vector<1x16xf32>,
      %get3A_332 = vector.shape_cast %get3A_331 : vector<1x16xf32> to vector<16xf32>
      %mul3A_333 = arith.mulf %get3A_332, %broadcast_in_dim3A : vector<16xf32>
      %swap3A_334 = arith.index_cast %scan3A_294 : i32 to index
      %swap3A_335 = arith.constant 48 : index
      %swap3A_336 = tpu.vector_load %arg10[%swap3A_334, %swap3A_335] {strides = array<i32>} : memref<128x64xf32, #tpu.memory_space<vmem>>, vector<1x16xf32>,
      %swap3A_337 = vector.shape_cast %swap3A_336 : vector<1x16xf32> to vector<16xf32>
      %swap3A_338 = vector.shape_cast %mul3A_333 : vector<16xf32> to vector<1x16xf32>
      tpu.vector_store %arg10[%swap3A_334, %swap3A_335], %swap3A_338 {strides = array<i32>} : memref<128x64xf32, #tpu.memory_space<vmem>>, vector<1x16xf32>,
      %scan3A_339 = arith.constant 0 : i32
      scf.yield %scan3A_339 : i32
    }
    %scan3A_126 = arith.constant 128 : i32
    %add3A_127 = arith.constant 384 : i32
    %add3A_128 = arith.addi %mul3A_0, %add3A_127 : i32
    "tpu.region"() ({
      %run_scoped3A = tpu.sem_alloc : memref<!tpu.dma_semaphore, #tpu.memory_space<semaphore_mem>>
      %dma_start3A_294 = arith.constant 0 : i32
      %dma_start3A_295 = tpu.memref_slice %arg15[%add3A_128, %dma_start3A_294] : memref<10240x64xf32, #tpu.memory_space<vmem_shared>> -> memref<128x64xf32, #tpu.memory_space<vmem_shared>>
      %dma_start3A_296 = arith.constant 0 : i32
      %dma_start3A_297 = tpu.memref_slice %arg15[%add3A_128, %dma_start3A_296] : memref<10240x64xf32, #tpu.memory_space<vmem_shared>> -> memref<128x64xf32, #tpu.memory_space<vmem_shared>>
      tpu.enqueue_dma source(%arg10 : memref<128x64xf32, #tpu.memory_space<vmem>>) target(%dma_start3A_297 : memref<128x64xf32, #tpu.memory_space<vmem_shared>>) target_semaphore(%run_scoped3A : memref<!tpu.dma_semaphore, #tpu.memory_space<semaphore_mem>>)
      %dma_wait3A_298 = arith.constant 0 : i32
      %dma_wait3A_299 = tpu.memref_slice %arg15[%add3A_128, %dma_wait3A_298] : memref<10240x64xf32, #tpu.memory_space<vmem_shared>> -> memref<128x64xf32, #tpu.memory_space<vmem_shared>>
      %dma_wait3A_300 = arith.constant 0 : i32
      %dma_wait3A_301 = tpu.memref_slice %arg15[%add3A_128, %dma_wait3A_300] : memref<10240x64xf32, #tpu.memory_space<vmem_shared>> -> memref<128x64xf32, #tpu.memory_space<vmem_shared>>
      tpu.wait_dma2 semaphore(%run_scoped3A : memref<!tpu.dma_semaphore, #tpu.memory_space<semaphore_mem>>) src(%arg10 : memref<128x64xf32, #tpu.memory_space<vmem>>) dst(%dma_wait3A_301 : memref<128x64xf32, #tpu.memory_space<vmem_shared>>)
      tpu.yield
    }) : () -> ()
    %add3A_129 = arith.constant 512 : i32
    %add3A_130 = arith.addi %mul3A_0, %add3A_129 : i32
    "tpu.region"() ({
      %run_scoped3A = tpu.sem_alloc : memref<!tpu.dma_semaphore, #tpu.memory_space<semaphore_mem>>
      %dma_start3A_294 = arith.constant 0 : i32
      %dma_start3A_295 = tpu.memref_slice %arg15[%add3A_130, %dma_start3A_294] : memref<10240x64xf32, #tpu.memory_space<vmem_shared>> -> memref<128x64xf32, #tpu.memory_space<vmem_shared>>
      %dma_start3A_296 = arith.constant 0 : i32
      %dma_start3A_297 = tpu.memref_slice %arg15[%add3A_130, %dma_start3A_296] : memref<10240x64xf32, #tpu.memory_space<vmem_shared>> -> memref<128x64xf32, #tpu.memory_space<vmem_shared>>
      tpu.enqueue_dma source(%dma_start3A_297 : memref<128x64xf32, #tpu.memory_space<vmem_shared>>) target(%arg10 : memref<128x64xf32, #tpu.memory_space<vmem>>) target_semaphore(%run_scoped3A : memref<!tpu.dma_semaphore, #tpu.memory_space<semaphore_mem>>)
      %dma_wait3A_298 = arith.constant 0 : i32
      %dma_wait3A_299 = tpu.memref_slice %arg15[%add3A_130, %dma_wait3A_298] : memref<10240x64xf32, #tpu.memory_space<vmem_shared>> -> memref<128x64xf32, #tpu.memory_space<vmem_shared>>
      %dma_wait3A_300 = arith.constant 0 : i32
      %dma_wait3A_301 = tpu.memref_slice %arg15[%add3A_130, %dma_wait3A_300] : memref<10240x64xf32, #tpu.memory_space<vmem_shared>> -> memref<128x64xf32, #tpu.memory_space<vmem_shared>>
      tpu.wait_dma2 semaphore(%run_scoped3A : memref<!tpu.dma_semaphore, #tpu.memory_space<semaphore_mem>>) src(%dma_wait3A_301 : memref<128x64xf32, #tpu.memory_space<vmem_shared>>) dst(%arg10 : memref<128x64xf32, #tpu.memory_space<vmem>>)
      tpu.yield
    }) : () -> ()
    %scan3A_131 = arith.constant 0 : i32
    %scan3A_132 = arith.constant 0 : i32
    %scan3A_133 = arith.constant 128 : i32
    %scan3A_134 = arith.addi %scan3A_132, %scan3A_133 : i32
    %scan3A_135 = arith.constant 1 : i32
    %scan3A_136 = scf.for %scan3A_294 = %scan3A_132 to %scan3A_134 step %scan3A_135 iter_args(%scan3A_295 = %scan3A_131) -> (i32)  : i32 {
      %add3A_296 = arith.constant 512 : i32
      %add3A_297 = arith.addi %add3A_296, %scan3A_294 : i32
      %get3A = arith.index_cast %add3A_297 : i32 to index
      %get3A_298 = tpu.vector_load %arg12[%get3A] {strides = array<i32>} : memref<656xf32, #tpu.memory_space<vmem>>, vector<16xf32>,
      %get3A_299 = vector.shape_cast %get3A_298 : vector<16xf32> to vector<16xf32>
      %slice3A = vector.extract_strided_slice %get3A_299 {offsets = [0], sizes = [1], strides = [1]} : vector<16xf32> to vector<1xf32>
      %squeeze3A = vector.extract %slice3A[0] : f32 from vector<1xf32>
      %broadcast_in_dim3A = vector.broadcast %squeeze3A : f32 to vector<16xf32>
      %get3A_300 = arith.index_cast %scan3A_294 : i32 to index
      %get3A_301 = arith.constant 0 : index
      %get3A_302 = tpu.vector_load %arg10[%get3A_300, %get3A_301] {strides = array<i32>} : memref<128x64xf32, #tpu.memory_space<vmem>>, vector<1x16xf32>,
      %get3A_303 = vector.shape_cast %get3A_302 : vector<1x16xf32> to vector<16xf32>
      %mul3A_304 = arith.mulf %get3A_303, %broadcast_in_dim3A : vector<16xf32>
      %swap3A = arith.index_cast %scan3A_294 : i32 to index
      %swap3A_305 = arith.constant 0 : index
      %swap3A_306 = tpu.vector_load %arg10[%swap3A, %swap3A_305] {strides = array<i32>} : memref<128x64xf32, #tpu.memory_space<vmem>>, vector<1x16xf32>,
      %swap3A_307 = vector.shape_cast %swap3A_306 : vector<1x16xf32> to vector<16xf32>
      %swap3A_308 = vector.shape_cast %mul3A_304 : vector<16xf32> to vector<1x16xf32>
      tpu.vector_store %arg10[%swap3A, %swap3A_305], %swap3A_308 {strides = array<i32>} : memref<128x64xf32, #tpu.memory_space<vmem>>, vector<1x16xf32>,
      %get3A_309 = arith.index_cast %scan3A_294 : i32 to index
      %get3A_310 = arith.constant 16 : index
      %get3A_311 = tpu.vector_load %arg10[%get3A_309, %get3A_310] {strides = array<i32>} : memref<128x64xf32, #tpu.memory_space<vmem>>, vector<1x16xf32>,
      %get3A_312 = vector.shape_cast %get3A_311 : vector<1x16xf32> to vector<16xf32>
      %mul3A_313 = arith.mulf %get3A_312, %broadcast_in_dim3A : vector<16xf32>
      %swap3A_314 = arith.index_cast %scan3A_294 : i32 to index
      %swap3A_315 = arith.constant 16 : index
      %swap3A_316 = tpu.vector_load %arg10[%swap3A_314, %swap3A_315] {strides = array<i32>} : memref<128x64xf32, #tpu.memory_space<vmem>>, vector<1x16xf32>,
      %swap3A_317 = vector.shape_cast %swap3A_316 : vector<1x16xf32> to vector<16xf32>
      %swap3A_318 = vector.shape_cast %mul3A_313 : vector<16xf32> to vector<1x16xf32>
      tpu.vector_store %arg10[%swap3A_314, %swap3A_315], %swap3A_318 {strides = array<i32>} : memref<128x64xf32, #tpu.memory_space<vmem>>, vector<1x16xf32>,
      %get3A_319 = arith.index_cast %scan3A_294 : i32 to index
      %get3A_320 = arith.constant 32 : index
      %get3A_321 = tpu.vector_load %arg10[%get3A_319, %get3A_320] {strides = array<i32>} : memref<128x64xf32, #tpu.memory_space<vmem>>, vector<1x16xf32>,
      %get3A_322 = vector.shape_cast %get3A_321 : vector<1x16xf32> to vector<16xf32>
      %mul3A_323 = arith.mulf %get3A_322, %broadcast_in_dim3A : vector<16xf32>
      %swap3A_324 = arith.index_cast %scan3A_294 : i32 to index
      %swap3A_325 = arith.constant 32 : index
      %swap3A_326 = tpu.vector_load %arg10[%swap3A_324, %swap3A_325] {strides = array<i32>} : memref<128x64xf32, #tpu.memory_space<vmem>>, vector<1x16xf32>,
      %swap3A_327 = vector.shape_cast %swap3A_326 : vector<1x16xf32> to vector<16xf32>
      %swap3A_328 = vector.shape_cast %mul3A_323 : vector<16xf32> to vector<1x16xf32>
      tpu.vector_store %arg10[%swap3A_324, %swap3A_325], %swap3A_328 {strides = array<i32>} : memref<128x64xf32, #tpu.memory_space<vmem>>, vector<1x16xf32>,
      %get3A_329 = arith.index_cast %scan3A_294 : i32 to index
      %get3A_330 = arith.constant 48 : index
      %get3A_331 = tpu.vector_load %arg10[%get3A_329, %get3A_330] {strides = array<i32>} : memref<128x64xf32, #tpu.memory_space<vmem>>, vector<1x16xf32>,
      %get3A_332 = vector.shape_cast %get3A_331 : vector<1x16xf32> to vector<16xf32>
      %mul3A_333 = arith.mulf %get3A_332, %broadcast_in_dim3A : vector<16xf32>
      %swap3A_334 = arith.index_cast %scan3A_294 : i32 to index
      %swap3A_335 = arith.constant 48 : index
      %swap3A_336 = tpu.vector_load %arg10[%swap3A_334, %swap3A_335] {strides = array<i32>} : memref<128x64xf32, #tpu.memory_space<vmem>>, vector<1x16xf32>,
      %swap3A_337 = vector.shape_cast %swap3A_336 : vector<1x16xf32> to vector<16xf32>
      %swap3A_338 = vector.shape_cast %mul3A_333 : vector<16xf32> to vector<1x16xf32>
      tpu.vector_store %arg10[%swap3A_334, %swap3A_335], %swap3A_338 {strides = array<i32>} : memref<128x64xf32, #tpu.memory_space<vmem>>, vector<1x16xf32>,
      %scan3A_339 = arith.constant 0 : i32
      scf.yield %scan3A_339 : i32
    }
    %scan3A_137 = arith.constant 128 : i32
    %add3A_138 = arith.constant 512 : i32
    %add3A_139 = arith.addi %mul3A_0, %add3A_138 : i32
    "tpu.region"() ({
      %run_scoped3A = tpu.sem_alloc : memref<!tpu.dma_semaphore, #tpu.memory_space<semaphore_mem>>
      %dma_start3A_294 = arith.constant 0 : i32
      %dma_start3A_295 = tpu.memref_slice %arg15[%add3A_139, %dma_start3A_294] : memref<10240x64xf32, #tpu.memory_space<vmem_shared>> -> memref<128x64xf32, #tpu.memory_space<vmem_shared>>
      %dma_start3A_296 = arith.constant 0 : i32
      %dma_start3A_297 = tpu.memref_slice %arg15[%add3A_139, %dma_start3A_296] : memref<10240x64xf32, #tpu.memory_space<vmem_shared>> -> memref<128x64xf32, #tpu.memory_space<vmem_shared>>
      tpu.enqueue_dma source(%arg10 : memref<128x64xf32, #tpu.memory_space<vmem>>) target(%dma_start3A_297 : memref<128x64xf32, #tpu.memory_space<vmem_shared>>) target_semaphore(%run_scoped3A : memref<!tpu.dma_semaphore, #tpu.memory_space<semaphore_mem>>)
      %dma_wait3A_298 = arith.constant 0 : i32
      %dma_wait3A_299 = tpu.memref_slice %arg15[%add3A_139, %dma_wait3A_298] : memref<10240x64xf32, #tpu.memory_space<vmem_shared>> -> memref<128x64xf32, #tpu.memory_space<vmem_shared>>
      %dma_wait3A_300 = arith.constant 0 : i32
      %dma_wait3A_301 = tpu.memref_slice %arg15[%add3A_139, %dma_wait3A_300] : memref<10240x64xf32, #tpu.memory_space<vmem_shared>> -> memref<128x64xf32, #tpu.memory_space<vmem_shared>>
      tpu.wait_dma2 semaphore(%run_scoped3A : memref<!tpu.dma_semaphore, #tpu.memory_space<semaphore_mem>>) src(%arg10 : memref<128x64xf32, #tpu.memory_space<vmem>>) dst(%dma_wait3A_301 : memref<128x64xf32, #tpu.memory_space<vmem_shared>>)
      tpu.yield
    }) : () -> ()
    %scan3A_140 = arith.constant 0 : i32
    %scan3A_141 = arith.constant 0 : i32
    %scan3A_142 = arith.constant 512 : i32
    %scan3A_143 = arith.addi %scan3A_141, %scan3A_142 : i32
    %scan3A_144 = arith.constant 1 : i32
    %scan3A_145 = scf.for %scan3A_294 = %scan3A_141 to %scan3A_143 step %scan3A_144 iter_args(%scan3A_295 = %scan3A_140) -> (i32)  : i32 {
      %jit3A = arith.constant 4 : i32
      %div3A = arith.divsi %scan3A_294, %jit3A : i32
      %sign3A = arith.constant 0 : i32
      %sign3A_296 = arith.cmpi sgt, %scan3A_294, %sign3A : i32
      %sign3A_297 = arith.extui %sign3A_296 : i1 to i32
      %sign3A_298 = arith.constant 0 : i32
      %sign3A_299 = arith.cmpi slt, %scan3A_294, %sign3A_298 : i32
      %sign3A_300 = arith.extui %sign3A_299 : i1 to i32
      %sign3A_301 = arith.subi %sign3A_297, %sign3A_300 : i32
      %sign3A_302 = arith.constant 0 : i32
      %sign3A_303 = arith.cmpi sgt, %jit3A, %sign3A_302 : i32
      %sign3A_304 = arith.extui %sign3A_303 : i1 to i32
      %sign3A_305 = arith.constant 0 : i32
      %sign3A_306 = arith.cmpi slt, %jit3A, %sign3A_305 : i32
      %sign3A_307 = arith.extui %sign3A_306 : i1 to i32
      %sign3A_308 = arith.subi %sign3A_304, %sign3A_307 : i32
      %ne3A = arith.cmpi ne, %sign3A_301, %sign3A_308 : i32
      %rem3A = arith.remsi %scan3A_294, %jit3A : i32
      %ne3A_309 = arith.constant 0 : i32
      %ne3A_310 = arith.cmpi ne, %rem3A, %ne3A_309 : i32
      %and3A = arith.andi %ne3A, %ne3A_310 : i1
      %sub3A = arith.constant 1 : i32
      %sub3A_311 = arith.subi %div3A, %sub3A : i32
      %select_n3A = arith.select %and3A, %sub3A_311, %div3A : i32
      %jit3A_312 = arith.constant 4 : i32
      %eq3A = arith.constant 0 : i32
      %eq3A_313 = arith.cmpi eq, %jit3A_312, %eq3A : i32
      %jit3A_314 = arith.constant 1 : i32
      %select_n3A_315 = arith.select %eq3A_313, %jit3A_314, %jit3A_312 : i32
      %rem3A_316 = arith.remsi %scan3A_294, %select_n3A_315 : i32
      %ne3A_317 = arith.constant 0 : i32
      %ne3A_318 = arith.cmpi ne, %rem3A_316, %ne3A_317 : i32
      %lt3A = arith.constant 0 : i32
      %lt3A_319 = arith.cmpi slt, %rem3A_316, %lt3A : i32
      %lt3A_320 = arith.constant 0 : i32
      %lt3A_321 = arith.cmpi slt, %select_n3A_315, %lt3A_320 : i32
      %ne3A_322 = arith.xori %lt3A_319, %lt3A_321 : i1
      %and3A_323 = arith.andi %ne3A_322, %ne3A_318 : i1
      %add3A_324 = arith.addi %rem3A_316, %select_n3A_315 : i32
      %select_n3A_325 = arith.select %and3A_323, %add3A_324, %rem3A_316 : i32
      %mul3A_326 = arith.constant 16 : i32
      %mul3A_327 = arith.muli %select_n3A_325, %mul3A_326 : i32
      %broadcast_in_dim3A = arith.constant 0.000000e+00 : f32
      %broadcast_in_dim3A_328 = vector.broadcast %broadcast_in_dim3A : f32 to vector<16xf32>
      %swap3A = arith.index_cast %select_n3A : i32 to index
      %swap3A_329 = arith.index_cast %mul3A_327 : i32 to index
      %swap3A_330 = tpu.vector_load %arg10[%swap3A, %swap3A_329] {strides = array<i32>} : memref<128x64xf32, #tpu.memory_space<vmem>>, vector<1x16xf32>,
      %swap3A_331 = vector.shape_cast %swap3A_330 : vector<1x16xf32> to vector<16xf32>
      %swap3A_332 = vector.shape_cast %broadcast_in_dim3A_328 : vector<16xf32> to vector<1x16xf32>
      tpu.vector_store %arg10[%swap3A, %swap3A_329], %swap3A_332 {strides = array<i32>} : memref<128x64xf32, #tpu.memory_space<vmem>>, vector<1x16xf32>,
      %scan3A_333 = arith.constant 0 : i32
      scf.yield %scan3A_333 : i32
    }
    %scan3A_146 = arith.constant 512 : i32
    %add3A_147 = arith.constant 0 : i32
    %add3A_148 = arith.addi %mul3A_0, %add3A_147 : i32
    "tpu.region"() ({
      %run_scoped3A = tpu.sem_alloc : memref<!tpu.dma_semaphore, #tpu.memory_space<semaphore_mem>>
      %dma_start3A_294 = arith.constant 0 : i32
      %dma_start3A_295 = tpu.memref_slice %arg14[%add3A_148, %dma_start3A_294] : memref<10240x64xf32, #tpu.memory_space<vmem_shared>> -> memref<128x64xf32, #tpu.memory_space<vmem_shared>>
      %dma_start3A_296 = arith.constant 0 : i32
      %dma_start3A_297 = tpu.memref_slice %arg14[%add3A_148, %dma_start3A_296] : memref<10240x64xf32, #tpu.memory_space<vmem_shared>> -> memref<128x64xf32, #tpu.memory_space<vmem_shared>>
      tpu.enqueue_dma source(%arg10 : memref<128x64xf32, #tpu.memory_space<vmem>>) target(%dma_start3A_297 : memref<128x64xf32, #tpu.memory_space<vmem_shared>>) target_semaphore(%run_scoped3A : memref<!tpu.dma_semaphore, #tpu.memory_space<semaphore_mem>>)
      %dma_wait3A_298 = arith.constant 0 : i32
      %dma_wait3A_299 = tpu.memref_slice %arg14[%add3A_148, %dma_wait3A_298] : memref<10240x64xf32, #tpu.memory_space<vmem_shared>> -> memref<128x64xf32, #tpu.memory_space<vmem_shared>>
      %dma_wait3A_300 = arith.constant 0 : i32
      %dma_wait3A_301 = tpu.memref_slice %arg14[%add3A_148, %dma_wait3A_300] : memref<10240x64xf32, #tpu.memory_space<vmem_shared>> -> memref<128x64xf32, #tpu.memory_space<vmem_shared>>
      tpu.wait_dma2 semaphore(%run_scoped3A : memref<!tpu.dma_semaphore, #tpu.memory_space<semaphore_mem>>) src(%arg10 : memref<128x64xf32, #tpu.memory_space<vmem>>) dst(%dma_wait3A_301 : memref<128x64xf32, #tpu.memory_space<vmem_shared>>)
      tpu.yield
    }) : () -> ()
    %add3A_149 = arith.constant 128 : i32
    %add3A_150 = arith.addi %mul3A_0, %add3A_149 : i32
    "tpu.region"() ({
      %run_scoped3A = tpu.sem_alloc : memref<!tpu.dma_semaphore, #tpu.memory_space<semaphore_mem>>
      %dma_start3A_294 = arith.constant 0 : i32
      %dma_start3A_295 = tpu.memref_slice %arg14[%add3A_150, %dma_start3A_294] : memref<10240x64xf32, #tpu.memory_space<vmem_shared>> -> memref<128x64xf32, #tpu.memory_space<vmem_shared>>
      %dma_start3A_296 = arith.constant 0 : i32
      %dma_start3A_297 = tpu.memref_slice %arg14[%add3A_150, %dma_start3A_296] : memref<10240x64xf32, #tpu.memory_space<vmem_shared>> -> memref<128x64xf32, #tpu.memory_space<vmem_shared>>
      tpu.enqueue_dma source(%arg10 : memref<128x64xf32, #tpu.memory_space<vmem>>) target(%dma_start3A_297 : memref<128x64xf32, #tpu.memory_space<vmem_shared>>) target_semaphore(%run_scoped3A : memref<!tpu.dma_semaphore, #tpu.memory_space<semaphore_mem>>)
      %dma_wait3A_298 = arith.constant 0 : i32
      %dma_wait3A_299 = tpu.memref_slice %arg14[%add3A_150, %dma_wait3A_298] : memref<10240x64xf32, #tpu.memory_space<vmem_shared>> -> memref<128x64xf32, #tpu.memory_space<vmem_shared>>
      %dma_wait3A_300 = arith.constant 0 : i32
      %dma_wait3A_301 = tpu.memref_slice %arg14[%add3A_150, %dma_wait3A_300] : memref<10240x64xf32, #tpu.memory_space<vmem_shared>> -> memref<128x64xf32, #tpu.memory_space<vmem_shared>>
      tpu.wait_dma2 semaphore(%run_scoped3A : memref<!tpu.dma_semaphore, #tpu.memory_space<semaphore_mem>>) src(%arg10 : memref<128x64xf32, #tpu.memory_space<vmem>>) dst(%dma_wait3A_301 : memref<128x64xf32, #tpu.memory_space<vmem_shared>>)
      tpu.yield
    }) : () -> ()
    %add3A_151 = arith.constant 256 : i32
    %add3A_152 = arith.addi %mul3A_0, %add3A_151 : i32
    "tpu.region"() ({
      %run_scoped3A = tpu.sem_alloc : memref<!tpu.dma_semaphore, #tpu.memory_space<semaphore_mem>>
      %dma_start3A_294 = arith.constant 0 : i32
      %dma_start3A_295 = tpu.memref_slice %arg14[%add3A_152, %dma_start3A_294] : memref<10240x64xf32, #tpu.memory_space<vmem_shared>> -> memref<128x64xf32, #tpu.memory_space<vmem_shared>>
      %dma_start3A_296 = arith.constant 0 : i32
      %dma_start3A_297 = tpu.memref_slice %arg14[%add3A_152, %dma_start3A_296] : memref<10240x64xf32, #tpu.memory_space<vmem_shared>> -> memref<128x64xf32, #tpu.memory_space<vmem_shared>>
      tpu.enqueue_dma source(%arg10 : memref<128x64xf32, #tpu.memory_space<vmem>>) target(%dma_start3A_297 : memref<128x64xf32, #tpu.memory_space<vmem_shared>>) target_semaphore(%run_scoped3A : memref<!tpu.dma_semaphore, #tpu.memory_space<semaphore_mem>>)
      %dma_wait3A_298 = arith.constant 0 : i32
      %dma_wait3A_299 = tpu.memref_slice %arg14[%add3A_152, %dma_wait3A_298] : memref<10240x64xf32, #tpu.memory_space<vmem_shared>> -> memref<128x64xf32, #tpu.memory_space<vmem_shared>>
      %dma_wait3A_300 = arith.constant 0 : i32
      %dma_wait3A_301 = tpu.memref_slice %arg14[%add3A_152, %dma_wait3A_300] : memref<10240x64xf32, #tpu.memory_space<vmem_shared>> -> memref<128x64xf32, #tpu.memory_space<vmem_shared>>
      tpu.wait_dma2 semaphore(%run_scoped3A : memref<!tpu.dma_semaphore, #tpu.memory_space<semaphore_mem>>) src(%arg10 : memref<128x64xf32, #tpu.memory_space<vmem>>) dst(%dma_wait3A_301 : memref<128x64xf32, #tpu.memory_space<vmem_shared>>)
      tpu.yield
    }) : () -> ()
    %add3A_153 = arith.constant 384 : i32
    %add3A_154 = arith.addi %mul3A_0, %add3A_153 : i32
    "tpu.region"() ({
      %run_scoped3A = tpu.sem_alloc : memref<!tpu.dma_semaphore, #tpu.memory_space<semaphore_mem>>
      %dma_start3A_294 = arith.constant 0 : i32
      %dma_start3A_295 = tpu.memref_slice %arg14[%add3A_154, %dma_start3A_294] : memref<10240x64xf32, #tpu.memory_space<vmem_shared>> -> memref<128x64xf32, #tpu.memory_space<vmem_shared>>
      %dma_start3A_296 = arith.constant 0 : i32
      %dma_start3A_297 = tpu.memref_slice %arg14[%add3A_154, %dma_start3A_296] : memref<10240x64xf32, #tpu.memory_space<vmem_shared>> -> memref<128x64xf32, #tpu.memory_space<vmem_shared>>
      tpu.enqueue_dma source(%arg10 : memref<128x64xf32, #tpu.memory_space<vmem>>) target(%dma_start3A_297 : memref<128x64xf32, #tpu.memory_space<vmem_shared>>) target_semaphore(%run_scoped3A : memref<!tpu.dma_semaphore, #tpu.memory_space<semaphore_mem>>)
      %dma_wait3A_298 = arith.constant 0 : i32
      %dma_wait3A_299 = tpu.memref_slice %arg14[%add3A_154, %dma_wait3A_298] : memref<10240x64xf32, #tpu.memory_space<vmem_shared>> -> memref<128x64xf32, #tpu.memory_space<vmem_shared>>
      %dma_wait3A_300 = arith.constant 0 : i32
      %dma_wait3A_301 = tpu.memref_slice %arg14[%add3A_154, %dma_wait3A_300] : memref<10240x64xf32, #tpu.memory_space<vmem_shared>> -> memref<128x64xf32, #tpu.memory_space<vmem_shared>>
      tpu.wait_dma2 semaphore(%run_scoped3A : memref<!tpu.dma_semaphore, #tpu.memory_space<semaphore_mem>>) src(%arg10 : memref<128x64xf32, #tpu.memory_space<vmem>>) dst(%dma_wait3A_301 : memref<128x64xf32, #tpu.memory_space<vmem_shared>>)
      tpu.yield
    }) : () -> ()
    %add3A_155 = arith.constant 512 : i32
    %add3A_156 = arith.addi %mul3A_0, %add3A_155 : i32
    "tpu.region"() ({
      %run_scoped3A = tpu.sem_alloc : memref<!tpu.dma_semaphore, #tpu.memory_space<semaphore_mem>>
      %dma_start3A_294 = arith.constant 0 : i32
      %dma_start3A_295 = tpu.memref_slice %arg14[%add3A_156, %dma_start3A_294] : memref<10240x64xf32, #tpu.memory_space<vmem_shared>> -> memref<128x64xf32, #tpu.memory_space<vmem_shared>>
      %dma_start3A_296 = arith.constant 0 : i32
      %dma_start3A_297 = tpu.memref_slice %arg14[%add3A_156, %dma_start3A_296] : memref<10240x64xf32, #tpu.memory_space<vmem_shared>> -> memref<128x64xf32, #tpu.memory_space<vmem_shared>>
      tpu.enqueue_dma source(%arg10 : memref<128x64xf32, #tpu.memory_space<vmem>>) target(%dma_start3A_297 : memref<128x64xf32, #tpu.memory_space<vmem_shared>>) target_semaphore(%run_scoped3A : memref<!tpu.dma_semaphore, #tpu.memory_space<semaphore_mem>>)
      %dma_wait3A_298 = arith.constant 0 : i32
      %dma_wait3A_299 = tpu.memref_slice %arg14[%add3A_156, %dma_wait3A_298] : memref<10240x64xf32, #tpu.memory_space<vmem_shared>> -> memref<128x64xf32, #tpu.memory_space<vmem_shared>>
      %dma_wait3A_300 = arith.constant 0 : i32
      %dma_wait3A_301 = tpu.memref_slice %arg14[%add3A_156, %dma_wait3A_300] : memref<10240x64xf32, #tpu.memory_space<vmem_shared>> -> memref<128x64xf32, #tpu.memory_space<vmem_shared>>
      tpu.wait_dma2 semaphore(%run_scoped3A : memref<!tpu.dma_semaphore, #tpu.memory_space<semaphore_mem>>) src(%arg10 : memref<128x64xf32, #tpu.memory_space<vmem>>) dst(%dma_wait3A_301 : memref<128x64xf32, #tpu.memory_space<vmem_shared>>)
      tpu.yield
    }) : () -> ()
    %barrier3A_157 = arith.constant 0 : index
    tpu.barrier barrier_id(%barrier3A_157)
    "tpu.region"() ({
      %run_scoped3A = tpu.sem_alloc : memref<!tpu.dma_semaphore, #tpu.memory_space<semaphore_mem>>
      %dma_start3A_294 = arith.constant 0 : i32
      %dma_start3A_295 = arith.constant 0 : i32
      %dma_start3A_296 = tpu.memref_slice %arg6[%arg1, %dma_start3A_294, %dma_start3A_295] : memref<16x160x128xi32, #tpu.memory_space<hbm>> -> memref<1x80x128xi32, #tpu.memory_space<hbm>>
      %dma_start3A_297 = tpu.memref_squeeze %dma_start3A_296 : memref<1x80x128xi32, #tpu.memory_space<hbm>> -> memref<80x128xi32, #tpu.memory_space<hbm>>
      %dma_start3A_298 = arith.constant 0 : i32
      %dma_start3A_299 = arith.constant 0 : i32
      %dma_start3A_300 = tpu.memref_slice %arg6[%arg1, %dma_start3A_298, %dma_start3A_299] : memref<16x160x128xi32, #tpu.memory_space<hbm>> -> memref<1x80x128xi32, #tpu.memory_space<hbm>>
      %dma_start3A_301 = tpu.memref_squeeze %dma_start3A_300 : memref<1x80x128xi32, #tpu.memory_space<hbm>> -> memref<80x128xi32, #tpu.memory_space<hbm>>
      tpu.enqueue_dma source(%dma_start3A_301 : memref<80x128xi32, #tpu.memory_space<hbm>>) target(%arg8 : memref<80x128xi32, #tpu.memory_space<vmem>>) target_semaphore(%run_scoped3A : memref<!tpu.dma_semaphore, #tpu.memory_space<semaphore_mem>>)
      %dma_wait3A_302 = arith.constant 0 : i32
      %dma_wait3A_303 = arith.constant 0 : i32
      %dma_wait3A_304 = tpu.memref_slice %arg6[%arg1, %dma_wait3A_302, %dma_wait3A_303] : memref<16x160x128xi32, #tpu.memory_space<hbm>> -> memref<1x80x128xi32, #tpu.memory_space<hbm>>
      %dma_wait3A_305 = tpu.memref_squeeze %dma_wait3A_304 : memref<1x80x128xi32, #tpu.memory_space<hbm>> -> memref<80x128xi32, #tpu.memory_space<hbm>>
      %dma_wait3A_306 = arith.constant 0 : i32
      %dma_wait3A_307 = arith.constant 0 : i32
      %dma_wait3A_308 = tpu.memref_slice %arg6[%arg1, %dma_wait3A_306, %dma_wait3A_307] : memref<16x160x128xi32, #tpu.memory_space<hbm>> -> memref<1x80x128xi32, #tpu.memory_space<hbm>>
      %dma_wait3A_309 = tpu.memref_squeeze %dma_wait3A_308 : memref<1x80x128xi32, #tpu.memory_space<hbm>> -> memref<80x128xi32, #tpu.memory_space<hbm>>
      tpu.wait_dma2 semaphore(%run_scoped3A : memref<!tpu.dma_semaphore, #tpu.memory_space<semaphore_mem>>) src(%dma_wait3A_309 : memref<80x128xi32, #tpu.memory_space<hbm>>) dst(%arg8 : memref<80x128xi32, #tpu.memory_space<vmem>>)
      tpu.yield
    }) : () -> ()
    "tpu.region"() ({
      %run_scoped3A = tpu.sem_alloc : memref<!tpu.dma_semaphore, #tpu.memory_space<semaphore_mem>>
      %dma_start3A_294 = arith.constant 0 : i32
      %dma_start3A_295 = arith.constant 0 : i32
      %dma_start3A_296 = tpu.memref_slice %arg5[%arg1, %dma_start3A_294, %dma_start3A_295] : memref<16x160x128xi32, #tpu.memory_space<hbm>> -> memref<1x80x128xi32, #tpu.memory_space<hbm>>
      %dma_start3A_297 = tpu.memref_squeeze %dma_start3A_296 : memref<1x80x128xi32, #tpu.memory_space<hbm>> -> memref<80x128xi32, #tpu.memory_space<hbm>>
      %dma_start3A_298 = arith.constant 0 : i32
      %dma_start3A_299 = arith.constant 0 : i32
      %dma_start3A_300 = tpu.memref_slice %arg5[%arg1, %dma_start3A_298, %dma_start3A_299] : memref<16x160x128xi32, #tpu.memory_space<hbm>> -> memref<1x80x128xi32, #tpu.memory_space<hbm>>
      %dma_start3A_301 = tpu.memref_squeeze %dma_start3A_300 : memref<1x80x128xi32, #tpu.memory_space<hbm>> -> memref<80x128xi32, #tpu.memory_space<hbm>>
      tpu.enqueue_dma source(%dma_start3A_301 : memref<80x128xi32, #tpu.memory_space<hbm>>) target(%arg9 : memref<80x128xi32, #tpu.memory_space<vmem>>) target_semaphore(%run_scoped3A : memref<!tpu.dma_semaphore, #tpu.memory_space<semaphore_mem>>)
      %dma_wait3A_302 = arith.constant 0 : i32
      %dma_wait3A_303 = arith.constant 0 : i32
      %dma_wait3A_304 = tpu.memref_slice %arg5[%arg1, %dma_wait3A_302, %dma_wait3A_303] : memref<16x160x128xi32, #tpu.memory_space<hbm>> -> memref<1x80x128xi32, #tpu.memory_space<hbm>>
      %dma_wait3A_305 = tpu.memref_squeeze %dma_wait3A_304 : memref<1x80x128xi32, #tpu.memory_space<hbm>> -> memref<80x128xi32, #tpu.memory_space<hbm>>
      %dma_wait3A_306 = arith.constant 0 : i32
      %dma_wait3A_307 = arith.constant 0 : i32
      %dma_wait3A_308 = tpu.memref_slice %arg5[%arg1, %dma_wait3A_306, %dma_wait3A_307] : memref<16x160x128xi32, #tpu.memory_space<hbm>> -> memref<1x80x128xi32, #tpu.memory_space<hbm>>
      %dma_wait3A_309 = tpu.memref_squeeze %dma_wait3A_308 : memref<1x80x128xi32, #tpu.memory_space<hbm>> -> memref<80x128xi32, #tpu.memory_space<hbm>>
      tpu.wait_dma2 semaphore(%run_scoped3A : memref<!tpu.dma_semaphore, #tpu.memory_space<semaphore_mem>>) src(%dma_wait3A_309 : memref<80x128xi32, #tpu.memory_space<hbm>>) dst(%arg9 : memref<80x128xi32, #tpu.memory_space<vmem>>)
      tpu.yield
    }) : () -> ()
    %dma_start3A_158 = arith.constant 0 : i32
    %dma_start3A_159 = arith.constant 0 : i32
    %dma_start3A_160 = tpu.memref_slice %arg8[%dma_start3A_158, %dma_start3A_159] : memref<80x128xi32, #tpu.memory_space<vmem>> -> memref<1x128xi32, #tpu.memory_space<vmem>>
    %dma_start3A_161 = tpu.memref_squeeze %dma_start3A_160 : memref<1x128xi32, #tpu.memory_space<vmem>> -> memref<128xi32, #tpu.memory_space<vmem>>
    %dma_start3A_162 = arith.constant 0 : i32
    %dma_start3A_163 = arith.constant 0 : i32
    %dma_start3A_164 = tpu.memref_slice %arg15[%dma_start3A_162, %dma_start3A_163] : memref<10240x64xf32, #tpu.memory_space<vmem_shared>> -> memref<10240x64xf32, #tpu.memory_space<vmem_shared>>
    tpu.enqueue_indirect_dma source(%dma_start3A_164 : memref<10240x64xf32, #tpu.memory_space<vmem_shared>>) target(%arg10 : memref<128x64xf32, #tpu.memory_space<vmem>>) offsets(%dma_start3A_161 : memref<128xi32, #tpu.memory_space<vmem>>) semaphore(%arg16 : memref<!tpu.dma_semaphore, #tpu.memory_space<semaphore_mem>>)
    %dma_start3A_165 = arith.constant 1 : i32
    %dma_start3A_166 = arith.constant 0 : i32
    %dma_start3A_167 = tpu.memref_slice %arg8[%dma_start3A_165, %dma_start3A_166] : memref<80x128xi32, #tpu.memory_space<vmem>> -> memref<1x128xi32, #tpu.memory_space<vmem>>
    %dma_start3A_168 = tpu.memref_squeeze %dma_start3A_167 : memref<1x128xi32, #tpu.memory_space<vmem>> -> memref<128xi32, #tpu.memory_space<vmem>>
    %dma_start3A_169 = arith.constant 0 : i32
    %dma_start3A_170 = arith.constant 0 : i32
    %dma_start3A_171 = tpu.memref_slice %arg15[%dma_start3A_169, %dma_start3A_170] : memref<10240x64xf32, #tpu.memory_space<vmem_shared>> -> memref<10240x64xf32, #tpu.memory_space<vmem_shared>>
    tpu.enqueue_indirect_dma source(%dma_start3A_171 : memref<10240x64xf32, #tpu.memory_space<vmem_shared>>) target(%arg11 : memref<128x64xf32, #tpu.memory_space<vmem>>) offsets(%dma_start3A_168 : memref<128xi32, #tpu.memory_space<vmem>>) semaphore(%arg17 : memref<!tpu.dma_semaphore, #tpu.memory_space<semaphore_mem>>)
    %scan3A_172 = arith.constant 0 : i32
    %scan3A_173 = arith.constant 0 : i32
    %scan3A_174 = arith.constant 40 : i32
    %scan3A_175 = arith.addi %scan3A_173, %scan3A_174 : i32
    %scan3A_176 = arith.constant 1 : i32
    %scan3A_177 = scf.for %scan3A_294 = %scan3A_173 to %scan3A_175 step %scan3A_176 iter_args(%scan3A_295 = %scan3A_172) -> (i32)  : i32 {
      %mul3A_296 = arith.constant 2 : i32
      %mul3A_297 = arith.muli %mul3A_296, %scan3A_294 : i32
      %add3A_298 = arith.constant 0 : i32
      %add3A_299 = arith.addi %mul3A_297, %add3A_298 : i32
      %dma_wait3A_300 = arith.constant 0 : i32
      %dma_wait3A_301 = tpu.memref_slice %arg8[%add3A_299, %dma_wait3A_300] : memref<80x128xi32, #tpu.memory_space<vmem>> -> memref<1x128xi32, #tpu.memory_space<vmem>>
      %dma_wait3A_302 = tpu.memref_squeeze %dma_wait3A_301 : memref<1x128xi32, #tpu.memory_space<vmem>> -> memref<128xi32, #tpu.memory_space<vmem>>
      %dma_wait3A_303 = arith.constant 0 : i32
      %dma_wait3A_304 = arith.constant 0 : i32
      %dma_wait3A_305 = tpu.memref_slice %arg15[%dma_wait3A_303, %dma_wait3A_304] : memref<10240x64xf32, #tpu.memory_space<vmem_shared>> -> memref<10240x64xf32, #tpu.memory_space<vmem_shared>>
      tpu.wait_indirect_dma semaphore(%arg16 : memref<!tpu.dma_semaphore, #tpu.memory_space<semaphore_mem>>) src(%dma_wait3A_305 : memref<10240x64xf32, #tpu.memory_space<vmem_shared>>) dst(%arg10 : memref<128x64xf32, #tpu.memory_space<vmem>>)
      %dma_start3A_306 = arith.constant 0 : i32
      %dma_start3A_307 = tpu.memref_slice %arg9[%add3A_299, %dma_start3A_306] : memref<80x128xi32, #tpu.memory_space<vmem>> -> memref<1x128xi32, #tpu.memory_space<vmem>>
      %dma_start3A_308 = tpu.memref_squeeze %dma_start3A_307 : memref<1x128xi32, #tpu.memory_space<vmem>> -> memref<128xi32, #tpu.memory_space<vmem>>
      %dma_start3A_309 = arith.constant 0 : i32
      %dma_start3A_310 = arith.constant 0 : i32
      %dma_start3A_311 = tpu.memref_slice %arg14[%dma_start3A_309, %dma_start3A_310] : memref<10240x64xf32, #tpu.memory_space<vmem_shared>> -> memref<10240x64xf32, #tpu.memory_space<vmem_shared>>
      tpu.enqueue_indirect_dma source(%arg10 : memref<128x64xf32, #tpu.memory_space<vmem>>) target(%dma_start3A_311 : memref<10240x64xf32, #tpu.memory_space<vmem_shared>>) offsets(%dma_start3A_308 : memref<128xi32, #tpu.memory_space<vmem>>) semaphore(%arg18 : memref<!tpu.dma_semaphore, #tpu.memory_space<semaphore_mem>>) {add = true}
      %mul3A_312 = arith.constant 2 : i32
      %mul3A_313 = arith.muli %mul3A_312, %scan3A_294 : i32
      %add3A_314 = arith.constant 1 : i32
      %add3A_315 = arith.addi %mul3A_313, %add3A_314 : i32
      %dma_wait3A_316 = arith.constant 0 : i32
      %dma_wait3A_317 = tpu.memref_slice %arg8[%add3A_315, %dma_wait3A_316] : memref<80x128xi32, #tpu.memory_space<vmem>> -> memref<1x128xi32, #tpu.memory_space<vmem>>
      %dma_wait3A_318 = tpu.memref_squeeze %dma_wait3A_317 : memref<1x128xi32, #tpu.memory_space<vmem>> -> memref<128xi32, #tpu.memory_space<vmem>>
      %dma_wait3A_319 = arith.constant 0 : i32
      %dma_wait3A_320 = arith.constant 0 : i32
      %dma_wait3A_321 = tpu.memref_slice %arg15[%dma_wait3A_319, %dma_wait3A_320] : memref<10240x64xf32, #tpu.memory_space<vmem_shared>> -> memref<10240x64xf32, #tpu.memory_space<vmem_shared>>
      tpu.wait_indirect_dma semaphore(%arg17 : memref<!tpu.dma_semaphore, #tpu.memory_space<semaphore_mem>>) src(%dma_wait3A_321 : memref<10240x64xf32, #tpu.memory_space<vmem_shared>>) dst(%arg11 : memref<128x64xf32, #tpu.memory_space<vmem>>)
      %dma_start3A_322 = arith.constant 0 : i32
      %dma_start3A_323 = tpu.memref_slice %arg9[%add3A_315, %dma_start3A_322] : memref<80x128xi32, #tpu.memory_space<vmem>> -> memref<1x128xi32, #tpu.memory_space<vmem>>
      %dma_start3A_324 = tpu.memref_squeeze %dma_start3A_323 : memref<1x128xi32, #tpu.memory_space<vmem>> -> memref<128xi32, #tpu.memory_space<vmem>>
      %dma_start3A_325 = arith.constant 0 : i32
      %dma_start3A_326 = arith.constant 0 : i32
      %dma_start3A_327 = tpu.memref_slice %arg14[%dma_start3A_325, %dma_start3A_326] : memref<10240x64xf32, #tpu.memory_space<vmem_shared>> -> memref<10240x64xf32, #tpu.memory_space<vmem_shared>>
      tpu.enqueue_indirect_dma source(%arg11 : memref<128x64xf32, #tpu.memory_space<vmem>>) target(%dma_start3A_327 : memref<10240x64xf32, #tpu.memory_space<vmem_shared>>) offsets(%dma_start3A_324 : memref<128xi32, #tpu.memory_space<vmem>>) semaphore(%arg19 : memref<!tpu.dma_semaphore, #tpu.memory_space<semaphore_mem>>) {add = true}
      %add3A_328 = arith.constant 1 : i32
      %add3A_329 = arith.addi %scan3A_294, %add3A_328 : i32
      %lt3A = arith.constant 40 : i32
      %lt3A_330 = arith.cmpi slt, %add3A_329, %lt3A : i32
      %convert_element_type3A = arith.extui %lt3A_330 : i1 to i32
      %cond3A = arith.constant 0 : i32
      %cond3A_331 = arith.cmpi ne, %convert_element_type3A, %cond3A : i32
      scf.if %cond3A_331 {
        %add3A_333 = arith.constant 1 : i32
        %add3A_334 = arith.addi %scan3A_294, %add3A_333 : i32
        %mul3A_335 = arith.constant 2 : i32
        %mul3A_336 = arith.muli %mul3A_335, %add3A_334 : i32
        %add3A_337 = arith.constant 0 : i32
        %add3A_338 = arith.addi %mul3A_336, %add3A_337 : i32
        %sub3A = arith.constant 2 : i32
        %sub3A_339 = arith.subi %add3A_338, %sub3A : i32
        %dma_wait3A_340 = arith.constant 0 : i32
        %dma_wait3A_341 = tpu.memref_slice %arg9[%sub3A_339, %dma_wait3A_340] : memref<80x128xi32, #tpu.memory_space<vmem>> -> memref<1x128xi32, #tpu.memory_space<vmem>>
        %dma_wait3A_342 = tpu.memref_squeeze %dma_wait3A_341 : memref<1x128xi32, #tpu.memory_space<vmem>> -> memref<128xi32, #tpu.memory_space<vmem>>
        %dma_wait3A_343 = arith.constant 0 : i32
        %dma_wait3A_344 = arith.constant 0 : i32
        %dma_wait3A_345 = tpu.memref_slice %arg14[%dma_wait3A_343, %dma_wait3A_344] : memref<10240x64xf32, #tpu.memory_space<vmem_shared>> -> memref<10240x64xf32, #tpu.memory_space<vmem_shared>>
        tpu.wait_indirect_dma semaphore(%arg18 : memref<!tpu.dma_semaphore, #tpu.memory_space<semaphore_mem>>) src(%arg10 : memref<128x64xf32, #tpu.memory_space<vmem>>) dst(%dma_wait3A_345 : memref<10240x64xf32, #tpu.memory_space<vmem_shared>>)
        %dma_start3A_346 = arith.constant 0 : i32
        %dma_start3A_347 = tpu.memref_slice %arg8[%add3A_338, %dma_start3A_346] : memref<80x128xi32, #tpu.memory_space<vmem>> -> memref<1x128xi32, #tpu.memory_space<vmem>>
        %dma_start3A_348 = tpu.memref_squeeze %dma_start3A_347 : memref<1x128xi32, #tpu.memory_space<vmem>> -> memref<128xi32, #tpu.memory_space<vmem>>
        %dma_start3A_349 = arith.constant 0 : i32
        %dma_start3A_350 = arith.constant 0 : i32
        %dma_start3A_351 = tpu.memref_slice %arg15[%dma_start3A_349, %dma_start3A_350] : memref<10240x64xf32, #tpu.memory_space<vmem_shared>> -> memref<10240x64xf32, #tpu.memory_space<vmem_shared>>
        tpu.enqueue_indirect_dma source(%dma_start3A_351 : memref<10240x64xf32, #tpu.memory_space<vmem_shared>>) target(%arg10 : memref<128x64xf32, #tpu.memory_space<vmem>>) offsets(%dma_start3A_348 : memref<128xi32, #tpu.memory_space<vmem>>) semaphore(%arg16 : memref<!tpu.dma_semaphore, #tpu.memory_space<semaphore_mem>>)
        %add3A_352 = arith.constant 1 : i32
        %add3A_353 = arith.addi %scan3A_294, %add3A_352 : i32
        %mul3A_354 = arith.constant 2 : i32
        %mul3A_355 = arith.muli %mul3A_354, %add3A_353 : i32
        %add3A_356 = arith.constant 1 : i32
        %add3A_357 = arith.addi %mul3A_355, %add3A_356 : i32
        %sub3A_358 = arith.constant 2 : i32
        %sub3A_359 = arith.subi %add3A_357, %sub3A_358 : i32
        %dma_wait3A_360 = arith.constant 0 : i32
        %dma_wait3A_361 = tpu.memref_slice %arg9[%sub3A_359, %dma_wait3A_360] : memref<80x128xi32, #tpu.memory_space<vmem>> -> memref<1x128xi32, #tpu.memory_space<vmem>>
        %dma_wait3A_362 = tpu.memref_squeeze %dma_wait3A_361 : memref<1x128xi32, #tpu.memory_space<vmem>> -> memref<128xi32, #tpu.memory_space<vmem>>
        %dma_wait3A_363 = arith.constant 0 : i32
        %dma_wait3A_364 = arith.constant 0 : i32
        %dma_wait3A_365 = tpu.memref_slice %arg14[%dma_wait3A_363, %dma_wait3A_364] : memref<10240x64xf32, #tpu.memory_space<vmem_shared>> -> memref<10240x64xf32, #tpu.memory_space<vmem_shared>>
        tpu.wait_indirect_dma semaphore(%arg19 : memref<!tpu.dma_semaphore, #tpu.memory_space<semaphore_mem>>) src(%arg11 : memref<128x64xf32, #tpu.memory_space<vmem>>) dst(%dma_wait3A_365 : memref<10240x64xf32, #tpu.memory_space<vmem_shared>>)
        %dma_start3A_366 = arith.constant 0 : i32
        %dma_start3A_367 = tpu.memref_slice %arg8[%add3A_357, %dma_start3A_366] : memref<80x128xi32, #tpu.memory_space<vmem>> -> memref<1x128xi32, #tpu.memory_space<vmem>>
        %dma_start3A_368 = tpu.memref_squeeze %dma_start3A_367 : memref<1x128xi32, #tpu.memory_space<vmem>> -> memref<128xi32, #tpu.memory_space<vmem>>
        %dma_start3A_369 = arith.constant 0 : i32
        %dma_start3A_370 = arith.constant 0 : i32
        %dma_start3A_371 = tpu.memref_slice %arg15[%dma_start3A_369, %dma_start3A_370] : memref<10240x64xf32, #tpu.memory_space<vmem_shared>> -> memref<10240x64xf32, #tpu.memory_space<vmem_shared>>
        tpu.enqueue_indirect_dma source(%dma_start3A_371 : memref<10240x64xf32, #tpu.memory_space<vmem_shared>>) target(%arg11 : memref<128x64xf32, #tpu.memory_space<vmem>>) offsets(%dma_start3A_368 : memref<128xi32, #tpu.memory_space<vmem>>) semaphore(%arg17 : memref<!tpu.dma_semaphore, #tpu.memory_space<semaphore_mem>>)
      } else {
      }
      %scan3A_332 = arith.constant 0 : i32
      scf.yield %scan3A_332 : i32
    }
    %scan3A_178 = arith.constant 40 : i32
    %dma_wait3A_179 = arith.constant 78 : i32
    %dma_wait3A_180 = arith.constant 0 : i32
    %dma_wait3A_181 = tpu.memref_slice %arg9[%dma_wait3A_179, %dma_wait3A_180] : memref<80x128xi32, #tpu.memory_space<vmem>> -> memref<1x128xi32, #tpu.memory_space<vmem>>
    %dma_wait3A_182 = tpu.memref_squeeze %dma_wait3A_181 : memref<1x128xi32, #tpu.memory_space<vmem>> -> memref<128xi32, #tpu.memory_space<vmem>>
    %dma_wait3A_183 = arith.constant 0 : i32
    %dma_wait3A_184 = arith.constant 0 : i32
    %dma_wait3A_185 = tpu.memref_slice %arg14[%dma_wait3A_183, %dma_wait3A_184] : memref<10240x64xf32, #tpu.memory_space<vmem_shared>> -> memref<10240x64xf32, #tpu.memory_space<vmem_shared>>
    tpu.wait_indirect_dma semaphore(%arg18 : memref<!tpu.dma_semaphore, #tpu.memory_space<semaphore_mem>>) src(%arg10 : memref<128x64xf32, #tpu.memory_space<vmem>>) dst(%dma_wait3A_185 : memref<10240x64xf32, #tpu.memory_space<vmem_shared>>)
    %dma_wait3A_186 = arith.constant 79 : i32
    %dma_wait3A_187 = arith.constant 0 : i32
    %dma_wait3A_188 = tpu.memref_slice %arg9[%dma_wait3A_186, %dma_wait3A_187] : memref<80x128xi32, #tpu.memory_space<vmem>> -> memref<1x128xi32, #tpu.memory_space<vmem>>
    %dma_wait3A_189 = tpu.memref_squeeze %dma_wait3A_188 : memref<1x128xi32, #tpu.memory_space<vmem>> -> memref<128xi32, #tpu.memory_space<vmem>>
    %dma_wait3A_190 = arith.constant 0 : i32
    %dma_wait3A_191 = arith.constant 0 : i32
    %dma_wait3A_192 = tpu.memref_slice %arg14[%dma_wait3A_190, %dma_wait3A_191] : memref<10240x64xf32, #tpu.memory_space<vmem_shared>> -> memref<10240x64xf32, #tpu.memory_space<vmem_shared>>
    tpu.wait_indirect_dma semaphore(%arg19 : memref<!tpu.dma_semaphore, #tpu.memory_space<semaphore_mem>>) src(%arg11 : memref<128x64xf32, #tpu.memory_space<vmem>>) dst(%dma_wait3A_192 : memref<10240x64xf32, #tpu.memory_space<vmem_shared>>)
    "tpu.region"() ({
      %run_scoped3A = tpu.sem_alloc : memref<!tpu.dma_semaphore, #tpu.memory_space<semaphore_mem>>
      %dma_start3A_294 = arith.constant 80 : i32
      %dma_start3A_295 = arith.constant 0 : i32
      %dma_start3A_296 = tpu.memref_slice %arg6[%arg1, %dma_start3A_294, %dma_start3A_295] : memref<16x160x128xi32, #tpu.memory_space<hbm>> -> memref<1x80x128xi32, #tpu.memory_space<hbm>>
      %dma_start3A_297 = tpu.memref_squeeze %dma_start3A_296 : memref<1x80x128xi32, #tpu.memory_space<hbm>> -> memref<80x128xi32, #tpu.memory_space<hbm>>
      %dma_start3A_298 = arith.constant 80 : i32
      %dma_start3A_299 = arith.constant 0 : i32
      %dma_start3A_300 = tpu.memref_slice %arg6[%arg1, %dma_start3A_298, %dma_start3A_299] : memref<16x160x128xi32, #tpu.memory_space<hbm>> -> memref<1x80x128xi32, #tpu.memory_space<hbm>>
      %dma_start3A_301 = tpu.memref_squeeze %dma_start3A_300 : memref<1x80x128xi32, #tpu.memory_space<hbm>> -> memref<80x128xi32, #tpu.memory_space<hbm>>
      tpu.enqueue_dma source(%dma_start3A_301 : memref<80x128xi32, #tpu.memory_space<hbm>>) target(%arg8 : memref<80x128xi32, #tpu.memory_space<vmem>>) target_semaphore(%run_scoped3A : memref<!tpu.dma_semaphore, #tpu.memory_space<semaphore_mem>>)
      %dma_wait3A_302 = arith.constant 80 : i32
      %dma_wait3A_303 = arith.constant 0 : i32
      %dma_wait3A_304 = tpu.memref_slice %arg6[%arg1, %dma_wait3A_302, %dma_wait3A_303] : memref<16x160x128xi32, #tpu.memory_space<hbm>> -> memref<1x80x128xi32, #tpu.memory_space<hbm>>
      %dma_wait3A_305 = tpu.memref_squeeze %dma_wait3A_304 : memref<1x80x128xi32, #tpu.memory_space<hbm>> -> memref<80x128xi32, #tpu.memory_space<hbm>>
      %dma_wait3A_306 = arith.constant 80 : i32
      %dma_wait3A_307 = arith.constant 0 : i32
      %dma_wait3A_308 = tpu.memref_slice %arg6[%arg1, %dma_wait3A_306, %dma_wait3A_307] : memref<16x160x128xi32, #tpu.memory_space<hbm>> -> memref<1x80x128xi32, #tpu.memory_space<hbm>>
      %dma_wait3A_309 = tpu.memref_squeeze %dma_wait3A_308 : memref<1x80x128xi32, #tpu.memory_space<hbm>> -> memref<80x128xi32, #tpu.memory_space<hbm>>
      tpu.wait_dma2 semaphore(%run_scoped3A : memref<!tpu.dma_semaphore, #tpu.memory_space<semaphore_mem>>) src(%dma_wait3A_309 : memref<80x128xi32, #tpu.memory_space<hbm>>) dst(%arg8 : memref<80x128xi32, #tpu.memory_space<vmem>>)
      tpu.yield
    }) : () -> ()
    "tpu.region"() ({
      %run_scoped3A = tpu.sem_alloc : memref<!tpu.dma_semaphore, #tpu.memory_space<semaphore_mem>>
      %dma_start3A_294 = arith.constant 80 : i32
      %dma_start3A_295 = arith.constant 0 : i32
      %dma_start3A_296 = tpu.memref_slice %arg5[%arg1, %dma_start3A_294, %dma_start3A_295] : memref<16x160x128xi32, #tpu.memory_space<hbm>> -> memref<1x80x128xi32, #tpu.memory_space<hbm>>
      %dma_start3A_297 = tpu.memref_squeeze %dma_start3A_296 : memref<1x80x128xi32, #tpu.memory_space<hbm>> -> memref<80x128xi32, #tpu.memory_space<hbm>>
      %dma_start3A_298 = arith.constant 80 : i32
      %dma_start3A_299 = arith.constant 0 : i32
      %dma_start3A_300 = tpu.memref_slice %arg5[%arg1, %dma_start3A_298, %dma_start3A_299] : memref<16x160x128xi32, #tpu.memory_space<hbm>> -> memref<1x80x128xi32, #tpu.memory_space<hbm>>
      %dma_start3A_301 = tpu.memref_squeeze %dma_start3A_300 : memref<1x80x128xi32, #tpu.memory_space<hbm>> -> memref<80x128xi32, #tpu.memory_space<hbm>>
      tpu.enqueue_dma source(%dma_start3A_301 : memref<80x128xi32, #tpu.memory_space<hbm>>) target(%arg9 : memref<80x128xi32, #tpu.memory_space<vmem>>) target_semaphore(%run_scoped3A : memref<!tpu.dma_semaphore, #tpu.memory_space<semaphore_mem>>)
      %dma_wait3A_302 = arith.constant 80 : i32
      %dma_wait3A_303 = arith.constant 0 : i32
      %dma_wait3A_304 = tpu.memref_slice %arg5[%arg1, %dma_wait3A_302, %dma_wait3A_303] : memref<16x160x128xi32, #tpu.memory_space<hbm>> -> memref<1x80x128xi32, #tpu.memory_space<hbm>>
      %dma_wait3A_305 = tpu.memref_squeeze %dma_wait3A_304 : memref<1x80x128xi32, #tpu.memory_space<hbm>> -> memref<80x128xi32, #tpu.memory_space<hbm>>
      %dma_wait3A_306 = arith.constant 80 : i32
      %dma_wait3A_307 = arith.constant 0 : i32
      %dma_wait3A_308 = tpu.memref_slice %arg5[%arg1, %dma_wait3A_306, %dma_wait3A_307] : memref<16x160x128xi32, #tpu.memory_space<hbm>> -> memref<1x80x128xi32, #tpu.memory_space<hbm>>
      %dma_wait3A_309 = tpu.memref_squeeze %dma_wait3A_308 : memref<1x80x128xi32, #tpu.memory_space<hbm>> -> memref<80x128xi32, #tpu.memory_space<hbm>>
      tpu.wait_dma2 semaphore(%run_scoped3A : memref<!tpu.dma_semaphore, #tpu.memory_space<semaphore_mem>>) src(%dma_wait3A_309 : memref<80x128xi32, #tpu.memory_space<hbm>>) dst(%arg9 : memref<80x128xi32, #tpu.memory_space<vmem>>)
      tpu.yield
    }) : () -> ()
    %dma_start3A_193 = arith.constant 0 : i32
    %dma_start3A_194 = arith.constant 0 : i32
    %dma_start3A_195 = tpu.memref_slice %arg8[%dma_start3A_193, %dma_start3A_194] : memref<80x128xi32, #tpu.memory_space<vmem>> -> memref<1x128xi32, #tpu.memory_space<vmem>>
    %dma_start3A_196 = tpu.memref_squeeze %dma_start3A_195 : memref<1x128xi32, #tpu.memory_space<vmem>> -> memref<128xi32, #tpu.memory_space<vmem>>
    %dma_start3A_197 = arith.constant 0 : i32
    %dma_start3A_198 = arith.constant 0 : i32
    %dma_start3A_199 = tpu.memref_slice %arg15[%dma_start3A_197, %dma_start3A_198] : memref<10240x64xf32, #tpu.memory_space<vmem_shared>> -> memref<10240x64xf32, #tpu.memory_space<vmem_shared>>
    tpu.enqueue_indirect_dma source(%dma_start3A_199 : memref<10240x64xf32, #tpu.memory_space<vmem_shared>>) target(%arg10 : memref<128x64xf32, #tpu.memory_space<vmem>>) offsets(%dma_start3A_196 : memref<128xi32, #tpu.memory_space<vmem>>) semaphore(%arg16 : memref<!tpu.dma_semaphore, #tpu.memory_space<semaphore_mem>>)
    %dma_start3A_200 = arith.constant 1 : i32
    %dma_start3A_201 = arith.constant 0 : i32
    %dma_start3A_202 = tpu.memref_slice %arg8[%dma_start3A_200, %dma_start3A_201] : memref<80x128xi32, #tpu.memory_space<vmem>> -> memref<1x128xi32, #tpu.memory_space<vmem>>
    %dma_start3A_203 = tpu.memref_squeeze %dma_start3A_202 : memref<1x128xi32, #tpu.memory_space<vmem>> -> memref<128xi32, #tpu.memory_space<vmem>>
    %dma_start3A_204 = arith.constant 0 : i32
    %dma_start3A_205 = arith.constant 0 : i32
    %dma_start3A_206 = tpu.memref_slice %arg15[%dma_start3A_204, %dma_start3A_205] : memref<10240x64xf32, #tpu.memory_space<vmem_shared>> -> memref<10240x64xf32, #tpu.memory_space<vmem_shared>>
    tpu.enqueue_indirect_dma source(%dma_start3A_206 : memref<10240x64xf32, #tpu.memory_space<vmem_shared>>) target(%arg11 : memref<128x64xf32, #tpu.memory_space<vmem>>) offsets(%dma_start3A_203 : memref<128xi32, #tpu.memory_space<vmem>>) semaphore(%arg17 : memref<!tpu.dma_semaphore, #tpu.memory_space<semaphore_mem>>)
    %scan3A_207 = arith.constant 0 : i32
    %scan3A_208 = arith.constant 0 : i32
    %scan3A_209 = arith.constant 40 : i32
    %scan3A_210 = arith.addi %scan3A_208, %scan3A_209 : i32
    %scan3A_211 = arith.constant 1 : i32
    %scan3A_212 = scf.for %scan3A_294 = %scan3A_208 to %scan3A_210 step %scan3A_211 iter_args(%scan3A_295 = %scan3A_207) -> (i32)  : i32 {
      %mul3A_296 = arith.constant 2 : i32
      %mul3A_297 = arith.muli %mul3A_296, %scan3A_294 : i32
      %add3A_298 = arith.constant 0 : i32
      %add3A_299 = arith.addi %mul3A_297, %add3A_298 : i32
      %dma_wait3A_300 = arith.constant 0 : i32
      %dma_wait3A_301 = tpu.memref_slice %arg8[%add3A_299, %dma_wait3A_300] : memref<80x128xi32, #tpu.memory_space<vmem>> -> memref<1x128xi32, #tpu.memory_space<vmem>>
      %dma_wait3A_302 = tpu.memref_squeeze %dma_wait3A_301 : memref<1x128xi32, #tpu.memory_space<vmem>> -> memref<128xi32, #tpu.memory_space<vmem>>
      %dma_wait3A_303 = arith.constant 0 : i32
      %dma_wait3A_304 = arith.constant 0 : i32
      %dma_wait3A_305 = tpu.memref_slice %arg15[%dma_wait3A_303, %dma_wait3A_304] : memref<10240x64xf32, #tpu.memory_space<vmem_shared>> -> memref<10240x64xf32, #tpu.memory_space<vmem_shared>>
      tpu.wait_indirect_dma semaphore(%arg16 : memref<!tpu.dma_semaphore, #tpu.memory_space<semaphore_mem>>) src(%dma_wait3A_305 : memref<10240x64xf32, #tpu.memory_space<vmem_shared>>) dst(%arg10 : memref<128x64xf32, #tpu.memory_space<vmem>>)
      %dma_start3A_306 = arith.constant 0 : i32
      %dma_start3A_307 = tpu.memref_slice %arg9[%add3A_299, %dma_start3A_306] : memref<80x128xi32, #tpu.memory_space<vmem>> -> memref<1x128xi32, #tpu.memory_space<vmem>>
      %dma_start3A_308 = tpu.memref_squeeze %dma_start3A_307 : memref<1x128xi32, #tpu.memory_space<vmem>> -> memref<128xi32, #tpu.memory_space<vmem>>
      %dma_start3A_309 = arith.constant 0 : i32
      %dma_start3A_310 = arith.constant 0 : i32
      %dma_start3A_311 = tpu.memref_slice %arg14[%dma_start3A_309, %dma_start3A_310] : memref<10240x64xf32, #tpu.memory_space<vmem_shared>> -> memref<10240x64xf32, #tpu.memory_space<vmem_shared>>
      tpu.enqueue_indirect_dma source(%arg10 : memref<128x64xf32, #tpu.memory_space<vmem>>) target(%dma_start3A_311 : memref<10240x64xf32, #tpu.memory_space<vmem_shared>>) offsets(%dma_start3A_308 : memref<128xi32, #tpu.memory_space<vmem>>) semaphore(%arg18 : memref<!tpu.dma_semaphore, #tpu.memory_space<semaphore_mem>>) {add = true}
      %mul3A_312 = arith.constant 2 : i32
      %mul3A_313 = arith.muli %mul3A_312, %scan3A_294 : i32
      %add3A_314 = arith.constant 1 : i32
      %add3A_315 = arith.addi %mul3A_313, %add3A_314 : i32
      %dma_wait3A_316 = arith.constant 0 : i32
      %dma_wait3A_317 = tpu.memref_slice %arg8[%add3A_315, %dma_wait3A_316] : memref<80x128xi32, #tpu.memory_space<vmem>> -> memref<1x128xi32, #tpu.memory_space<vmem>>
      %dma_wait3A_318 = tpu.memref_squeeze %dma_wait3A_317 : memref<1x128xi32, #tpu.memory_space<vmem>> -> memref<128xi32, #tpu.memory_space<vmem>>
      %dma_wait3A_319 = arith.constant 0 : i32
      %dma_wait3A_320 = arith.constant 0 : i32
      %dma_wait3A_321 = tpu.memref_slice %arg15[%dma_wait3A_319, %dma_wait3A_320] : memref<10240x64xf32, #tpu.memory_space<vmem_shared>> -> memref<10240x64xf32, #tpu.memory_space<vmem_shared>>
      tpu.wait_indirect_dma semaphore(%arg17 : memref<!tpu.dma_semaphore, #tpu.memory_space<semaphore_mem>>) src(%dma_wait3A_321 : memref<10240x64xf32, #tpu.memory_space<vmem_shared>>) dst(%arg11 : memref<128x64xf32, #tpu.memory_space<vmem>>)
      %dma_start3A_322 = arith.constant 0 : i32
      %dma_start3A_323 = tpu.memref_slice %arg9[%add3A_315, %dma_start3A_322] : memref<80x128xi32, #tpu.memory_space<vmem>> -> memref<1x128xi32, #tpu.memory_space<vmem>>
      %dma_start3A_324 = tpu.memref_squeeze %dma_start3A_323 : memref<1x128xi32, #tpu.memory_space<vmem>> -> memref<128xi32, #tpu.memory_space<vmem>>
      %dma_start3A_325 = arith.constant 0 : i32
      %dma_start3A_326 = arith.constant 0 : i32
      %dma_start3A_327 = tpu.memref_slice %arg14[%dma_start3A_325, %dma_start3A_326] : memref<10240x64xf32, #tpu.memory_space<vmem_shared>> -> memref<10240x64xf32, #tpu.memory_space<vmem_shared>>
      tpu.enqueue_indirect_dma source(%arg11 : memref<128x64xf32, #tpu.memory_space<vmem>>) target(%dma_start3A_327 : memref<10240x64xf32, #tpu.memory_space<vmem_shared>>) offsets(%dma_start3A_324 : memref<128xi32, #tpu.memory_space<vmem>>) semaphore(%arg19 : memref<!tpu.dma_semaphore, #tpu.memory_space<semaphore_mem>>) {add = true}
      %add3A_328 = arith.constant 1 : i32
      %add3A_329 = arith.addi %scan3A_294, %add3A_328 : i32
      %lt3A = arith.constant 40 : i32
      %lt3A_330 = arith.cmpi slt, %add3A_329, %lt3A : i32
      %convert_element_type3A = arith.extui %lt3A_330 : i1 to i32
      %cond3A = arith.constant 0 : i32
      %cond3A_331 = arith.cmpi ne, %convert_element_type3A, %cond3A : i32
      scf.if %cond3A_331 {
        %add3A_333 = arith.constant 1 : i32
        %add3A_334 = arith.addi %scan3A_294, %add3A_333 : i32
        %mul3A_335 = arith.constant 2 : i32
        %mul3A_336 = arith.muli %mul3A_335, %add3A_334 : i32
        %add3A_337 = arith.constant 0 : i32
        %add3A_338 = arith.addi %mul3A_336, %add3A_337 : i32
        %sub3A = arith.constant 2 : i32
        %sub3A_339 = arith.subi %add3A_338, %sub3A : i32
        %dma_wait3A_340 = arith.constant 0 : i32
        %dma_wait3A_341 = tpu.memref_slice %arg9[%sub3A_339, %dma_wait3A_340] : memref<80x128xi32, #tpu.memory_space<vmem>> -> memref<1x128xi32, #tpu.memory_space<vmem>>
        %dma_wait3A_342 = tpu.memref_squeeze %dma_wait3A_341 : memref<1x128xi32, #tpu.memory_space<vmem>> -> memref<128xi32, #tpu.memory_space<vmem>>
        %dma_wait3A_343 = arith.constant 0 : i32
        %dma_wait3A_344 = arith.constant 0 : i32
        %dma_wait3A_345 = tpu.memref_slice %arg14[%dma_wait3A_343, %dma_wait3A_344] : memref<10240x64xf32, #tpu.memory_space<vmem_shared>> -> memref<10240x64xf32, #tpu.memory_space<vmem_shared>>
        tpu.wait_indirect_dma semaphore(%arg18 : memref<!tpu.dma_semaphore, #tpu.memory_space<semaphore_mem>>) src(%arg10 : memref<128x64xf32, #tpu.memory_space<vmem>>) dst(%dma_wait3A_345 : memref<10240x64xf32, #tpu.memory_space<vmem_shared>>)
        %dma_start3A_346 = arith.constant 0 : i32
        %dma_start3A_347 = tpu.memref_slice %arg8[%add3A_338, %dma_start3A_346] : memref<80x128xi32, #tpu.memory_space<vmem>> -> memref<1x128xi32, #tpu.memory_space<vmem>>
        %dma_start3A_348 = tpu.memref_squeeze %dma_start3A_347 : memref<1x128xi32, #tpu.memory_space<vmem>> -> memref<128xi32, #tpu.memory_space<vmem>>
        %dma_start3A_349 = arith.constant 0 : i32
        %dma_start3A_350 = arith.constant 0 : i32
        %dma_start3A_351 = tpu.memref_slice %arg15[%dma_start3A_349, %dma_start3A_350] : memref<10240x64xf32, #tpu.memory_space<vmem_shared>> -> memref<10240x64xf32, #tpu.memory_space<vmem_shared>>
        tpu.enqueue_indirect_dma source(%dma_start3A_351 : memref<10240x64xf32, #tpu.memory_space<vmem_shared>>) target(%arg10 : memref<128x64xf32, #tpu.memory_space<vmem>>) offsets(%dma_start3A_348 : memref<128xi32, #tpu.memory_space<vmem>>) semaphore(%arg16 : memref<!tpu.dma_semaphore, #tpu.memory_space<semaphore_mem>>)
        %add3A_352 = arith.constant 1 : i32
        %add3A_353 = arith.addi %scan3A_294, %add3A_352 : i32
        %mul3A_354 = arith.constant 2 : i32
        %mul3A_355 = arith.muli %mul3A_354, %add3A_353 : i32
        %add3A_356 = arith.constant 1 : i32
        %add3A_357 = arith.addi %mul3A_355, %add3A_356 : i32
        %sub3A_358 = arith.constant 2 : i32
        %sub3A_359 = arith.subi %add3A_357, %sub3A_358 : i32
        %dma_wait3A_360 = arith.constant 0 : i32
        %dma_wait3A_361 = tpu.memref_slice %arg9[%sub3A_359, %dma_wait3A_360] : memref<80x128xi32, #tpu.memory_space<vmem>> -> memref<1x128xi32, #tpu.memory_space<vmem>>
        %dma_wait3A_362 = tpu.memref_squeeze %dma_wait3A_361 : memref<1x128xi32, #tpu.memory_space<vmem>> -> memref<128xi32, #tpu.memory_space<vmem>>
        %dma_wait3A_363 = arith.constant 0 : i32
        %dma_wait3A_364 = arith.constant 0 : i32
        %dma_wait3A_365 = tpu.memref_slice %arg14[%dma_wait3A_363, %dma_wait3A_364] : memref<10240x64xf32, #tpu.memory_space<vmem_shared>> -> memref<10240x64xf32, #tpu.memory_space<vmem_shared>>
        tpu.wait_indirect_dma semaphore(%arg19 : memref<!tpu.dma_semaphore, #tpu.memory_space<semaphore_mem>>) src(%arg11 : memref<128x64xf32, #tpu.memory_space<vmem>>) dst(%dma_wait3A_365 : memref<10240x64xf32, #tpu.memory_space<vmem_shared>>)
        %dma_start3A_366 = arith.constant 0 : i32
        %dma_start3A_367 = tpu.memref_slice %arg8[%add3A_357, %dma_start3A_366] : memref<80x128xi32, #tpu.memory_space<vmem>> -> memref<1x128xi32, #tpu.memory_space<vmem>>
        %dma_start3A_368 = tpu.memref_squeeze %dma_start3A_367 : memref<1x128xi32, #tpu.memory_space<vmem>> -> memref<128xi32, #tpu.memory_space<vmem>>
        %dma_start3A_369 = arith.constant 0 : i32
        %dma_start3A_370 = arith.constant 0 : i32
        %dma_start3A_371 = tpu.memref_slice %arg15[%dma_start3A_369, %dma_start3A_370] : memref<10240x64xf32, #tpu.memory_space<vmem_shared>> -> memref<10240x64xf32, #tpu.memory_space<vmem_shared>>
        tpu.enqueue_indirect_dma source(%dma_start3A_371 : memref<10240x64xf32, #tpu.memory_space<vmem_shared>>) target(%arg11 : memref<128x64xf32, #tpu.memory_space<vmem>>) offsets(%dma_start3A_368 : memref<128xi32, #tpu.memory_space<vmem>>) semaphore(%arg17 : memref<!tpu.dma_semaphore, #tpu.memory_space<semaphore_mem>>)
      } else {
      }
      %scan3A_332 = arith.constant 0 : i32
      scf.yield %scan3A_332 : i32
    }
    %scan3A_213 = arith.constant 40 : i32
    %dma_wait3A_214 = arith.constant 78 : i32
    %dma_wait3A_215 = arith.constant 0 : i32
    %dma_wait3A_216 = tpu.memref_slice %arg9[%dma_wait3A_214, %dma_wait3A_215] : memref<80x128xi32, #tpu.memory_space<vmem>> -> memref<1x128xi32, #tpu.memory_space<vmem>>
    %dma_wait3A_217 = tpu.memref_squeeze %dma_wait3A_216 : memref<1x128xi32, #tpu.memory_space<vmem>> -> memref<128xi32, #tpu.memory_space<vmem>>
    %dma_wait3A_218 = arith.constant 0 : i32
    %dma_wait3A_219 = arith.constant 0 : i32
    %dma_wait3A_220 = tpu.memref_slice %arg14[%dma_wait3A_218, %dma_wait3A_219] : memref<10240x64xf32, #tpu.memory_space<vmem_shared>> -> memref<10240x64xf32, #tpu.memory_space<vmem_shared>>
    tpu.wait_indirect_dma semaphore(%arg18 : memref<!tpu.dma_semaphore, #tpu.memory_space<semaphore_mem>>) src(%arg10 : memref<128x64xf32, #tpu.memory_space<vmem>>) dst(%dma_wait3A_220 : memref<10240x64xf32, #tpu.memory_space<vmem_shared>>)
    %dma_wait3A_221 = arith.constant 79 : i32
    %dma_wait3A_222 = arith.constant 0 : i32
    %dma_wait3A_223 = tpu.memref_slice %arg9[%dma_wait3A_221, %dma_wait3A_222] : memref<80x128xi32, #tpu.memory_space<vmem>> -> memref<1x128xi32, #tpu.memory_space<vmem>>
    %dma_wait3A_224 = tpu.memref_squeeze %dma_wait3A_223 : memref<1x128xi32, #tpu.memory_space<vmem>> -> memref<128xi32, #tpu.memory_space<vmem>>
    %dma_wait3A_225 = arith.constant 0 : i32
    %dma_wait3A_226 = arith.constant 0 : i32
    %dma_wait3A_227 = tpu.memref_slice %arg14[%dma_wait3A_225, %dma_wait3A_226] : memref<10240x64xf32, #tpu.memory_space<vmem_shared>> -> memref<10240x64xf32, #tpu.memory_space<vmem_shared>>
    tpu.wait_indirect_dma semaphore(%arg19 : memref<!tpu.dma_semaphore, #tpu.memory_space<semaphore_mem>>) src(%arg11 : memref<128x64xf32, #tpu.memory_space<vmem>>) dst(%dma_wait3A_227 : memref<10240x64xf32, #tpu.memory_space<vmem_shared>>)
    %barrier3A_228 = arith.constant 0 : index
    tpu.barrier barrier_id(%barrier3A_228)
    %add3A_229 = arith.constant 0 : i32
    %add3A_230 = arith.addi %mul3A_0, %add3A_229 : i32
    "tpu.region"() ({
      %run_scoped3A = tpu.sem_alloc : memref<!tpu.dma_semaphore, #tpu.memory_space<semaphore_mem>>
      %dma_start3A_294 = arith.constant 0 : i32
      %dma_start3A_295 = tpu.memref_slice %arg14[%add3A_230, %dma_start3A_294] : memref<10240x64xf32, #tpu.memory_space<vmem_shared>> -> memref<128x64xf32, #tpu.memory_space<vmem_shared>>
      %dma_start3A_296 = arith.constant 0 : i32
      %dma_start3A_297 = tpu.memref_slice %arg14[%add3A_230, %dma_start3A_296] : memref<10240x64xf32, #tpu.memory_space<vmem_shared>> -> memref<128x64xf32, #tpu.memory_space<vmem_shared>>
      tpu.enqueue_dma source(%dma_start3A_297 : memref<128x64xf32, #tpu.memory_space<vmem_shared>>) target(%arg10 : memref<128x64xf32, #tpu.memory_space<vmem>>) target_semaphore(%run_scoped3A : memref<!tpu.dma_semaphore, #tpu.memory_space<semaphore_mem>>)
      %dma_wait3A_298 = arith.constant 0 : i32
      %dma_wait3A_299 = tpu.memref_slice %arg14[%add3A_230, %dma_wait3A_298] : memref<10240x64xf32, #tpu.memory_space<vmem_shared>> -> memref<128x64xf32, #tpu.memory_space<vmem_shared>>
      %dma_wait3A_300 = arith.constant 0 : i32
      %dma_wait3A_301 = tpu.memref_slice %arg14[%add3A_230, %dma_wait3A_300] : memref<10240x64xf32, #tpu.memory_space<vmem_shared>> -> memref<128x64xf32, #tpu.memory_space<vmem_shared>>
      tpu.wait_dma2 semaphore(%run_scoped3A : memref<!tpu.dma_semaphore, #tpu.memory_space<semaphore_mem>>) src(%dma_wait3A_301 : memref<128x64xf32, #tpu.memory_space<vmem_shared>>) dst(%arg10 : memref<128x64xf32, #tpu.memory_space<vmem>>)
      tpu.yield
    }) : () -> ()
    %scan3A_231 = arith.constant 0 : i32
    %scan3A_232 = arith.constant 0 : i32
    %scan3A_233 = arith.constant 128 : i32
    %scan3A_234 = arith.addi %scan3A_232, %scan3A_233 : i32
    %scan3A_235 = arith.constant 1 : i32
    %scan3A_236 = scf.for %scan3A_294 = %scan3A_232 to %scan3A_234 step %scan3A_235 iter_args(%scan3A_295 = %scan3A_231) -> (i32)  : i32 {
      %add3A_296 = arith.constant 0 : i32
      %add3A_297 = arith.addi %add3A_296, %scan3A_294 : i32
      %get3A = arith.index_cast %add3A_297 : i32 to index
      %get3A_298 = tpu.vector_load %arg13[%get3A] {strides = array<i32>} : memref<656xf32, #tpu.memory_space<vmem>>, vector<16xf32>,
      %get3A_299 = vector.shape_cast %get3A_298 : vector<16xf32> to vector<16xf32>
      %slice3A = vector.extract_strided_slice %get3A_299 {offsets = [0], sizes = [1], strides = [1]} : vector<16xf32> to vector<1xf32>
      %squeeze3A = vector.extract %slice3A[0] : f32 from vector<1xf32>
      %broadcast_in_dim3A = vector.broadcast %squeeze3A : f32 to vector<16xf32>
      %broadcast_in_dim3A_300 = arith.constant 0.000000e+00 : f32
      %broadcast_in_dim3A_301 = vector.broadcast %broadcast_in_dim3A_300 : f32 to vector<16xf32>
      %get3A_302 = arith.index_cast %scan3A_294 : i32 to index
      %get3A_303 = arith.constant 0 : index
      %get3A_304 = tpu.vector_load %arg10[%get3A_302, %get3A_303] {strides = array<i32>} : memref<128x64xf32, #tpu.memory_space<vmem>>, vector<1x16xf32>,
      %get3A_305 = vector.shape_cast %get3A_304 : vector<1x16xf32> to vector<16xf32>
      %mul3A_306 = arith.mulf %get3A_305, %broadcast_in_dim3A : vector<16xf32>
      %max3A = arith.maximumf %mul3A_306, %broadcast_in_dim3A_301 : vector<16xf32>
      %swap3A = arith.index_cast %scan3A_294 : i32 to index
      %swap3A_307 = arith.constant 0 : index
      %swap3A_308 = tpu.vector_load %arg10[%swap3A, %swap3A_307] {strides = array<i32>} : memref<128x64xf32, #tpu.memory_space<vmem>>, vector<1x16xf32>,
      %swap3A_309 = vector.shape_cast %swap3A_308 : vector<1x16xf32> to vector<16xf32>
      %swap3A_310 = vector.shape_cast %max3A : vector<16xf32> to vector<1x16xf32>
      tpu.vector_store %arg10[%swap3A, %swap3A_307], %swap3A_310 {strides = array<i32>} : memref<128x64xf32, #tpu.memory_space<vmem>>, vector<1x16xf32>,
      %get3A_311 = arith.index_cast %scan3A_294 : i32 to index
      %get3A_312 = arith.constant 16 : index
      %get3A_313 = tpu.vector_load %arg10[%get3A_311, %get3A_312] {strides = array<i32>} : memref<128x64xf32, #tpu.memory_space<vmem>>, vector<1x16xf32>,
      %get3A_314 = vector.shape_cast %get3A_313 : vector<1x16xf32> to vector<16xf32>
      %mul3A_315 = arith.mulf %get3A_314, %broadcast_in_dim3A : vector<16xf32>
      %max3A_316 = arith.maximumf %mul3A_315, %broadcast_in_dim3A_301 : vector<16xf32>
      %swap3A_317 = arith.index_cast %scan3A_294 : i32 to index
      %swap3A_318 = arith.constant 16 : index
      %swap3A_319 = tpu.vector_load %arg10[%swap3A_317, %swap3A_318] {strides = array<i32>} : memref<128x64xf32, #tpu.memory_space<vmem>>, vector<1x16xf32>,
      %swap3A_320 = vector.shape_cast %swap3A_319 : vector<1x16xf32> to vector<16xf32>
      %swap3A_321 = vector.shape_cast %max3A_316 : vector<16xf32> to vector<1x16xf32>
      tpu.vector_store %arg10[%swap3A_317, %swap3A_318], %swap3A_321 {strides = array<i32>} : memref<128x64xf32, #tpu.memory_space<vmem>>, vector<1x16xf32>,
      %get3A_322 = arith.index_cast %scan3A_294 : i32 to index
      %get3A_323 = arith.constant 32 : index
      %get3A_324 = tpu.vector_load %arg10[%get3A_322, %get3A_323] {strides = array<i32>} : memref<128x64xf32, #tpu.memory_space<vmem>>, vector<1x16xf32>,
      %get3A_325 = vector.shape_cast %get3A_324 : vector<1x16xf32> to vector<16xf32>
      %mul3A_326 = arith.mulf %get3A_325, %broadcast_in_dim3A : vector<16xf32>
      %max3A_327 = arith.maximumf %mul3A_326, %broadcast_in_dim3A_301 : vector<16xf32>
      %swap3A_328 = arith.index_cast %scan3A_294 : i32 to index
      %swap3A_329 = arith.constant 32 : index
      %swap3A_330 = tpu.vector_load %arg10[%swap3A_328, %swap3A_329] {strides = array<i32>} : memref<128x64xf32, #tpu.memory_space<vmem>>, vector<1x16xf32>,
      %swap3A_331 = vector.shape_cast %swap3A_330 : vector<1x16xf32> to vector<16xf32>
      %swap3A_332 = vector.shape_cast %max3A_327 : vector<16xf32> to vector<1x16xf32>
      tpu.vector_store %arg10[%swap3A_328, %swap3A_329], %swap3A_332 {strides = array<i32>} : memref<128x64xf32, #tpu.memory_space<vmem>>, vector<1x16xf32>,
      %get3A_333 = arith.index_cast %scan3A_294 : i32 to index
      %get3A_334 = arith.constant 48 : index
      %get3A_335 = tpu.vector_load %arg10[%get3A_333, %get3A_334] {strides = array<i32>} : memref<128x64xf32, #tpu.memory_space<vmem>>, vector<1x16xf32>,
      %get3A_336 = vector.shape_cast %get3A_335 : vector<1x16xf32> to vector<16xf32>
      %mul3A_337 = arith.mulf %get3A_336, %broadcast_in_dim3A : vector<16xf32>
      %max3A_338 = arith.maximumf %mul3A_337, %broadcast_in_dim3A_301 : vector<16xf32>
      %swap3A_339 = arith.index_cast %scan3A_294 : i32 to index
      %swap3A_340 = arith.constant 48 : index
      %swap3A_341 = tpu.vector_load %arg10[%swap3A_339, %swap3A_340] {strides = array<i32>} : memref<128x64xf32, #tpu.memory_space<vmem>>, vector<1x16xf32>,
      %swap3A_342 = vector.shape_cast %swap3A_341 : vector<1x16xf32> to vector<16xf32>
      %swap3A_343 = vector.shape_cast %max3A_338 : vector<16xf32> to vector<1x16xf32>
      tpu.vector_store %arg10[%swap3A_339, %swap3A_340], %swap3A_343 {strides = array<i32>} : memref<128x64xf32, #tpu.memory_space<vmem>>, vector<1x16xf32>,
      %scan3A_344 = arith.constant 0 : i32
      scf.yield %scan3A_344 : i32
    }
    %scan3A_237 = arith.constant 128 : i32
    %add3A_238 = arith.constant 0 : i32
    %add3A_239 = arith.addi %mul3A_0, %add3A_238 : i32
    %mul3A_240 = arith.constant 64 : i32
    %mul3A_241 = arith.muli %arg0, %mul3A_240 : i32
    "tpu.region"() ({
      %run_scoped3A = tpu.sem_alloc : memref<!tpu.dma_semaphore, #tpu.memory_space<semaphore_mem>>
      %dma_start3A_294 = tpu.memref_slice %arg7[%add3A_239, %mul3A_241] : memref<10240x128xf32, #tpu.memory_space<hbm>> -> memref<128x64xf32, #tpu.memory_space<hbm>>
      %dma_start3A_295 = tpu.memref_slice %arg7[%add3A_239, %mul3A_241] : memref<10240x128xf32, #tpu.memory_space<hbm>> -> memref<128x64xf32, #tpu.memory_space<hbm>>
      tpu.enqueue_dma source(%arg10 : memref<128x64xf32, #tpu.memory_space<vmem>>) target(%dma_start3A_295 : memref<128x64xf32, #tpu.memory_space<hbm>>) target_semaphore(%run_scoped3A : memref<!tpu.dma_semaphore, #tpu.memory_space<semaphore_mem>>)
      %dma_wait3A_296 = tpu.memref_slice %arg7[%add3A_239, %mul3A_241] : memref<10240x128xf32, #tpu.memory_space<hbm>> -> memref<128x64xf32, #tpu.memory_space<hbm>>
      %dma_wait3A_297 = tpu.memref_slice %arg7[%add3A_239, %mul3A_241] : memref<10240x128xf32, #tpu.memory_space<hbm>> -> memref<128x64xf32, #tpu.memory_space<hbm>>
      tpu.wait_dma2 semaphore(%run_scoped3A : memref<!tpu.dma_semaphore, #tpu.memory_space<semaphore_mem>>) src(%arg10 : memref<128x64xf32, #tpu.memory_space<vmem>>) dst(%dma_wait3A_297 : memref<128x64xf32, #tpu.memory_space<hbm>>)
      tpu.yield
    }) : () -> ()
    %add3A_242 = arith.constant 128 : i32
    %add3A_243 = arith.addi %mul3A_0, %add3A_242 : i32
    "tpu.region"() ({
      %run_scoped3A = tpu.sem_alloc : memref<!tpu.dma_semaphore, #tpu.memory_space<semaphore_mem>>
      %dma_start3A_294 = arith.constant 0 : i32
      %dma_start3A_295 = tpu.memref_slice %arg14[%add3A_243, %dma_start3A_294] : memref<10240x64xf32, #tpu.memory_space<vmem_shared>> -> memref<128x64xf32, #tpu.memory_space<vmem_shared>>
      %dma_start3A_296 = arith.constant 0 : i32
      %dma_start3A_297 = tpu.memref_slice %arg14[%add3A_243, %dma_start3A_296] : memref<10240x64xf32, #tpu.memory_space<vmem_shared>> -> memref<128x64xf32, #tpu.memory_space<vmem_shared>>
      tpu.enqueue_dma source(%dma_start3A_297 : memref<128x64xf32, #tpu.memory_space<vmem_shared>>) target(%arg10 : memref<128x64xf32, #tpu.memory_space<vmem>>) target_semaphore(%run_scoped3A : memref<!tpu.dma_semaphore, #tpu.memory_space<semaphore_mem>>)
      %dma_wait3A_298 = arith.constant 0 : i32
      %dma_wait3A_299 = tpu.memref_slice %arg14[%add3A_243, %dma_wait3A_298] : memref<10240x64xf32, #tpu.memory_space<vmem_shared>> -> memref<128x64xf32, #tpu.memory_space<vmem_shared>>
      %dma_wait3A_300 = arith.constant 0 : i32
      %dma_wait3A_301 = tpu.memref_slice %arg14[%add3A_243, %dma_wait3A_300] : memref<10240x64xf32, #tpu.memory_space<vmem_shared>> -> memref<128x64xf32, #tpu.memory_space<vmem_shared>>
      tpu.wait_dma2 semaphore(%run_scoped3A : memref<!tpu.dma_semaphore, #tpu.memory_space<semaphore_mem>>) src(%dma_wait3A_301 : memref<128x64xf32, #tpu.memory_space<vmem_shared>>) dst(%arg10 : memref<128x64xf32, #tpu.memory_space<vmem>>)
      tpu.yield
    }) : () -> ()
    %scan3A_244 = arith.constant 0 : i32
    %scan3A_245 = arith.constant 0 : i32
    %scan3A_246 = arith.constant 128 : i32
    %scan3A_247 = arith.addi %scan3A_245, %scan3A_246 : i32
    %scan3A_248 = arith.constant 1 : i32
    %scan3A_249 = scf.for %scan3A_294 = %scan3A_245 to %scan3A_247 step %scan3A_248 iter_args(%scan3A_295 = %scan3A_244) -> (i32)  : i32 {
      %add3A_296 = arith.constant 128 : i32
      %add3A_297 = arith.addi %add3A_296, %scan3A_294 : i32
      %get3A = arith.index_cast %add3A_297 : i32 to index
      %get3A_298 = tpu.vector_load %arg13[%get3A] {strides = array<i32>} : memref<656xf32, #tpu.memory_space<vmem>>, vector<16xf32>,
      %get3A_299 = vector.shape_cast %get3A_298 : vector<16xf32> to vector<16xf32>
      %slice3A = vector.extract_strided_slice %get3A_299 {offsets = [0], sizes = [1], strides = [1]} : vector<16xf32> to vector<1xf32>
      %squeeze3A = vector.extract %slice3A[0] : f32 from vector<1xf32>
      %broadcast_in_dim3A = vector.broadcast %squeeze3A : f32 to vector<16xf32>
      %broadcast_in_dim3A_300 = arith.constant 0.000000e+00 : f32
      %broadcast_in_dim3A_301 = vector.broadcast %broadcast_in_dim3A_300 : f32 to vector<16xf32>
      %get3A_302 = arith.index_cast %scan3A_294 : i32 to index
      %get3A_303 = arith.constant 0 : index
      %get3A_304 = tpu.vector_load %arg10[%get3A_302, %get3A_303] {strides = array<i32>} : memref<128x64xf32, #tpu.memory_space<vmem>>, vector<1x16xf32>,
      %get3A_305 = vector.shape_cast %get3A_304 : vector<1x16xf32> to vector<16xf32>
      %mul3A_306 = arith.mulf %get3A_305, %broadcast_in_dim3A : vector<16xf32>
      %max3A = arith.maximumf %mul3A_306, %broadcast_in_dim3A_301 : vector<16xf32>
      %swap3A = arith.index_cast %scan3A_294 : i32 to index
      %swap3A_307 = arith.constant 0 : index
      %swap3A_308 = tpu.vector_load %arg10[%swap3A, %swap3A_307] {strides = array<i32>} : memref<128x64xf32, #tpu.memory_space<vmem>>, vector<1x16xf32>,
      %swap3A_309 = vector.shape_cast %swap3A_308 : vector<1x16xf32> to vector<16xf32>
      %swap3A_310 = vector.shape_cast %max3A : vector<16xf32> to vector<1x16xf32>
      tpu.vector_store %arg10[%swap3A, %swap3A_307], %swap3A_310 {strides = array<i32>} : memref<128x64xf32, #tpu.memory_space<vmem>>, vector<1x16xf32>,
      %get3A_311 = arith.index_cast %scan3A_294 : i32 to index
      %get3A_312 = arith.constant 16 : index
      %get3A_313 = tpu.vector_load %arg10[%get3A_311, %get3A_312] {strides = array<i32>} : memref<128x64xf32, #tpu.memory_space<vmem>>, vector<1x16xf32>,
      %get3A_314 = vector.shape_cast %get3A_313 : vector<1x16xf32> to vector<16xf32>
      %mul3A_315 = arith.mulf %get3A_314, %broadcast_in_dim3A : vector<16xf32>
      %max3A_316 = arith.maximumf %mul3A_315, %broadcast_in_dim3A_301 : vector<16xf32>
      %swap3A_317 = arith.index_cast %scan3A_294 : i32 to index
      %swap3A_318 = arith.constant 16 : index
      %swap3A_319 = tpu.vector_load %arg10[%swap3A_317, %swap3A_318] {strides = array<i32>} : memref<128x64xf32, #tpu.memory_space<vmem>>, vector<1x16xf32>,
      %swap3A_320 = vector.shape_cast %swap3A_319 : vector<1x16xf32> to vector<16xf32>
      %swap3A_321 = vector.shape_cast %max3A_316 : vector<16xf32> to vector<1x16xf32>
      tpu.vector_store %arg10[%swap3A_317, %swap3A_318], %swap3A_321 {strides = array<i32>} : memref<128x64xf32, #tpu.memory_space<vmem>>, vector<1x16xf32>,
      %get3A_322 = arith.index_cast %scan3A_294 : i32 to index
      %get3A_323 = arith.constant 32 : index
      %get3A_324 = tpu.vector_load %arg10[%get3A_322, %get3A_323] {strides = array<i32>} : memref<128x64xf32, #tpu.memory_space<vmem>>, vector<1x16xf32>,
      %get3A_325 = vector.shape_cast %get3A_324 : vector<1x16xf32> to vector<16xf32>
      %mul3A_326 = arith.mulf %get3A_325, %broadcast_in_dim3A : vector<16xf32>
      %max3A_327 = arith.maximumf %mul3A_326, %broadcast_in_dim3A_301 : vector<16xf32>
      %swap3A_328 = arith.index_cast %scan3A_294 : i32 to index
      %swap3A_329 = arith.constant 32 : index
      %swap3A_330 = tpu.vector_load %arg10[%swap3A_328, %swap3A_329] {strides = array<i32>} : memref<128x64xf32, #tpu.memory_space<vmem>>, vector<1x16xf32>,
      %swap3A_331 = vector.shape_cast %swap3A_330 : vector<1x16xf32> to vector<16xf32>
      %swap3A_332 = vector.shape_cast %max3A_327 : vector<16xf32> to vector<1x16xf32>
      tpu.vector_store %arg10[%swap3A_328, %swap3A_329], %swap3A_332 {strides = array<i32>} : memref<128x64xf32, #tpu.memory_space<vmem>>, vector<1x16xf32>,
      %get3A_333 = arith.index_cast %scan3A_294 : i32 to index
      %get3A_334 = arith.constant 48 : index
      %get3A_335 = tpu.vector_load %arg10[%get3A_333, %get3A_334] {strides = array<i32>} : memref<128x64xf32, #tpu.memory_space<vmem>>, vector<1x16xf32>,
      %get3A_336 = vector.shape_cast %get3A_335 : vector<1x16xf32> to vector<16xf32>
      %mul3A_337 = arith.mulf %get3A_336, %broadcast_in_dim3A : vector<16xf32>
      %max3A_338 = arith.maximumf %mul3A_337, %broadcast_in_dim3A_301 : vector<16xf32>
      %swap3A_339 = arith.index_cast %scan3A_294 : i32 to index
      %swap3A_340 = arith.constant 48 : index
      %swap3A_341 = tpu.vector_load %arg10[%swap3A_339, %swap3A_340] {strides = array<i32>} : memref<128x64xf32, #tpu.memory_space<vmem>>, vector<1x16xf32>,
      %swap3A_342 = vector.shape_cast %swap3A_341 : vector<1x16xf32> to vector<16xf32>
      %swap3A_343 = vector.shape_cast %max3A_338 : vector<16xf32> to vector<1x16xf32>
      tpu.vector_store %arg10[%swap3A_339, %swap3A_340], %swap3A_343 {strides = array<i32>} : memref<128x64xf32, #tpu.memory_space<vmem>>, vector<1x16xf32>,
      %scan3A_344 = arith.constant 0 : i32
      scf.yield %scan3A_344 : i32
    }
    %scan3A_250 = arith.constant 128 : i32
    %add3A_251 = arith.constant 128 : i32
    %add3A_252 = arith.addi %mul3A_0, %add3A_251 : i32
    %mul3A_253 = arith.constant 64 : i32
    %mul3A_254 = arith.muli %arg0, %mul3A_253 : i32
    "tpu.region"() ({
      %run_scoped3A = tpu.sem_alloc : memref<!tpu.dma_semaphore, #tpu.memory_space<semaphore_mem>>
      %dma_start3A_294 = tpu.memref_slice %arg7[%add3A_252, %mul3A_254] : memref<10240x128xf32, #tpu.memory_space<hbm>> -> memref<128x64xf32, #tpu.memory_space<hbm>>
      %dma_start3A_295 = tpu.memref_slice %arg7[%add3A_252, %mul3A_254] : memref<10240x128xf32, #tpu.memory_space<hbm>> -> memref<128x64xf32, #tpu.memory_space<hbm>>
      tpu.enqueue_dma source(%arg10 : memref<128x64xf32, #tpu.memory_space<vmem>>) target(%dma_start3A_295 : memref<128x64xf32, #tpu.memory_space<hbm>>) target_semaphore(%run_scoped3A : memref<!tpu.dma_semaphore, #tpu.memory_space<semaphore_mem>>)
      %dma_wait3A_296 = tpu.memref_slice %arg7[%add3A_252, %mul3A_254] : memref<10240x128xf32, #tpu.memory_space<hbm>> -> memref<128x64xf32, #tpu.memory_space<hbm>>
      %dma_wait3A_297 = tpu.memref_slice %arg7[%add3A_252, %mul3A_254] : memref<10240x128xf32, #tpu.memory_space<hbm>> -> memref<128x64xf32, #tpu.memory_space<hbm>>
      tpu.wait_dma2 semaphore(%run_scoped3A : memref<!tpu.dma_semaphore, #tpu.memory_space<semaphore_mem>>) src(%arg10 : memref<128x64xf32, #tpu.memory_space<vmem>>) dst(%dma_wait3A_297 : memref<128x64xf32, #tpu.memory_space<hbm>>)
      tpu.yield
    }) : () -> ()
    %add3A_255 = arith.constant 256 : i32
    %add3A_256 = arith.addi %mul3A_0, %add3A_255 : i32
    "tpu.region"() ({
      %run_scoped3A = tpu.sem_alloc : memref<!tpu.dma_semaphore, #tpu.memory_space<semaphore_mem>>
      %dma_start3A_294 = arith.constant 0 : i32
      %dma_start3A_295 = tpu.memref_slice %arg14[%add3A_256, %dma_start3A_294] : memref<10240x64xf32, #tpu.memory_space<vmem_shared>> -> memref<128x64xf32, #tpu.memory_space<vmem_shared>>
      %dma_start3A_296 = arith.constant 0 : i32
      %dma_start3A_297 = tpu.memref_slice %arg14[%add3A_256, %dma_start3A_296] : memref<10240x64xf32, #tpu.memory_space<vmem_shared>> -> memref<128x64xf32, #tpu.memory_space<vmem_shared>>
      tpu.enqueue_dma source(%dma_start3A_297 : memref<128x64xf32, #tpu.memory_space<vmem_shared>>) target(%arg10 : memref<128x64xf32, #tpu.memory_space<vmem>>) target_semaphore(%run_scoped3A : memref<!tpu.dma_semaphore, #tpu.memory_space<semaphore_mem>>)
      %dma_wait3A_298 = arith.constant 0 : i32
      %dma_wait3A_299 = tpu.memref_slice %arg14[%add3A_256, %dma_wait3A_298] : memref<10240x64xf32, #tpu.memory_space<vmem_shared>> -> memref<128x64xf32, #tpu.memory_space<vmem_shared>>
      %dma_wait3A_300 = arith.constant 0 : i32
      %dma_wait3A_301 = tpu.memref_slice %arg14[%add3A_256, %dma_wait3A_300] : memref<10240x64xf32, #tpu.memory_space<vmem_shared>> -> memref<128x64xf32, #tpu.memory_space<vmem_shared>>
      tpu.wait_dma2 semaphore(%run_scoped3A : memref<!tpu.dma_semaphore, #tpu.memory_space<semaphore_mem>>) src(%dma_wait3A_301 : memref<128x64xf32, #tpu.memory_space<vmem_shared>>) dst(%arg10 : memref<128x64xf32, #tpu.memory_space<vmem>>)
      tpu.yield
    }) : () -> ()
    %scan3A_257 = arith.constant 0 : i32
    %scan3A_258 = arith.constant 0 : i32
    %scan3A_259 = arith.constant 128 : i32
    %scan3A_260 = arith.addi %scan3A_258, %scan3A_259 : i32
    %scan3A_261 = arith.constant 1 : i32
    %scan3A_262 = scf.for %scan3A_294 = %scan3A_258 to %scan3A_260 step %scan3A_261 iter_args(%scan3A_295 = %scan3A_257) -> (i32)  : i32 {
      %add3A_296 = arith.constant 256 : i32
      %add3A_297 = arith.addi %add3A_296, %scan3A_294 : i32
      %get3A = arith.index_cast %add3A_297 : i32 to index
      %get3A_298 = tpu.vector_load %arg13[%get3A] {strides = array<i32>} : memref<656xf32, #tpu.memory_space<vmem>>, vector<16xf32>,
      %get3A_299 = vector.shape_cast %get3A_298 : vector<16xf32> to vector<16xf32>
      %slice3A = vector.extract_strided_slice %get3A_299 {offsets = [0], sizes = [1], strides = [1]} : vector<16xf32> to vector<1xf32>
      %squeeze3A = vector.extract %slice3A[0] : f32 from vector<1xf32>
      %broadcast_in_dim3A = vector.broadcast %squeeze3A : f32 to vector<16xf32>
      %broadcast_in_dim3A_300 = arith.constant 0.000000e+00 : f32
      %broadcast_in_dim3A_301 = vector.broadcast %broadcast_in_dim3A_300 : f32 to vector<16xf32>
      %get3A_302 = arith.index_cast %scan3A_294 : i32 to index
      %get3A_303 = arith.constant 0 : index
      %get3A_304 = tpu.vector_load %arg10[%get3A_302, %get3A_303] {strides = array<i32>} : memref<128x64xf32, #tpu.memory_space<vmem>>, vector<1x16xf32>,
      %get3A_305 = vector.shape_cast %get3A_304 : vector<1x16xf32> to vector<16xf32>
      %mul3A_306 = arith.mulf %get3A_305, %broadcast_in_dim3A : vector<16xf32>
      %max3A = arith.maximumf %mul3A_306, %broadcast_in_dim3A_301 : vector<16xf32>
      %swap3A = arith.index_cast %scan3A_294 : i32 to index
      %swap3A_307 = arith.constant 0 : index
      %swap3A_308 = tpu.vector_load %arg10[%swap3A, %swap3A_307] {strides = array<i32>} : memref<128x64xf32, #tpu.memory_space<vmem>>, vector<1x16xf32>,
      %swap3A_309 = vector.shape_cast %swap3A_308 : vector<1x16xf32> to vector<16xf32>
      %swap3A_310 = vector.shape_cast %max3A : vector<16xf32> to vector<1x16xf32>
      tpu.vector_store %arg10[%swap3A, %swap3A_307], %swap3A_310 {strides = array<i32>} : memref<128x64xf32, #tpu.memory_space<vmem>>, vector<1x16xf32>,
      %get3A_311 = arith.index_cast %scan3A_294 : i32 to index
      %get3A_312 = arith.constant 16 : index
      %get3A_313 = tpu.vector_load %arg10[%get3A_311, %get3A_312] {strides = array<i32>} : memref<128x64xf32, #tpu.memory_space<vmem>>, vector<1x16xf32>,
      %get3A_314 = vector.shape_cast %get3A_313 : vector<1x16xf32> to vector<16xf32>
      %mul3A_315 = arith.mulf %get3A_314, %broadcast_in_dim3A : vector<16xf32>
      %max3A_316 = arith.maximumf %mul3A_315, %broadcast_in_dim3A_301 : vector<16xf32>
      %swap3A_317 = arith.index_cast %scan3A_294 : i32 to index
      %swap3A_318 = arith.constant 16 : index
      %swap3A_319 = tpu.vector_load %arg10[%swap3A_317, %swap3A_318] {strides = array<i32>} : memref<128x64xf32, #tpu.memory_space<vmem>>, vector<1x16xf32>,
      %swap3A_320 = vector.shape_cast %swap3A_319 : vector<1x16xf32> to vector<16xf32>
      %swap3A_321 = vector.shape_cast %max3A_316 : vector<16xf32> to vector<1x16xf32>
      tpu.vector_store %arg10[%swap3A_317, %swap3A_318], %swap3A_321 {strides = array<i32>} : memref<128x64xf32, #tpu.memory_space<vmem>>, vector<1x16xf32>,
      %get3A_322 = arith.index_cast %scan3A_294 : i32 to index
      %get3A_323 = arith.constant 32 : index
      %get3A_324 = tpu.vector_load %arg10[%get3A_322, %get3A_323] {strides = array<i32>} : memref<128x64xf32, #tpu.memory_space<vmem>>, vector<1x16xf32>,
      %get3A_325 = vector.shape_cast %get3A_324 : vector<1x16xf32> to vector<16xf32>
      %mul3A_326 = arith.mulf %get3A_325, %broadcast_in_dim3A : vector<16xf32>
      %max3A_327 = arith.maximumf %mul3A_326, %broadcast_in_dim3A_301 : vector<16xf32>
      %swap3A_328 = arith.index_cast %scan3A_294 : i32 to index
      %swap3A_329 = arith.constant 32 : index
      %swap3A_330 = tpu.vector_load %arg10[%swap3A_328, %swap3A_329] {strides = array<i32>} : memref<128x64xf32, #tpu.memory_space<vmem>>, vector<1x16xf32>,
      %swap3A_331 = vector.shape_cast %swap3A_330 : vector<1x16xf32> to vector<16xf32>
      %swap3A_332 = vector.shape_cast %max3A_327 : vector<16xf32> to vector<1x16xf32>
      tpu.vector_store %arg10[%swap3A_328, %swap3A_329], %swap3A_332 {strides = array<i32>} : memref<128x64xf32, #tpu.memory_space<vmem>>, vector<1x16xf32>,
      %get3A_333 = arith.index_cast %scan3A_294 : i32 to index
      %get3A_334 = arith.constant 48 : index
      %get3A_335 = tpu.vector_load %arg10[%get3A_333, %get3A_334] {strides = array<i32>} : memref<128x64xf32, #tpu.memory_space<vmem>>, vector<1x16xf32>,
      %get3A_336 = vector.shape_cast %get3A_335 : vector<1x16xf32> to vector<16xf32>
      %mul3A_337 = arith.mulf %get3A_336, %broadcast_in_dim3A : vector<16xf32>
      %max3A_338 = arith.maximumf %mul3A_337, %broadcast_in_dim3A_301 : vector<16xf32>
      %swap3A_339 = arith.index_cast %scan3A_294 : i32 to index
      %swap3A_340 = arith.constant 48 : index
      %swap3A_341 = tpu.vector_load %arg10[%swap3A_339, %swap3A_340] {strides = array<i32>} : memref<128x64xf32, #tpu.memory_space<vmem>>, vector<1x16xf32>,
      %swap3A_342 = vector.shape_cast %swap3A_341 : vector<1x16xf32> to vector<16xf32>
      %swap3A_343 = vector.shape_cast %max3A_338 : vector<16xf32> to vector<1x16xf32>
      tpu.vector_store %arg10[%swap3A_339, %swap3A_340], %swap3A_343 {strides = array<i32>} : memref<128x64xf32, #tpu.memory_space<vmem>>, vector<1x16xf32>,
      %scan3A_344 = arith.constant 0 : i32
      scf.yield %scan3A_344 : i32
    }
    %scan3A_263 = arith.constant 128 : i32
    %add3A_264 = arith.constant 256 : i32
    %add3A_265 = arith.addi %mul3A_0, %add3A_264 : i32
    %mul3A_266 = arith.constant 64 : i32
    %mul3A_267 = arith.muli %arg0, %mul3A_266 : i32
    "tpu.region"() ({
      %run_scoped3A = tpu.sem_alloc : memref<!tpu.dma_semaphore, #tpu.memory_space<semaphore_mem>>
      %dma_start3A_294 = tpu.memref_slice %arg7[%add3A_265, %mul3A_267] : memref<10240x128xf32, #tpu.memory_space<hbm>> -> memref<128x64xf32, #tpu.memory_space<hbm>>
      %dma_start3A_295 = tpu.memref_slice %arg7[%add3A_265, %mul3A_267] : memref<10240x128xf32, #tpu.memory_space<hbm>> -> memref<128x64xf32, #tpu.memory_space<hbm>>
      tpu.enqueue_dma source(%arg10 : memref<128x64xf32, #tpu.memory_space<vmem>>) target(%dma_start3A_295 : memref<128x64xf32, #tpu.memory_space<hbm>>) target_semaphore(%run_scoped3A : memref<!tpu.dma_semaphore, #tpu.memory_space<semaphore_mem>>)
      %dma_wait3A_296 = tpu.memref_slice %arg7[%add3A_265, %mul3A_267] : memref<10240x128xf32, #tpu.memory_space<hbm>> -> memref<128x64xf32, #tpu.memory_space<hbm>>
      %dma_wait3A_297 = tpu.memref_slice %arg7[%add3A_265, %mul3A_267] : memref<10240x128xf32, #tpu.memory_space<hbm>> -> memref<128x64xf32, #tpu.memory_space<hbm>>
      tpu.wait_dma2 semaphore(%run_scoped3A : memref<!tpu.dma_semaphore, #tpu.memory_space<semaphore_mem>>) src(%arg10 : memref<128x64xf32, #tpu.memory_space<vmem>>) dst(%dma_wait3A_297 : memref<128x64xf32, #tpu.memory_space<hbm>>)
      tpu.yield
    }) : () -> ()
    %add3A_268 = arith.constant 384 : i32
    %add3A_269 = arith.addi %mul3A_0, %add3A_268 : i32
    "tpu.region"() ({
      %run_scoped3A = tpu.sem_alloc : memref<!tpu.dma_semaphore, #tpu.memory_space<semaphore_mem>>
      %dma_start3A_294 = arith.constant 0 : i32
      %dma_start3A_295 = tpu.memref_slice %arg14[%add3A_269, %dma_start3A_294] : memref<10240x64xf32, #tpu.memory_space<vmem_shared>> -> memref<128x64xf32, #tpu.memory_space<vmem_shared>>
      %dma_start3A_296 = arith.constant 0 : i32
      %dma_start3A_297 = tpu.memref_slice %arg14[%add3A_269, %dma_start3A_296] : memref<10240x64xf32, #tpu.memory_space<vmem_shared>> -> memref<128x64xf32, #tpu.memory_space<vmem_shared>>
      tpu.enqueue_dma source(%dma_start3A_297 : memref<128x64xf32, #tpu.memory_space<vmem_shared>>) target(%arg10 : memref<128x64xf32, #tpu.memory_space<vmem>>) target_semaphore(%run_scoped3A : memref<!tpu.dma_semaphore, #tpu.memory_space<semaphore_mem>>)
      %dma_wait3A_298 = arith.constant 0 : i32
      %dma_wait3A_299 = tpu.memref_slice %arg14[%add3A_269, %dma_wait3A_298] : memref<10240x64xf32, #tpu.memory_space<vmem_shared>> -> memref<128x64xf32, #tpu.memory_space<vmem_shared>>
      %dma_wait3A_300 = arith.constant 0 : i32
      %dma_wait3A_301 = tpu.memref_slice %arg14[%add3A_269, %dma_wait3A_300] : memref<10240x64xf32, #tpu.memory_space<vmem_shared>> -> memref<128x64xf32, #tpu.memory_space<vmem_shared>>
      tpu.wait_dma2 semaphore(%run_scoped3A : memref<!tpu.dma_semaphore, #tpu.memory_space<semaphore_mem>>) src(%dma_wait3A_301 : memref<128x64xf32, #tpu.memory_space<vmem_shared>>) dst(%arg10 : memref<128x64xf32, #tpu.memory_space<vmem>>)
      tpu.yield
    }) : () -> ()
    %scan3A_270 = arith.constant 0 : i32
    %scan3A_271 = arith.constant 0 : i32
    %scan3A_272 = arith.constant 128 : i32
    %scan3A_273 = arith.addi %scan3A_271, %scan3A_272 : i32
    %scan3A_274 = arith.constant 1 : i32
    %scan3A_275 = scf.for %scan3A_294 = %scan3A_271 to %scan3A_273 step %scan3A_274 iter_args(%scan3A_295 = %scan3A_270) -> (i32)  : i32 {
      %add3A_296 = arith.constant 384 : i32
      %add3A_297 = arith.addi %add3A_296, %scan3A_294 : i32
      %get3A = arith.index_cast %add3A_297 : i32 to index
      %get3A_298 = tpu.vector_load %arg13[%get3A] {strides = array<i32>} : memref<656xf32, #tpu.memory_space<vmem>>, vector<16xf32>,
      %get3A_299 = vector.shape_cast %get3A_298 : vector<16xf32> to vector<16xf32>
      %slice3A = vector.extract_strided_slice %get3A_299 {offsets = [0], sizes = [1], strides = [1]} : vector<16xf32> to vector<1xf32>
      %squeeze3A = vector.extract %slice3A[0] : f32 from vector<1xf32>
      %broadcast_in_dim3A = vector.broadcast %squeeze3A : f32 to vector<16xf32>
      %broadcast_in_dim3A_300 = arith.constant 0.000000e+00 : f32
      %broadcast_in_dim3A_301 = vector.broadcast %broadcast_in_dim3A_300 : f32 to vector<16xf32>
      %get3A_302 = arith.index_cast %scan3A_294 : i32 to index
      %get3A_303 = arith.constant 0 : index
      %get3A_304 = tpu.vector_load %arg10[%get3A_302, %get3A_303] {strides = array<i32>} : memref<128x64xf32, #tpu.memory_space<vmem>>, vector<1x16xf32>,
      %get3A_305 = vector.shape_cast %get3A_304 : vector<1x16xf32> to vector<16xf32>
      %mul3A_306 = arith.mulf %get3A_305, %broadcast_in_dim3A : vector<16xf32>
      %max3A = arith.maximumf %mul3A_306, %broadcast_in_dim3A_301 : vector<16xf32>
      %swap3A = arith.index_cast %scan3A_294 : i32 to index
      %swap3A_307 = arith.constant 0 : index
      %swap3A_308 = tpu.vector_load %arg10[%swap3A, %swap3A_307] {strides = array<i32>} : memref<128x64xf32, #tpu.memory_space<vmem>>, vector<1x16xf32>,
      %swap3A_309 = vector.shape_cast %swap3A_308 : vector<1x16xf32> to vector<16xf32>
      %swap3A_310 = vector.shape_cast %max3A : vector<16xf32> to vector<1x16xf32>
      tpu.vector_store %arg10[%swap3A, %swap3A_307], %swap3A_310 {strides = array<i32>} : memref<128x64xf32, #tpu.memory_space<vmem>>, vector<1x16xf32>,
      %get3A_311 = arith.index_cast %scan3A_294 : i32 to index
      %get3A_312 = arith.constant 16 : index
      %get3A_313 = tpu.vector_load %arg10[%get3A_311, %get3A_312] {strides = array<i32>} : memref<128x64xf32, #tpu.memory_space<vmem>>, vector<1x16xf32>,
      %get3A_314 = vector.shape_cast %get3A_313 : vector<1x16xf32> to vector<16xf32>
      %mul3A_315 = arith.mulf %get3A_314, %broadcast_in_dim3A : vector<16xf32>
      %max3A_316 = arith.maximumf %mul3A_315, %broadcast_in_dim3A_301 : vector<16xf32>
      %swap3A_317 = arith.index_cast %scan3A_294 : i32 to index
      %swap3A_318 = arith.constant 16 : index
      %swap3A_319 = tpu.vector_load %arg10[%swap3A_317, %swap3A_318] {strides = array<i32>} : memref<128x64xf32, #tpu.memory_space<vmem>>, vector<1x16xf32>,
      %swap3A_320 = vector.shape_cast %swap3A_319 : vector<1x16xf32> to vector<16xf32>
      %swap3A_321 = vector.shape_cast %max3A_316 : vector<16xf32> to vector<1x16xf32>
      tpu.vector_store %arg10[%swap3A_317, %swap3A_318], %swap3A_321 {strides = array<i32>} : memref<128x64xf32, #tpu.memory_space<vmem>>, vector<1x16xf32>,
      %get3A_322 = arith.index_cast %scan3A_294 : i32 to index
      %get3A_323 = arith.constant 32 : index
      %get3A_324 = tpu.vector_load %arg10[%get3A_322, %get3A_323] {strides = array<i32>} : memref<128x64xf32, #tpu.memory_space<vmem>>, vector<1x16xf32>,
      %get3A_325 = vector.shape_cast %get3A_324 : vector<1x16xf32> to vector<16xf32>
      %mul3A_326 = arith.mulf %get3A_325, %broadcast_in_dim3A : vector<16xf32>
      %max3A_327 = arith.maximumf %mul3A_326, %broadcast_in_dim3A_301 : vector<16xf32>
      %swap3A_328 = arith.index_cast %scan3A_294 : i32 to index
      %swap3A_329 = arith.constant 32 : index
      %swap3A_330 = tpu.vector_load %arg10[%swap3A_328, %swap3A_329] {strides = array<i32>} : memref<128x64xf32, #tpu.memory_space<vmem>>, vector<1x16xf32>,
      %swap3A_331 = vector.shape_cast %swap3A_330 : vector<1x16xf32> to vector<16xf32>
      %swap3A_332 = vector.shape_cast %max3A_327 : vector<16xf32> to vector<1x16xf32>
      tpu.vector_store %arg10[%swap3A_328, %swap3A_329], %swap3A_332 {strides = array<i32>} : memref<128x64xf32, #tpu.memory_space<vmem>>, vector<1x16xf32>,
      %get3A_333 = arith.index_cast %scan3A_294 : i32 to index
      %get3A_334 = arith.constant 48 : index
      %get3A_335 = tpu.vector_load %arg10[%get3A_333, %get3A_334] {strides = array<i32>} : memref<128x64xf32, #tpu.memory_space<vmem>>, vector<1x16xf32>,
      %get3A_336 = vector.shape_cast %get3A_335 : vector<1x16xf32> to vector<16xf32>
      %mul3A_337 = arith.mulf %get3A_336, %broadcast_in_dim3A : vector<16xf32>
      %max3A_338 = arith.maximumf %mul3A_337, %broadcast_in_dim3A_301 : vector<16xf32>
      %swap3A_339 = arith.index_cast %scan3A_294 : i32 to index
      %swap3A_340 = arith.constant 48 : index
      %swap3A_341 = tpu.vector_load %arg10[%swap3A_339, %swap3A_340] {strides = array<i32>} : memref<128x64xf32, #tpu.memory_space<vmem>>, vector<1x16xf32>,
      %swap3A_342 = vector.shape_cast %swap3A_341 : vector<1x16xf32> to vector<16xf32>
      %swap3A_343 = vector.shape_cast %max3A_338 : vector<16xf32> to vector<1x16xf32>
      tpu.vector_store %arg10[%swap3A_339, %swap3A_340], %swap3A_343 {strides = array<i32>} : memref<128x64xf32, #tpu.memory_space<vmem>>, vector<1x16xf32>,
      %scan3A_344 = arith.constant 0 : i32
      scf.yield %scan3A_344 : i32
    }
    %scan3A_276 = arith.constant 128 : i32
    %add3A_277 = arith.constant 384 : i32
    %add3A_278 = arith.addi %mul3A_0, %add3A_277 : i32
    %mul3A_279 = arith.constant 64 : i32
    %mul3A_280 = arith.muli %arg0, %mul3A_279 : i32
    "tpu.region"() ({
      %run_scoped3A = tpu.sem_alloc : memref<!tpu.dma_semaphore, #tpu.memory_space<semaphore_mem>>
      %dma_start3A_294 = tpu.memref_slice %arg7[%add3A_278, %mul3A_280] : memref<10240x128xf32, #tpu.memory_space<hbm>> -> memref<128x64xf32, #tpu.memory_space<hbm>>
      %dma_start3A_295 = tpu.memref_slice %arg7[%add3A_278, %mul3A_280] : memref<10240x128xf32, #tpu.memory_space<hbm>> -> memref<128x64xf32, #tpu.memory_space<hbm>>
      tpu.enqueue_dma source(%arg10 : memref<128x64xf32, #tpu.memory_space<vmem>>) target(%dma_start3A_295 : memref<128x64xf32, #tpu.memory_space<hbm>>) target_semaphore(%run_scoped3A : memref<!tpu.dma_semaphore, #tpu.memory_space<semaphore_mem>>)
      %dma_wait3A_296 = tpu.memref_slice %arg7[%add3A_278, %mul3A_280] : memref<10240x128xf32, #tpu.memory_space<hbm>> -> memref<128x64xf32, #tpu.memory_space<hbm>>
      %dma_wait3A_297 = tpu.memref_slice %arg7[%add3A_278, %mul3A_280] : memref<10240x128xf32, #tpu.memory_space<hbm>> -> memref<128x64xf32, #tpu.memory_space<hbm>>
      tpu.wait_dma2 semaphore(%run_scoped3A : memref<!tpu.dma_semaphore, #tpu.memory_space<semaphore_mem>>) src(%arg10 : memref<128x64xf32, #tpu.memory_space<vmem>>) dst(%dma_wait3A_297 : memref<128x64xf32, #tpu.memory_space<hbm>>)
      tpu.yield
    }) : () -> ()
    %add3A_281 = arith.constant 512 : i32
    %add3A_282 = arith.addi %mul3A_0, %add3A_281 : i32
    "tpu.region"() ({
      %run_scoped3A = tpu.sem_alloc : memref<!tpu.dma_semaphore, #tpu.memory_space<semaphore_mem>>
      %dma_start3A_294 = arith.constant 0 : i32
      %dma_start3A_295 = tpu.memref_slice %arg14[%add3A_282, %dma_start3A_294] : memref<10240x64xf32, #tpu.memory_space<vmem_shared>> -> memref<128x64xf32, #tpu.memory_space<vmem_shared>>
      %dma_start3A_296 = arith.constant 0 : i32
      %dma_start3A_297 = tpu.memref_slice %arg14[%add3A_282, %dma_start3A_296] : memref<10240x64xf32, #tpu.memory_space<vmem_shared>> -> memref<128x64xf32, #tpu.memory_space<vmem_shared>>
      tpu.enqueue_dma source(%dma_start3A_297 : memref<128x64xf32, #tpu.memory_space<vmem_shared>>) target(%arg10 : memref<128x64xf32, #tpu.memory_space<vmem>>) target_semaphore(%run_scoped3A : memref<!tpu.dma_semaphore, #tpu.memory_space<semaphore_mem>>)
      %dma_wait3A_298 = arith.constant 0 : i32
      %dma_wait3A_299 = tpu.memref_slice %arg14[%add3A_282, %dma_wait3A_298] : memref<10240x64xf32, #tpu.memory_space<vmem_shared>> -> memref<128x64xf32, #tpu.memory_space<vmem_shared>>
      %dma_wait3A_300 = arith.constant 0 : i32
      %dma_wait3A_301 = tpu.memref_slice %arg14[%add3A_282, %dma_wait3A_300] : memref<10240x64xf32, #tpu.memory_space<vmem_shared>> -> memref<128x64xf32, #tpu.memory_space<vmem_shared>>
      tpu.wait_dma2 semaphore(%run_scoped3A : memref<!tpu.dma_semaphore, #tpu.memory_space<semaphore_mem>>) src(%dma_wait3A_301 : memref<128x64xf32, #tpu.memory_space<vmem_shared>>) dst(%arg10 : memref<128x64xf32, #tpu.memory_space<vmem>>)
      tpu.yield
    }) : () -> ()
    %scan3A_283 = arith.constant 0 : i32
    %scan3A_284 = arith.constant 0 : i32
    %scan3A_285 = arith.constant 128 : i32
    %scan3A_286 = arith.addi %scan3A_284, %scan3A_285 : i32
    %scan3A_287 = arith.constant 1 : i32
    %scan3A_288 = scf.for %scan3A_294 = %scan3A_284 to %scan3A_286 step %scan3A_287 iter_args(%scan3A_295 = %scan3A_283) -> (i32)  : i32 {
      %add3A_296 = arith.constant 512 : i32
      %add3A_297 = arith.addi %add3A_296, %scan3A_294 : i32
      %get3A = arith.index_cast %add3A_297 : i32 to index
      %get3A_298 = tpu.vector_load %arg13[%get3A] {strides = array<i32>} : memref<656xf32, #tpu.memory_space<vmem>>, vector<16xf32>,
      %get3A_299 = vector.shape_cast %get3A_298 : vector<16xf32> to vector<16xf32>
      %slice3A = vector.extract_strided_slice %get3A_299 {offsets = [0], sizes = [1], strides = [1]} : vector<16xf32> to vector<1xf32>
      %squeeze3A = vector.extract %slice3A[0] : f32 from vector<1xf32>
      %broadcast_in_dim3A = vector.broadcast %squeeze3A : f32 to vector<16xf32>
      %broadcast_in_dim3A_300 = arith.constant 0.000000e+00 : f32
      %broadcast_in_dim3A_301 = vector.broadcast %broadcast_in_dim3A_300 : f32 to vector<16xf32>
      %get3A_302 = arith.index_cast %scan3A_294 : i32 to index
      %get3A_303 = arith.constant 0 : index
      %get3A_304 = tpu.vector_load %arg10[%get3A_302, %get3A_303] {strides = array<i32>} : memref<128x64xf32, #tpu.memory_space<vmem>>, vector<1x16xf32>,
      %get3A_305 = vector.shape_cast %get3A_304 : vector<1x16xf32> to vector<16xf32>
      %mul3A_306 = arith.mulf %get3A_305, %broadcast_in_dim3A : vector<16xf32>
      %max3A = arith.maximumf %mul3A_306, %broadcast_in_dim3A_301 : vector<16xf32>
      %swap3A = arith.index_cast %scan3A_294 : i32 to index
      %swap3A_307 = arith.constant 0 : index
      %swap3A_308 = tpu.vector_load %arg10[%swap3A, %swap3A_307] {strides = array<i32>} : memref<128x64xf32, #tpu.memory_space<vmem>>, vector<1x16xf32>,
      %swap3A_309 = vector.shape_cast %swap3A_308 : vector<1x16xf32> to vector<16xf32>
      %swap3A_310 = vector.shape_cast %max3A : vector<16xf32> to vector<1x16xf32>
      tpu.vector_store %arg10[%swap3A, %swap3A_307], %swap3A_310 {strides = array<i32>} : memref<128x64xf32, #tpu.memory_space<vmem>>, vector<1x16xf32>,
      %get3A_311 = arith.index_cast %scan3A_294 : i32 to index
      %get3A_312 = arith.constant 16 : index
      %get3A_313 = tpu.vector_load %arg10[%get3A_311, %get3A_312] {strides = array<i32>} : memref<128x64xf32, #tpu.memory_space<vmem>>, vector<1x16xf32>,
      %get3A_314 = vector.shape_cast %get3A_313 : vector<1x16xf32> to vector<16xf32>
      %mul3A_315 = arith.mulf %get3A_314, %broadcast_in_dim3A : vector<16xf32>
      %max3A_316 = arith.maximumf %mul3A_315, %broadcast_in_dim3A_301 : vector<16xf32>
      %swap3A_317 = arith.index_cast %scan3A_294 : i32 to index
      %swap3A_318 = arith.constant 16 : index
      %swap3A_319 = tpu.vector_load %arg10[%swap3A_317, %swap3A_318] {strides = array<i32>} : memref<128x64xf32, #tpu.memory_space<vmem>>, vector<1x16xf32>,
      %swap3A_320 = vector.shape_cast %swap3A_319 : vector<1x16xf32> to vector<16xf32>
      %swap3A_321 = vector.shape_cast %max3A_316 : vector<16xf32> to vector<1x16xf32>
      tpu.vector_store %arg10[%swap3A_317, %swap3A_318], %swap3A_321 {strides = array<i32>} : memref<128x64xf32, #tpu.memory_space<vmem>>, vector<1x16xf32>,
      %get3A_322 = arith.index_cast %scan3A_294 : i32 to index
      %get3A_323 = arith.constant 32 : index
      %get3A_324 = tpu.vector_load %arg10[%get3A_322, %get3A_323] {strides = array<i32>} : memref<128x64xf32, #tpu.memory_space<vmem>>, vector<1x16xf32>,
      %get3A_325 = vector.shape_cast %get3A_324 : vector<1x16xf32> to vector<16xf32>
      %mul3A_326 = arith.mulf %get3A_325, %broadcast_in_dim3A : vector<16xf32>
      %max3A_327 = arith.maximumf %mul3A_326, %broadcast_in_dim3A_301 : vector<16xf32>
      %swap3A_328 = arith.index_cast %scan3A_294 : i32 to index
      %swap3A_329 = arith.constant 32 : index
      %swap3A_330 = tpu.vector_load %arg10[%swap3A_328, %swap3A_329] {strides = array<i32>} : memref<128x64xf32, #tpu.memory_space<vmem>>, vector<1x16xf32>,
      %swap3A_331 = vector.shape_cast %swap3A_330 : vector<1x16xf32> to vector<16xf32>
      %swap3A_332 = vector.shape_cast %max3A_327 : vector<16xf32> to vector<1x16xf32>
      tpu.vector_store %arg10[%swap3A_328, %swap3A_329], %swap3A_332 {strides = array<i32>} : memref<128x64xf32, #tpu.memory_space<vmem>>, vector<1x16xf32>,
      %get3A_333 = arith.index_cast %scan3A_294 : i32 to index
      %get3A_334 = arith.constant 48 : index
      %get3A_335 = tpu.vector_load %arg10[%get3A_333, %get3A_334] {strides = array<i32>} : memref<128x64xf32, #tpu.memory_space<vmem>>, vector<1x16xf32>,
      %get3A_336 = vector.shape_cast %get3A_335 : vector<1x16xf32> to vector<16xf32>
      %mul3A_337 = arith.mulf %get3A_336, %broadcast_in_dim3A : vector<16xf32>
      %max3A_338 = arith.maximumf %mul3A_337, %broadcast_in_dim3A_301 : vector<16xf32>
      %swap3A_339 = arith.index_cast %scan3A_294 : i32 to index
      %swap3A_340 = arith.constant 48 : index
      %swap3A_341 = tpu.vector_load %arg10[%swap3A_339, %swap3A_340] {strides = array<i32>} : memref<128x64xf32, #tpu.memory_space<vmem>>, vector<1x16xf32>,
      %swap3A_342 = vector.shape_cast %swap3A_341 : vector<1x16xf32> to vector<16xf32>
      %swap3A_343 = vector.shape_cast %max3A_338 : vector<16xf32> to vector<1x16xf32>
      tpu.vector_store %arg10[%swap3A_339, %swap3A_340], %swap3A_343 {strides = array<i32>} : memref<128x64xf32, #tpu.memory_space<vmem>>, vector<1x16xf32>,
      %scan3A_344 = arith.constant 0 : i32
      scf.yield %scan3A_344 : i32
    }
    %scan3A_289 = arith.constant 128 : i32
    %add3A_290 = arith.constant 512 : i32
    %add3A_291 = arith.addi %mul3A_0, %add3A_290 : i32
    %mul3A_292 = arith.constant 64 : i32
    %mul3A_293 = arith.muli %arg0, %mul3A_292 : i32
    "tpu.region"() ({
      %run_scoped3A = tpu.sem_alloc : memref<!tpu.dma_semaphore, #tpu.memory_space<semaphore_mem>>
      %dma_start3A_294 = tpu.memref_slice %arg7[%add3A_291, %mul3A_293] : memref<10240x128xf32, #tpu.memory_space<hbm>> -> memref<128x64xf32, #tpu.memory_space<hbm>>
      %dma_start3A_295 = tpu.memref_slice %arg7[%add3A_291, %mul3A_293] : memref<10240x128xf32, #tpu.memory_space<hbm>> -> memref<128x64xf32, #tpu.memory_space<hbm>>
      tpu.enqueue_dma source(%arg10 : memref<128x64xf32, #tpu.memory_space<vmem>>) target(%dma_start3A_295 : memref<128x64xf32, #tpu.memory_space<hbm>>) target_semaphore(%run_scoped3A : memref<!tpu.dma_semaphore, #tpu.memory_space<semaphore_mem>>)
      %dma_wait3A_296 = tpu.memref_slice %arg7[%add3A_291, %mul3A_293] : memref<10240x128xf32, #tpu.memory_space<hbm>> -> memref<128x64xf32, #tpu.memory_space<hbm>>
      %dma_wait3A_297 = tpu.memref_slice %arg7[%add3A_291, %mul3A_293] : memref<10240x128xf32, #tpu.memory_space<hbm>> -> memref<128x64xf32, #tpu.memory_space<hbm>>
      tpu.wait_dma2 semaphore(%run_scoped3A : memref<!tpu.dma_semaphore, #tpu.memory_space<semaphore_mem>>) src(%arg10 : memref<128x64xf32, #tpu.memory_space<vmem>>) dst(%dma_wait3A_297 : memref<128x64xf32, #tpu.memory_space<hbm>>)
      tpu.yield
    }) : () -> ()
    return
  }
}

#map = affine_map<(d0, d1) -> (0, 0, 0)>
module attributes {stable_mosaic.version = 14 : i64} {
  func.func @k(%arg0: i32, %arg1: i32, %arg2: memref<32x80x128xi32, #tpu.memory_space<hbm>>, %arg3: memref<32x80x128xi32, #tpu.memory_space<hbm>>, %arg4: memref<2x16x640xf32, #tpu.memory_space<hbm>>, %arg5: memref<2x16x640xf32, #tpu.memory_space<hbm>>, %arg6: memref<80x128xi32, #tpu.memory_space<vmem>>, %arg7: memref<80x128xi32, #tpu.memory_space<vmem>>, %arg8: memref<128xf32, #tpu.memory_space<vmem>>, %arg9: memref<640xf32, #tpu.memory_space<vmem>>, %arg10: memref<10240xf32, #tpu.memory_space<vmem_shared>>, %arg11: memref<10240xf32, #tpu.memory_space<vmem_shared>>) attributes {dimension_semantics = [#tpu.dimension_semantics<core_parallel>, #tpu.dimension_semantics<subcore_parallel>], iteration_bounds = array<i64: 2, 16>, scalar_prefetch = 0 : i64, scratch_operands = 6 : i64, tpu.core_type = #tpu.core_type<sc_vector_subcore>, window_params = [{transform_indices = #map}, {transform_indices = #map}, {transform_indices = #map}, {transform_indices = #map}]} {
    %mul3A = arith.constant 2 : i32
    %mul3A_0 = arith.muli %arg1, %mul3A : i32
    %add3A = arith.addi %mul3A_0, %arg0 : i32
    %scan3A = arith.constant 0 : i32
    %scan3A_1 = arith.constant 0 : i32
    %scan3A_2 = arith.constant 8 : i32
    %scan3A_3 = arith.addi %scan3A_1, %scan3A_2 : i32
    %scan3A_4 = arith.constant 1 : i32
    %scan3A_5 = scf.for %scan3A_24 = %scan3A_1 to %scan3A_3 step %scan3A_4 iter_args(%scan3A_25 = %scan3A) -> (i32)  : i32 {
      %broadcast_in_dim3A = arith.constant 1.000000e+00 : f32
      %broadcast_in_dim3A_26 = vector.broadcast %broadcast_in_dim3A : f32 to vector<16xf32>
      %mul3A_27 = arith.constant 16 : i32
      %mul3A_28 = arith.muli %scan3A_24, %mul3A_27 : i32
      %swap3A = arith.index_cast %mul3A_28 : i32 to index
      %swap3A_29 = tpu.vector_load %arg8[%swap3A] {strides = array<i32>} : memref<128xf32, #tpu.memory_space<vmem>>, vector<16xf32>,
      %swap3A_30 = vector.shape_cast %swap3A_29 : vector<16xf32> to vector<16xf32>
      %swap3A_31 = vector.shape_cast %broadcast_in_dim3A_26 : vector<16xf32> to vector<16xf32>
      tpu.vector_store %arg8[%swap3A], %swap3A_31 {strides = array<i32>} : memref<128xf32, #tpu.memory_space<vmem>>, vector<16xf32>,
      %scan3A_32 = arith.constant 0 : i32
      scf.yield %scan3A_32 : i32
    }
    %scan3A_6 = arith.constant 8 : i32
    %scan3A_7 = arith.constant 0 : i32
    %scan3A_8 = arith.constant 0 : i32
    %scan3A_9 = arith.constant 40 : i32
    %scan3A_10 = arith.addi %scan3A_8, %scan3A_9 : i32
    %scan3A_11 = arith.constant 1 : i32
    %scan3A_12 = scf.for %scan3A_24 = %scan3A_8 to %scan3A_10 step %scan3A_11 iter_args(%scan3A_25 = %scan3A_7) -> (i32)  : i32 {
      %broadcast_in_dim3A = arith.constant 0.000000e+00 : f32
      %broadcast_in_dim3A_26 = vector.broadcast %broadcast_in_dim3A : f32 to vector<16xf32>
      %mul3A_27 = arith.constant 16 : i32
      %mul3A_28 = arith.muli %scan3A_24, %mul3A_27 : i32
      %swap3A = arith.index_cast %mul3A_28 : i32 to index
      %swap3A_29 = tpu.vector_load %arg9[%swap3A] {strides = array<i32>} : memref<640xf32, #tpu.memory_space<vmem>>, vector<16xf32>,
      %swap3A_30 = vector.shape_cast %swap3A_29 : vector<16xf32> to vector<16xf32>
      %swap3A_31 = vector.shape_cast %broadcast_in_dim3A_26 : vector<16xf32> to vector<16xf32>
      tpu.vector_store %arg9[%swap3A], %swap3A_31 {strides = array<i32>} : memref<640xf32, #tpu.memory_space<vmem>>, vector<16xf32>,
      %scan3A_32 = arith.constant 0 : i32
      scf.yield %scan3A_32 : i32
    }
    %scan3A_13 = arith.constant 40 : i32
    %mul3A_14 = arith.constant 640 : i32
    %mul3A_15 = arith.muli %arg1, %mul3A_14 : i32
    "tpu.region"() ({
      %run_scoped3A = tpu.sem_alloc : memref<!tpu.dma_semaphore, #tpu.memory_space<semaphore_mem>>
      %dma_start3A = tpu.memref_slice %arg10[%mul3A_15] : memref<10240xf32, #tpu.memory_space<vmem_shared>> -> memref<640xf32, #tpu.memory_space<vmem_shared>>
      %dma_start3A_24 = tpu.memref_slice %arg10[%mul3A_15] : memref<10240xf32, #tpu.memory_space<vmem_shared>> -> memref<640xf32, #tpu.memory_space<vmem_shared>>
      tpu.enqueue_dma source(%arg9 : memref<640xf32, #tpu.memory_space<vmem>>) target(%dma_start3A_24 : memref<640xf32, #tpu.memory_space<vmem_shared>>) target_semaphore(%run_scoped3A : memref<!tpu.dma_semaphore, #tpu.memory_space<semaphore_mem>>)
      %dma_wait3A = tpu.memref_slice %arg10[%mul3A_15] : memref<10240xf32, #tpu.memory_space<vmem_shared>> -> memref<640xf32, #tpu.memory_space<vmem_shared>>
      %dma_wait3A_25 = tpu.memref_slice %arg10[%mul3A_15] : memref<10240xf32, #tpu.memory_space<vmem_shared>> -> memref<640xf32, #tpu.memory_space<vmem_shared>>
      tpu.wait_dma2 semaphore(%run_scoped3A : memref<!tpu.dma_semaphore, #tpu.memory_space<semaphore_mem>>) src(%arg9 : memref<640xf32, #tpu.memory_space<vmem>>) dst(%dma_wait3A_25 : memref<640xf32, #tpu.memory_space<vmem_shared>>)
      tpu.yield
    }) : () -> ()
    "tpu.region"() ({
      %run_scoped3A = tpu.sem_alloc : memref<!tpu.dma_semaphore, #tpu.memory_space<semaphore_mem>>
      %dma_start3A = tpu.memref_slice %arg11[%mul3A_15] : memref<10240xf32, #tpu.memory_space<vmem_shared>> -> memref<640xf32, #tpu.memory_space<vmem_shared>>
      %dma_start3A_24 = tpu.memref_slice %arg11[%mul3A_15] : memref<10240xf32, #tpu.memory_space<vmem_shared>> -> memref<640xf32, #tpu.memory_space<vmem_shared>>
      tpu.enqueue_dma source(%arg9 : memref<640xf32, #tpu.memory_space<vmem>>) target(%dma_start3A_24 : memref<640xf32, #tpu.memory_space<vmem_shared>>) target_semaphore(%run_scoped3A : memref<!tpu.dma_semaphore, #tpu.memory_space<semaphore_mem>>)
      %dma_wait3A = tpu.memref_slice %arg11[%mul3A_15] : memref<10240xf32, #tpu.memory_space<vmem_shared>> -> memref<640xf32, #tpu.memory_space<vmem_shared>>
      %dma_wait3A_25 = tpu.memref_slice %arg11[%mul3A_15] : memref<10240xf32, #tpu.memory_space<vmem_shared>> -> memref<640xf32, #tpu.memory_space<vmem_shared>>
      tpu.wait_dma2 semaphore(%run_scoped3A : memref<!tpu.dma_semaphore, #tpu.memory_space<semaphore_mem>>) src(%arg9 : memref<640xf32, #tpu.memory_space<vmem>>) dst(%dma_wait3A_25 : memref<640xf32, #tpu.memory_space<vmem_shared>>)
      tpu.yield
    }) : () -> ()
    "tpu.region"() ({
      %run_scoped3A = tpu.sem_alloc : memref<!tpu.dma_semaphore, #tpu.memory_space<semaphore_mem>>
      %dma_start3A = arith.constant 0 : i32
      %dma_start3A_24 = arith.constant 0 : i32
      %dma_start3A_25 = tpu.memref_slice %arg2[%add3A, %dma_start3A, %dma_start3A_24] : memref<32x80x128xi32, #tpu.memory_space<hbm>> -> memref<1x80x128xi32, #tpu.memory_space<hbm>>
      %dma_start3A_26 = tpu.memref_squeeze %dma_start3A_25 : memref<1x80x128xi32, #tpu.memory_space<hbm>> -> memref<80x128xi32, #tpu.memory_space<hbm>>
      %dma_start3A_27 = arith.constant 0 : i32
      %dma_start3A_28 = arith.constant 0 : i32
      %dma_start3A_29 = tpu.memref_slice %arg2[%add3A, %dma_start3A_27, %dma_start3A_28] : memref<32x80x128xi32, #tpu.memory_space<hbm>> -> memref<1x80x128xi32, #tpu.memory_space<hbm>>
      %dma_start3A_30 = tpu.memref_squeeze %dma_start3A_29 : memref<1x80x128xi32, #tpu.memory_space<hbm>> -> memref<80x128xi32, #tpu.memory_space<hbm>>
      tpu.enqueue_dma source(%dma_start3A_30 : memref<80x128xi32, #tpu.memory_space<hbm>>) target(%arg6 : memref<80x128xi32, #tpu.memory_space<vmem>>) target_semaphore(%run_scoped3A : memref<!tpu.dma_semaphore, #tpu.memory_space<semaphore_mem>>)
      %dma_wait3A = arith.constant 0 : i32
      %dma_wait3A_31 = arith.constant 0 : i32
      %dma_wait3A_32 = tpu.memref_slice %arg2[%add3A, %dma_wait3A, %dma_wait3A_31] : memref<32x80x128xi32, #tpu.memory_space<hbm>> -> memref<1x80x128xi32, #tpu.memory_space<hbm>>
      %dma_wait3A_33 = tpu.memref_squeeze %dma_wait3A_32 : memref<1x80x128xi32, #tpu.memory_space<hbm>> -> memref<80x128xi32, #tpu.memory_space<hbm>>
      %dma_wait3A_34 = arith.constant 0 : i32
      %dma_wait3A_35 = arith.constant 0 : i32
      %dma_wait3A_36 = tpu.memref_slice %arg2[%add3A, %dma_wait3A_34, %dma_wait3A_35] : memref<32x80x128xi32, #tpu.memory_space<hbm>> -> memref<1x80x128xi32, #tpu.memory_space<hbm>>
      %dma_wait3A_37 = tpu.memref_squeeze %dma_wait3A_36 : memref<1x80x128xi32, #tpu.memory_space<hbm>> -> memref<80x128xi32, #tpu.memory_space<hbm>>
      tpu.wait_dma2 semaphore(%run_scoped3A : memref<!tpu.dma_semaphore, #tpu.memory_space<semaphore_mem>>) src(%dma_wait3A_37 : memref<80x128xi32, #tpu.memory_space<hbm>>) dst(%arg6 : memref<80x128xi32, #tpu.memory_space<vmem>>)
      tpu.yield
    }) : () -> ()
    "tpu.region"() ({
      %run_scoped3A = tpu.sem_alloc : memref<!tpu.dma_semaphore, #tpu.memory_space<semaphore_mem>>
      %dma_start3A = arith.constant 0 : i32
      %dma_start3A_24 = arith.constant 0 : i32
      %dma_start3A_25 = tpu.memref_slice %arg3[%add3A, %dma_start3A, %dma_start3A_24] : memref<32x80x128xi32, #tpu.memory_space<hbm>> -> memref<1x80x128xi32, #tpu.memory_space<hbm>>
      %dma_start3A_26 = tpu.memref_squeeze %dma_start3A_25 : memref<1x80x128xi32, #tpu.memory_space<hbm>> -> memref<80x128xi32, #tpu.memory_space<hbm>>
      %dma_start3A_27 = arith.constant 0 : i32
      %dma_start3A_28 = arith.constant 0 : i32
      %dma_start3A_29 = tpu.memref_slice %arg3[%add3A, %dma_start3A_27, %dma_start3A_28] : memref<32x80x128xi32, #tpu.memory_space<hbm>> -> memref<1x80x128xi32, #tpu.memory_space<hbm>>
      %dma_start3A_30 = tpu.memref_squeeze %dma_start3A_29 : memref<1x80x128xi32, #tpu.memory_space<hbm>> -> memref<80x128xi32, #tpu.memory_space<hbm>>
      tpu.enqueue_dma source(%dma_start3A_30 : memref<80x128xi32, #tpu.memory_space<hbm>>) target(%arg7 : memref<80x128xi32, #tpu.memory_space<vmem>>) target_semaphore(%run_scoped3A : memref<!tpu.dma_semaphore, #tpu.memory_space<semaphore_mem>>)
      %dma_wait3A = arith.constant 0 : i32
      %dma_wait3A_31 = arith.constant 0 : i32
      %dma_wait3A_32 = tpu.memref_slice %arg3[%add3A, %dma_wait3A, %dma_wait3A_31] : memref<32x80x128xi32, #tpu.memory_space<hbm>> -> memref<1x80x128xi32, #tpu.memory_space<hbm>>
      %dma_wait3A_33 = tpu.memref_squeeze %dma_wait3A_32 : memref<1x80x128xi32, #tpu.memory_space<hbm>> -> memref<80x128xi32, #tpu.memory_space<hbm>>
      %dma_wait3A_34 = arith.constant 0 : i32
      %dma_wait3A_35 = arith.constant 0 : i32
      %dma_wait3A_36 = tpu.memref_slice %arg3[%add3A, %dma_wait3A_34, %dma_wait3A_35] : memref<32x80x128xi32, #tpu.memory_space<hbm>> -> memref<1x80x128xi32, #tpu.memory_space<hbm>>
      %dma_wait3A_37 = tpu.memref_squeeze %dma_wait3A_36 : memref<1x80x128xi32, #tpu.memory_space<hbm>> -> memref<80x128xi32, #tpu.memory_space<hbm>>
      tpu.wait_dma2 semaphore(%run_scoped3A : memref<!tpu.dma_semaphore, #tpu.memory_space<semaphore_mem>>) src(%dma_wait3A_37 : memref<80x128xi32, #tpu.memory_space<hbm>>) dst(%arg7 : memref<80x128xi32, #tpu.memory_space<vmem>>)
      tpu.yield
    }) : () -> ()
    %barrier3A = arith.constant 0 : index
    tpu.barrier barrier_id(%barrier3A)
    %scan3A_16 = arith.constant 0 : i32
    %scan3A_17 = arith.constant 0 : i32
    %scan3A_18 = arith.constant 80 : i32
    %scan3A_19 = arith.addi %scan3A_17, %scan3A_18 : i32
    %scan3A_20 = arith.constant 1 : i32
    %scan3A_21 = scf.for %scan3A_24 = %scan3A_17 to %scan3A_19 step %scan3A_20 iter_args(%scan3A_25 = %scan3A_16) -> (i32)  : i32 {
      "tpu.region"() ({
        %run_scoped3A = tpu.sem_alloc : memref<!tpu.dma_semaphore, #tpu.memory_space<semaphore_mem>>
        %dma_start3A = arith.constant 0 : i32
        %dma_start3A_27 = tpu.memref_slice %arg6[%scan3A_24, %dma_start3A] : memref<80x128xi32, #tpu.memory_space<vmem>> -> memref<1x128xi32, #tpu.memory_space<vmem>>
        %dma_start3A_28 = tpu.memref_squeeze %dma_start3A_27 : memref<1x128xi32, #tpu.memory_space<vmem>> -> memref<128xi32, #tpu.memory_space<vmem>>
        %dma_start3A_29 = arith.constant 0 : i32
        %dma_start3A_30 = tpu.memref_slice %arg10[%dma_start3A_29] : memref<10240xf32, #tpu.memory_space<vmem_shared>> -> memref<10240xf32, #tpu.memory_space<vmem_shared>>
        tpu.enqueue_indirect_dma source(%arg8 : memref<128xf32, #tpu.memory_space<vmem>>) target(%dma_start3A_30 : memref<10240xf32, #tpu.memory_space<vmem_shared>>) offsets(%dma_start3A_28 : memref<128xi32, #tpu.memory_space<vmem>>) semaphore(%run_scoped3A : memref<!tpu.dma_semaphore, #tpu.memory_space<semaphore_mem>>) {add = true}
        %dma_wait3A = arith.constant 0 : i32
        %dma_wait3A_31 = tpu.memref_slice %arg6[%scan3A_24, %dma_wait3A] : memref<80x128xi32, #tpu.memory_space<vmem>> -> memref<1x128xi32, #tpu.memory_space<vmem>>
        %dma_wait3A_32 = tpu.memref_squeeze %dma_wait3A_31 : memref<1x128xi32, #tpu.memory_space<vmem>> -> memref<128xi32, #tpu.memory_space<vmem>>
        %dma_wait3A_33 = arith.constant 0 : i32
        %dma_wait3A_34 = tpu.memref_slice %arg10[%dma_wait3A_33] : memref<10240xf32, #tpu.memory_space<vmem_shared>> -> memref<10240xf32, #tpu.memory_space<vmem_shared>>
        tpu.wait_indirect_dma semaphore(%run_scoped3A : memref<!tpu.dma_semaphore, #tpu.memory_space<semaphore_mem>>) src(%arg8 : memref<128xf32, #tpu.memory_space<vmem>>) dst(%dma_wait3A_34 : memref<10240xf32, #tpu.memory_space<vmem_shared>>)
        tpu.yield
      }) : () -> ()
      "tpu.region"() ({
        %run_scoped3A = tpu.sem_alloc : memref<!tpu.dma_semaphore, #tpu.memory_space<semaphore_mem>>
        %dma_start3A = arith.constant 0 : i32
        %dma_start3A_27 = tpu.memref_slice %arg7[%scan3A_24, %dma_start3A] : memref<80x128xi32, #tpu.memory_space<vmem>> -> memref<1x128xi32, #tpu.memory_space<vmem>>
        %dma_start3A_28 = tpu.memref_squeeze %dma_start3A_27 : memref<1x128xi32, #tpu.memory_space<vmem>> -> memref<128xi32, #tpu.memory_space<vmem>>
        %dma_start3A_29 = arith.constant 0 : i32
        %dma_start3A_30 = tpu.memref_slice %arg11[%dma_start3A_29] : memref<10240xf32, #tpu.memory_space<vmem_shared>> -> memref<10240xf32, #tpu.memory_space<vmem_shared>>
        tpu.enqueue_indirect_dma source(%arg8 : memref<128xf32, #tpu.memory_space<vmem>>) target(%dma_start3A_30 : memref<10240xf32, #tpu.memory_space<vmem_shared>>) offsets(%dma_start3A_28 : memref<128xi32, #tpu.memory_space<vmem>>) semaphore(%run_scoped3A : memref<!tpu.dma_semaphore, #tpu.memory_space<semaphore_mem>>) {add = true}
        %dma_wait3A = arith.constant 0 : i32
        %dma_wait3A_31 = tpu.memref_slice %arg7[%scan3A_24, %dma_wait3A] : memref<80x128xi32, #tpu.memory_space<vmem>> -> memref<1x128xi32, #tpu.memory_space<vmem>>
        %dma_wait3A_32 = tpu.memref_squeeze %dma_wait3A_31 : memref<1x128xi32, #tpu.memory_space<vmem>> -> memref<128xi32, #tpu.memory_space<vmem>>
        %dma_wait3A_33 = arith.constant 0 : i32
        %dma_wait3A_34 = tpu.memref_slice %arg11[%dma_wait3A_33] : memref<10240xf32, #tpu.memory_space<vmem_shared>> -> memref<10240xf32, #tpu.memory_space<vmem_shared>>
        tpu.wait_indirect_dma semaphore(%run_scoped3A : memref<!tpu.dma_semaphore, #tpu.memory_space<semaphore_mem>>) src(%arg8 : memref<128xf32, #tpu.memory_space<vmem>>) dst(%dma_wait3A_34 : memref<10240xf32, #tpu.memory_space<vmem_shared>>)
        tpu.yield
      }) : () -> ()
      %scan3A_26 = arith.constant 0 : i32
      scf.yield %scan3A_26 : i32
    }
    %scan3A_22 = arith.constant 80 : i32
    %barrier3A_23 = arith.constant 0 : index
    tpu.barrier barrier_id(%barrier3A_23)
    "tpu.region"() ({
      %run_scoped3A = tpu.sem_alloc : memref<!tpu.dma_semaphore, #tpu.memory_space<semaphore_mem>>
      %dma_start3A = arith.constant 0 : i32
      %dma_start3A_24 = tpu.memref_slice %arg4[%arg0, %arg1, %dma_start3A] : memref<2x16x640xf32, #tpu.memory_space<hbm>> -> memref<1x1x640xf32, #tpu.memory_space<hbm>>
      %dma_start3A_25 = tpu.memref_squeeze %dma_start3A_24 : memref<1x1x640xf32, #tpu.memory_space<hbm>> -> memref<640xf32, #tpu.memory_space<hbm>>
      %dma_start3A_26 = tpu.memref_slice %arg10[%mul3A_15] : memref<10240xf32, #tpu.memory_space<vmem_shared>> -> memref<640xf32, #tpu.memory_space<vmem_shared>>
      tpu.enqueue_dma source(%dma_start3A_26 : memref<640xf32, #tpu.memory_space<vmem_shared>>) target(%dma_start3A_25 : memref<640xf32, #tpu.memory_space<hbm>>) target_semaphore(%run_scoped3A : memref<!tpu.dma_semaphore, #tpu.memory_space<semaphore_mem>>)
      %dma_wait3A = arith.constant 0 : i32
      %dma_wait3A_27 = tpu.memref_slice %arg4[%arg0, %arg1, %dma_wait3A] : memref<2x16x640xf32, #tpu.memory_space<hbm>> -> memref<1x1x640xf32, #tpu.memory_space<hbm>>
      %dma_wait3A_28 = tpu.memref_squeeze %dma_wait3A_27 : memref<1x1x640xf32, #tpu.memory_space<hbm>> -> memref<640xf32, #tpu.memory_space<hbm>>
      %dma_wait3A_29 = tpu.memref_slice %arg10[%mul3A_15] : memref<10240xf32, #tpu.memory_space<vmem_shared>> -> memref<640xf32, #tpu.memory_space<vmem_shared>>
      tpu.wait_dma2 semaphore(%run_scoped3A : memref<!tpu.dma_semaphore, #tpu.memory_space<semaphore_mem>>) src(%dma_wait3A_29 : memref<640xf32, #tpu.memory_space<vmem_shared>>) dst(%dma_wait3A_28 : memref<640xf32, #tpu.memory_space<hbm>>)
      tpu.yield
    }) : () -> ()
    "tpu.region"() ({
      %run_scoped3A = tpu.sem_alloc : memref<!tpu.dma_semaphore, #tpu.memory_space<semaphore_mem>>
      %dma_start3A = arith.constant 0 : i32
      %dma_start3A_24 = tpu.memref_slice %arg5[%arg0, %arg1, %dma_start3A] : memref<2x16x640xf32, #tpu.memory_space<hbm>> -> memref<1x1x640xf32, #tpu.memory_space<hbm>>
      %dma_start3A_25 = tpu.memref_squeeze %dma_start3A_24 : memref<1x1x640xf32, #tpu.memory_space<hbm>> -> memref<640xf32, #tpu.memory_space<hbm>>
      %dma_start3A_26 = tpu.memref_slice %arg11[%mul3A_15] : memref<10240xf32, #tpu.memory_space<vmem_shared>> -> memref<640xf32, #tpu.memory_space<vmem_shared>>
      tpu.enqueue_dma source(%dma_start3A_26 : memref<640xf32, #tpu.memory_space<vmem_shared>>) target(%dma_start3A_25 : memref<640xf32, #tpu.memory_space<hbm>>) target_semaphore(%run_scoped3A : memref<!tpu.dma_semaphore, #tpu.memory_space<semaphore_mem>>)
      %dma_wait3A = arith.constant 0 : i32
      %dma_wait3A_27 = tpu.memref_slice %arg5[%arg0, %arg1, %dma_wait3A] : memref<2x16x640xf32, #tpu.memory_space<hbm>> -> memref<1x1x640xf32, #tpu.memory_space<hbm>>
      %dma_wait3A_28 = tpu.memref_squeeze %dma_wait3A_27 : memref<1x1x640xf32, #tpu.memory_space<hbm>> -> memref<640xf32, #tpu.memory_space<hbm>>
      %dma_wait3A_29 = tpu.memref_slice %arg11[%mul3A_15] : memref<10240xf32, #tpu.memory_space<vmem_shared>> -> memref<640xf32, #tpu.memory_space<vmem_shared>>
      tpu.wait_dma2 semaphore(%run_scoped3A : memref<!tpu.dma_semaphore, #tpu.memory_space<semaphore_mem>>) src(%dma_wait3A_29 : memref<640xf32, #tpu.memory_space<vmem_shared>>) dst(%dma_wait3A_28 : memref<640xf32, #tpu.memory_space<hbm>>)
      tpu.yield
    }) : () -> ()
    return
  }
}

module attributes {stable_mosaic.version = 14 : i64} {
  func.func @_proj_kernel(%arg0: i32, %arg1: memref<1280x128xf32, #tpu.memory_space<vmem>>, %arg2: memref<128x128xf32, #tpu.memory_space<vmem>>, %arg3: memref<1x128xf32, #tpu.memory_space<vmem>>, %arg4: memref<2x1280x1xf32, #tpu.memory_space<vmem>>, %arg5: memref<2x1280x1xf32, #tpu.memory_space<vmem>>, %arg6: memref<2x1280x64xf32, #tpu.memory_space<vmem>>, %arg7: memref<1280x1xf32, #tpu.memory_space<vmem>>, %arg8: memref<1280x1xf32, #tpu.memory_space<vmem>>) attributes {dimension_semantics = [#tpu.dimension_semantics<arbitrary>], iteration_bounds = array<i64: 8>, scalar_prefetch = 0 : i64, scratch_operands = 0 : i64, tpu.core_type = #tpu.core_type<tc>, window_params = [{transform_indices = @transform_0, window_bounds = array<i64: 1280, 128>}, {pipeline_mode = #tpu.pipeline_mode<synchronous>, transform_indices = @transform_1, window_bounds = array<i64: 128, 128>}, {pipeline_mode = #tpu.pipeline_mode<synchronous>, transform_indices = @transform_2, window_bounds = array<i64: 1, 128>}, {transform_indices = @transform_3, window_bounds = array<i64: 2, 1280, 1>}, {transform_indices = @transform_4, window_bounds = array<i64: 2, 1280, 1>}, {transform_indices = @transform_5, window_bounds = array<i64: 2, 1280, 64>}, {transform_indices = @transform_6, window_bounds = array<i64: 1280, 1>}, {transform_indices = @transform_7, window_bounds = array<i64: 1280, 1>}]} {
    %get3A = arith.constant 0 : index
    %get3A_0 = arith.constant 0 : index
    %get3A_1 = arith.constant 0 : index
    %get3A_2 = vector.load %arg4[%get3A, %get3A_0, %get3A_1] : memref<2x1280x1xf32, #tpu.memory_space<vmem>>, vector<1x1280x1xf32>
    %get3A_3 = vector.shape_cast %get3A_2 : vector<1x1280x1xf32> to vector<1280x1xf32>
    %get3A_4 = arith.constant 1 : index
    %get3A_5 = arith.constant 0 : index
    %get3A_6 = arith.constant 0 : index
    %get3A_7 = vector.load %arg4[%get3A_4, %get3A_5, %get3A_6] : memref<2x1280x1xf32, #tpu.memory_space<vmem>>, vector<1x1280x1xf32>
    %get3A_8 = vector.shape_cast %get3A_7 : vector<1x1280x1xf32> to vector<1280x1xf32>
    %add3A = arith.addf %get3A_3, %get3A_8 : vector<1280x1xf32>
    %get3A_9 = arith.constant 0 : index
    %get3A_10 = arith.constant 0 : index
    %get3A_11 = arith.constant 0 : index
    %get3A_12 = vector.load %arg5[%get3A_9, %get3A_10, %get3A_11] : memref<2x1280x1xf32, #tpu.memory_space<vmem>>, vector<1x1280x1xf32>
    %get3A_13 = vector.shape_cast %get3A_12 : vector<1x1280x1xf32> to vector<1280x1xf32>
    %get3A_14 = arith.constant 1 : index
    %get3A_15 = arith.constant 0 : index
    %get3A_16 = arith.constant 0 : index
    %get3A_17 = vector.load %arg5[%get3A_14, %get3A_15, %get3A_16] : memref<2x1280x1xf32, #tpu.memory_space<vmem>>, vector<1x1280x1xf32>
    %get3A_18 = vector.shape_cast %get3A_17 : vector<1x1280x1xf32> to vector<1280x1xf32>
    %add3A_19 = arith.addf %get3A_13, %get3A_18 : vector<1280x1xf32>
    %gt3A = arith.constant 0.000000e+00 : f32
    %gt3A_20 = vector.broadcast %gt3A : f32 to vector<1280x1xf32>
    %gt3A_21 = arith.cmpf ogt, %add3A, %gt3A_20 : vector<1280x1xf32>
    %rsqrt3A = math.rsqrt %add3A : vector<1280x1xf32>
    %jit3A = arith.constant 0.000000e+00 : f32
    %broadcast_in_dim3A = vector.broadcast %jit3A : f32 to vector<1280x1xf32>
    %select_n3A = arith.select %gt3A_21, %rsqrt3A, %broadcast_in_dim3A : vector<1280x1xi1>, vector<1280x1xf32>
    %swap3A = arith.constant 0 : index
    %swap3A_22 = arith.constant 0 : index
    %swap3A_23 = vector.load %arg7[%swap3A, %swap3A_22] : memref<1280x1xf32, #tpu.memory_space<vmem>>, vector<1280x1xf32>
    tpu.vector_store %arg7[%swap3A, %swap3A_22], %select_n3A {strides = array<i32>} : memref<1280x1xf32, #tpu.memory_space<vmem>>, vector<1280x1xf32>,
    %gt3A_24 = arith.constant 0.000000e+00 : f32
    %gt3A_25 = vector.broadcast %gt3A_24 : f32 to vector<1280x1xf32>
    %gt3A_26 = arith.cmpf ogt, %add3A_19, %gt3A_25 : vector<1280x1xf32>
    %div3A = arith.constant 1.000000e+00 : f32
    %div3A_27 = vector.broadcast %div3A : f32 to vector<1280x1xf32>
    %div3A_28 = arith.divf %div3A_27, %add3A_19 : vector<1280x1xf32>
    %jit3A_29 = arith.constant 0.000000e+00 : f32
    %broadcast_in_dim3A_30 = vector.broadcast %jit3A_29 : f32 to vector<1280x1xf32>
    %select_n3A_31 = arith.select %gt3A_26, %div3A_28, %broadcast_in_dim3A_30 : vector<1280x1xi1>, vector<1280x1xf32>
    %swap3A_32 = arith.constant 0 : index
    %swap3A_33 = arith.constant 0 : index
    %swap3A_34 = vector.load %arg8[%swap3A_32, %swap3A_33] : memref<1280x1xf32, #tpu.memory_space<vmem>>, vector<1280x1xf32>
    tpu.vector_store %arg8[%swap3A_32, %swap3A_33], %select_n3A_31 {strides = array<i32>} : memref<1280x1xf32, #tpu.memory_space<vmem>>, vector<1280x1xf32>,
    %get3A_35 = arith.constant 0 : index
    %get3A_36 = arith.constant 0 : index
    %get3A_37 = vector.load %arg1[%get3A_35, %get3A_36] : memref<1280x128xf32, #tpu.memory_space<vmem>>, vector<1280x128xf32>
    %get3A_38 = arith.constant 0 : index
    %get3A_39 = arith.constant 0 : index
    %get3A_40 = vector.load %arg2[%get3A_38, %get3A_39] : memref<128x128xf32, #tpu.memory_space<vmem>>, vector<128x128xf32>
    %transpose3A = tpu.transpose %get3A_40, [1, 0] : vector<128x128xf32> -> vector<128x128xf32>
    %dot_general3A = arith.constant dense<0.000000e+00> : vector<1280x128xf32>
    %dot_general3A_41 = tpu.matmul %get3A_37, %transpose3A, %dot_general3A {dimension_numbers = #tpu.dot_dimension_numbers<[1], [0], [0], [1], [0, 0, 1, 1], [], []>, transpose_lhs_hint = false} : vector<1280x128xf32>, vector<128x128xf32>, vector<1280x128xf32> -> vector<1280x128xf32>
    %get3A_42 = arith.constant 0 : index
    %get3A_43 = arith.constant 0 : index
    %get3A_44 = vector.load %arg3[%get3A_42, %get3A_43] : memref<1x128xf32, #tpu.memory_space<vmem>>, vector<1x128xf32>
    %add3A_45 = vector.broadcast %get3A_44 : vector<1x128xf32> to vector<1280x128xf32>
    %add3A_46 = arith.addf %dot_general3A_41, %add3A_45 : vector<1280x128xf32>
    %mul3A = vector.broadcast %select_n3A : vector<1280x1xf32> to vector<1280x128xf32>
    %mul3A_47 = arith.mulf %add3A_46, %mul3A : vector<1280x128xf32>
    %slice3A = vector.extract_strided_slice %mul3A_47 {offsets = [0, 0], sizes = [1280, 64], strides = [1, 1]} : vector<1280x128xf32> to vector<1280x64xf32>
    %swap3A_48 = arith.constant 0 : index
    %swap3A_49 = arith.constant 0 : index
    %swap3A_50 = arith.constant 0 : index
    %swap3A_51 = vector.load %arg6[%swap3A_48, %swap3A_49, %swap3A_50] : memref<2x1280x64xf32, #tpu.memory_space<vmem>>, vector<1x1280x64xf32>
    %swap3A_52 = vector.shape_cast %swap3A_51 : vector<1x1280x64xf32> to vector<1280x64xf32>
    %swap3A_53 = vector.shape_cast %slice3A : vector<1280x64xf32> to vector<1x1280x64xf32>
    tpu.vector_store %arg6[%swap3A_48, %swap3A_49, %swap3A_50], %swap3A_53 {strides = array<i32>} : memref<2x1280x64xf32, #tpu.memory_space<vmem>>, vector<1x1280x64xf32>,
    %slice3A_54 = vector.extract_strided_slice %mul3A_47 {offsets = [0, 64], sizes = [1280, 64], strides = [1, 1]} : vector<1280x128xf32> to vector<1280x64xf32>
    %swap3A_55 = arith.constant 1 : index
    %swap3A_56 = arith.constant 0 : index
    %swap3A_57 = arith.constant 0 : index
    %swap3A_58 = vector.load %arg6[%swap3A_55, %swap3A_56, %swap3A_57] : memref<2x1280x64xf32, #tpu.memory_space<vmem>>, vector<1x1280x64xf32>
    %swap3A_59 = vector.shape_cast %swap3A_58 : vector<1x1280x64xf32> to vector<1280x64xf32>
    %swap3A_60 = vector.shape_cast %slice3A_54 : vector<1280x64xf32> to vector<1x1280x64xf32>
    tpu.vector_store %arg6[%swap3A_55, %swap3A_56, %swap3A_57], %swap3A_60 {strides = array<i32>} : memref<2x1280x64xf32, #tpu.memory_space<vmem>>, vector<1x1280x64xf32>,
    return
  }
  func.func @transform_0(%arg0: i32) -> (i32, i32) {
    %c0_i32 = arith.constant 0 : i32
    %c0_i32_0 = arith.constant 0 : i32
    return %arg0, %c0_i32 : i32, i32
  }
  func.func @transform_1(%arg0: i32) -> (i32, i32) {
    %c0_i32 = arith.constant 0 : i32
    %c0_i32_0 = arith.constant 0 : i32
    %c0_i32_1 = arith.constant 0 : i32
    return %c0_i32, %c0_i32_0 : i32, i32
  }
  func.func @transform_2(%arg0: i32) -> (i32, i32) {
    %c0_i32 = arith.constant 0 : i32
    %c0_i32_0 = arith.constant 0 : i32
    %c0_i32_1 = arith.constant 0 : i32
    return %c0_i32, %c0_i32_0 : i32, i32
  }
  func.func @transform_3(%arg0: i32) -> (i32, i32, i32) {
    %c0_i32 = arith.constant 0 : i32
    %c0_i32_0 = arith.constant 0 : i32
    %c0_i32_1 = arith.constant 0 : i32
    return %c0_i32, %arg0, %c0_i32_0 : i32, i32, i32
  }
  func.func @transform_4(%arg0: i32) -> (i32, i32, i32) {
    %c0_i32 = arith.constant 0 : i32
    %c0_i32_0 = arith.constant 0 : i32
    %c0_i32_1 = arith.constant 0 : i32
    return %c0_i32, %arg0, %c0_i32_0 : i32, i32, i32
  }
  func.func @transform_5(%arg0: i32) -> (i32, i32, i32) {
    %c0_i32 = arith.constant 0 : i32
    %c0_i32_0 = arith.constant 0 : i32
    %c0_i32_1 = arith.constant 0 : i32
    return %c0_i32, %arg0, %c0_i32_0 : i32, i32, i32
  }
  func.func @transform_6(%arg0: i32) -> (i32, i32) {
    %c0_i32 = arith.constant 0 : i32
    %c0_i32_0 = arith.constant 0 : i32
    return %arg0, %c0_i32 : i32, i32
  }
  func.func @transform_7(%arg0: i32) -> (i32, i32) {
    %c0_i32 = arith.constant 0 : i32
    %c0_i32_0 = arith.constant 0 : i32
    return %arg0, %c0_i32 : i32, i32
  }
}

</mosaic_0001>

<sc_bundles>
// kernel: kernel.5.cloned.1.call-start
scs
__scs_entry_jumppad:
0x0: {  	(pc) =	sbr.rel $0x88, $3  }
0x1: {  	(tag) =	ssettag $0x0;
	lr =	simm.s32 $0x1  }
0x2: {  	[smem:$0x3F9C] =	sst lr;
	_ =	strace $0xD0000000  }
0x3: {  	_ = 	snop  }
0x4: {  	_ = 	snop  }
0x5: {  	_ = 	snop  }
0x6: {  	_ = 	snop  }
0x7: {  	_ = 	snop  }
__scs_overlays_trampoline_lowered:
0x8: {  	[smem:$0x3FAB] =	sst s0  }
0x9: {  	[smem:$0x3FAC] =	sst s1  }
0xa: {  	[smem:$0x3FAD] =	sst s2  }
0xb: {  	[smem:$0x3FAE] =	sst s3  }
0xc: {  	[smem:$0x3FAF] =	sst s4  }
0xd: {  	[smem:$0x3FB0] =	sst s5  }
0xe: {  	[smem:$0x3FB1] =	sst s6  }
0xf: {  	[smem:$0x3FB2] =	sst s7  }
0x10: {  	[smem:$0x3FB3] =	sst s8  }
0x11: {  	[smem:$0x3FB4] =	sst s9;
	s0 =	simm.s32 @!p0 $0x0  }
0x12: {  	s1 =	sld [smem:$0x3F9A];
	s0 =	simm.s32 @p0 $0x1  }
0x13: {  	[smem:$0x3FB5] =	sst s0;
	s0 =	simm.s32 @!p1 $0x0  }
0x14: {  	s2 =	sld [smem:$0x3F99];
	s0 =	simm.s32 @p1 $0x1  }
0x15: {  	[smem:$0x3FB6] =	sst s0;
	s0 =	simm.s32 @!p2 $0x0  }
0x16: {  	s3 =	sld [smem:$0x3FDB];
	s0 =	simm.s32 @p2 $0x1  }
0x17: {  	s4 =	simm.s32 $0x1BF5;
	[smem:$0x3FB8] =	sst s0  }
0x18: {  	s0 =	sld [smem:$0x3F9B];
	_ =	swait.ge [sflag:s4], $0x0  }
0x19: {  	s7 =	sld [smem:$0x3F9C]  }
0x1a: {  	s8 =	sadd.s32 $0xFFFFE003, lr  }
0x1b: {  	s9 =	sadd.s32 $0xFFFFFEF7, lr;
	s5 =	simm.s32 $0xFFFFFFFF;
	p2 =	slt.u32 s8, $0xFFFFF086  }
0x1c: {  	p1 =	slt.u32 s9, $0xF7A;
	s5 =	simm.s32 @!p2 $0x0  }
0x1d: {  	s5 =	simm.s32 @p1 $0x1;
	p0 =	seq.s32 s7, s2  }
0x1e: {  	s7 =	smul.u32 @!p0 $0xF7A, s2;
	p2 =	seq.s32 @!p0 s5, $0x0  }
0x1f: {  	s9 =	smul.u32 $0xF7A, s1;
	s8 =	simm.s32 @!p0 $0x1BF5;
	p2 =	por !p2, p0  }
0x20: {  	[sflag:s8] =	ssyncset.s32 @!p0 $0xFFFFF086;
	s6 =	sadd.s32 @!p0 s3, s7;
	s7 =	simm.s32 @!p0 $0x108  }
0x21: {  	s3 =	sadd.s32 s3, s9;
	s6 =	sadd.s32 @!p0 $0x88, s6;
	s7 =	simm.s32 @p2 $0x1082  }
0x22: {  	[simem:s7], [sflag:s8] =	dma.local @!p0 [hbm:s6], $0xF7A  }
0x23: {  	s9 =	sor.u32 $0xD0000000, s2;
	s6 =	simm.s32 $0x108;
	_ =	swait.ge @!p0 [sflag:s8], $0x0  }
0x24: {  	s3 =	sadd.s32 $0x88, s3;
	s6 =	simm.s32 @!p1 $0x1082;
	[sflag:s4] =	ssyncset.s32 $0xFFFFF086  }
0x25: {  	[simem:s6], [sflag:s4] =	dma.local [hbm:s3], $0xF7A  }
0x26: {  	[smem:$0x3F9C] =	sst s1;
	(tag) =	ssettag s2;
	_ =	strace s9  }
0x27: {  	s1 =	sld [smem:$0x3FAC]  }
0x28: {  	s2 =	sld [smem:$0x3FAD]  }
0x29: {  	s4 =	sld [smem:$0x3FAF]  }
0x2a: {  	p0 =	seq.s32 s5, $0x0;
	s5 =	sld [smem:$0x3FB0]  }
0x2b: {  	s6 =	sld [smem:$0x3FB1]  }
0x2c: {  	s7 =	sld [smem:$0x3FB2]  }
0x2d: {  	s3 =	simm.s32 $0x108;
	s8 =	sld [smem:$0x3FB3]  }
0x2e: {  	s3 =	simm.s32 @!p0 $0x1082;
	s9 =	sld [smem:$0x3FB4]  }
0x2f: {  	lr =	sadd.s32 s0, s3;
	s0 =	sld [smem:$0x3FAB]  }
0x30: {  	s3 =	sld [smem:$0x3FAE]  }
0x31: {  	[smem:$0x3FB7] =	sst s10  }
0x32: {  	s10 =	sld [smem:$0x3FB5];
	_ =	sdelay $0x3  }
0x33: {  	p0 =	seq.s32 s10, $0x1;
	s10 =	sld [smem:$0x3FB7];
	_ =	sdelay $0x3  }
0x34: {  	[smem:$0x3FB7] =	sst s10  }
0x35: {  	s10 =	sld [smem:$0x3FB6];
	_ =	sdelay $0x3  }
0x36: {  	p1 =	seq.s32 s10, $0x1;
	s10 =	sld [smem:$0x3FB7];
	_ =	sdelay $0x3  }
0x37: {  	[smem:$0x3FB7] =	sst s10  }
0x38: {  	s10 =	sld [smem:$0x3FB8]  }
0x39: {  	_ = 	snop;
	(pc) =	sbr.ind lr, $3  }
0x3a: {  	_ = 	snop  }
0x3b: {  	_ = 	snop  }
0x3c: {  	p2 =	seq.s32 s10, $0x1;
	s10 =	sld [smem:$0x3FB7]  }
0x3d: {  	_ =	shalt  }
0x3e: {  	_ =	shalt  }
0x3f: {  	_ =	shalt  }
0x40: {  	_ =	shalt  }
0x41: {  	_ =	shalt  }
0x42: {  	_ =	shalt  }
0x43: {  	_ =	shalt  }
0x44: {  	_ =	shalt  }
0x45: {  	_ =	shalt  }
0x46: {  	_ =	shalt  }
0x47: {  	_ =	shalt  }
0x48: {  	_ =	shalt  }
0x49: {  	_ =	shalt  }
0x4a: {  	_ =	shalt  }
0x4b: {  	_ =	shalt  }
0x4c: {  	_ =	shalt  }
0x4d: {  	_ =	shalt  }
0x4e: {  	_ =	shalt  }
0x4f: {  	_ =	shalt  }
0x50: {  	_ =	shalt  }
0x51: {  	_ =	shalt  }
0x52: {  	_ =	shalt  }
0x53: {  	_ =	shalt  }
0x54: {  	_ =	shalt  }
0x55: {  	_ =	shalt  }
0x56: {  	_ =	shalt  }
0x57: {  	_ =	shalt  }
0x58: {  	_ =	shalt  }
0x59: {  	_ =	shalt  }
0x5a: {  	_ =	shalt  }
0x5b: {  	_ =	shalt  }
0x5c: {  	_ =	shalt  }
0x5d: {  	_ =	shalt  }
0x5e: {  	_ =	shalt  }
0x5f: {  	_ =	shalt  }
0x60: {  	_ =	shalt  }
0x61: {  	_ =	shalt  }
0x62: {  	_ =	shalt  }
0x63: {  	_ =	shalt  }
0x64: {  	_ =	shalt  }
0x65: {  	_ =	shalt  }
0x66: {  	_ =	shalt  }
0x67: {  	_ =	shalt  }
0x68: {  	_ =	shalt  }
0x69: {  	_ =	shalt  }
0x6a: {  	_ =	shalt  }
0x6b: {  	_ =	shalt  }
0x6c: {  	_ =	shalt  }
0x6d: {  	_ =	shalt  }
0x6e: {  	_ =	shalt  }
0x6f: {  	_ =	shalt  }
0x70: {  	_ =	shalt  }
0x71: {  	_ =	shalt  }
0x72: {  	_ =	shalt  }
0x73: {  	_ =	shalt  }
0x74: {  	_ =	shalt  }
0x75: {  	_ =	shalt  }
0x76: {  	_ =	shalt  }
0x77: {  	_ =	shalt  }
0x78: {  	_ =	shalt  }
0x79: {  	_ =	shalt  }
0x7a: {  	_ =	shalt  }
0x7b: {  	_ =	shalt  }
0x7c: {  	_ =	shalt  }
0x7d: {  	_ =	shalt  }
0x7e: {  	_ =	shalt  }
0x7f: {  	_ =	shalt  }
0x80: {  	_ =	shalt  }
0x81: {  	_ =	shalt  }
0x82: {  	_ =	shalt  }
0x83: {  	_ =	shalt  }
0x84: {  	_ =	shalt  }
0x85: {  	_ =	shalt  }
0x86: {  	_ =	shalt  }
0x87: {  	_ =	shalt  }
.Lfunc_end0:
.L_simem_size_0:
called_computation_lowered:
.L_overlay_start_0:
0x88: {  	s2 =	sld [smem:$0x3FD9]  }
0x89: {  	s3 =	sld [smem:$0x3FFE];
	_ =	sdelay $0x1  }
0x8a: {  	s1 =	srdreg.scid  }
0x8b: {  	s0 =	sand.u32 $0x1, s1  }
0x8c: {  	s17 =	sshll.u32 s0, $0xA;
	s2 =	sadd.s32 s3, s2  }
0x8d: {  	s2 =	sadd.s32 s2, s17  }
0x8e: {  	[smem:$0x3FC3] =	sst s2  }
0x8f: {  	_ = 	snop  }
0x90: {  	s2 =	sld [smem:$0x3FD0];
	(tm) =	ssettm $0x1  }
0x91: {  	s18 =	sld [smem:$0x3FFB];
	_ =	sdelay $0x3  }
0x92: {  	_ =	strace s18  }
0x93: {  	s3 =	sld [smem:$0x3FFC];
	_ =	sdelay $0x3  }
0x94: {  	_ =	strace s3  }
0x95: {  	s3 =	sld [smem:$0x3FFD];
	_ =	sdelay $0x3  }
0x96: {  	_ =	strace s3  }
0x97: {  	_ =	strace $0x8FFFFFFF  }
0x98: {  	s19 =	sld [smem:$0x3FDB];
	_ =	sdelay $0x1  }
0x99: {  	s4 =	simm.s32 $_scs_section_size  }
0x9a: {  	s5 =	simm.s32 $_size__tile_overlayer_lowered;
	s6 =	simm.s32 $_tile_overlayer_lowered  }
0x9b: {  	s22 =	simm.s32 $0x1BFF;
	s21 =	sshll.u32 s6, $0x1;
	s3 =	sadd.s32 s4, s19  }
0x9c: {  	s7 =	simm.s32 $0x0;
	s20 =	sshll.u32 s5, $0x1;
	s5 =	sadd.s32 s21, s3  }
0x9d: {  	[timem:s7], [sflag:s22] =	dma.local [hbm:s5], s20  }
0x9e: {  	_ =	swait.ge [sflag:s22], s20  }
0x9f: {  	s4 =	ssub.s32 $0x0, s20;
	[sflag:s22] =	ssyncset.done $0x0  }
0xa0: {  	[sflag:s22] =	ssyncadd.s32 s4;
	_ =	sdelay $0x1  }
0xa1: {  	s23 =	simm.s32 $0x1B8B  }
0xa2: {  	_ =	swait.ge [sflag:s23], $0x1  }
0xa3: {  	[sflag:s23] =	ssyncset.done $0x0  }
0xa4: {  	s25 =	simm.s32 $0x1B8E;
	s24 =	sld [smem:$0x3FFE];
	[sflag:s23] =	ssyncadd.s32 $0xFFFFFFFF  }
0xa5: {  	s26 =	simm.s32 $execute0_lowered;
	[smem:$0x3FD2] =	sst s25  }
0xa6: {  	s5 =	sshll.u32 s26, $0x1;
	_ =	strace $0x80000046;
	[dreg:$0x1] =	wrdreg $0xFFFFFFFF  }
0xa7: {  	s28 =	simm.s32 $_size_execute0_lowered;
	s3 =	sadd.s32 s3, s5;
	[dreg:$0x0] =	wrdreg $0x0  }
0xa8: {  	s5 =	sshll.u32 s28, $0x1;
	[dreg:$0x2] =	wrdreg s3  }
0xa9: {  	[dreg:$0x3] =	wrdreg s5  }
0xaa: {  	[dreg:$0x4] =	wrdreg $0xC0  }
0xab: {  	_ =	task [dreg:s7], $0x5FFFF  }
0xac: {  	[dreg:$0x1] =	wrdreg $0xFFFFFFFF  }
0xad: {  	[dreg:$0x0] =	wrdreg $0x60  }
0xae: {  	[dreg:$0x2] =	wrdreg s2  }
0xaf: {  	[dreg:$0x3] =	wrdreg s24  }
0xb0: {  	[dreg:$0x4] =	wrdreg $0x53000  }
0xb1: {  	[dreg:$0x5] =	wrdreg $0x55800  }
0xb2: {  	[dreg:$0x6] =	wrdreg $0x9  }
0xb3: {  	_ =	task.clear_ibuf [dreg:s7], $0x7FFFF;
	_ =	strace $0x90000046  }
0xb4: {  	s29 =	simm.s32 $0x9;
	_ =	strace $0x80000048  }
0xb5: {  	_ =	swait.ge [sflag:s29], $0x1  }
0xb6: {  	[sflag:s29] =	ssyncadd.s32 $0xFFFFFFFF  }
0xb7: {  	_ =	strace $0x90000048  }
0xb8: {  	_ =	sfence  }
0xb9: {  	s30 =	sld [smem:$0x0];
	_ =	sdelay $0x2  }
0xba: {  	s31 =	sshll.u32 s1, $0xD;
	s1 =	sshrl.u32 s1, $0x2  }
0xbb: {  	s3 =	sand.u32 $0x4000, s31;
	s1 =	sadd.s32 s1, s30  }
0xbc: {  	s0 =	sor.u32 s3, s0;
	s1 =	sshll.u32 s1, $0x11  }
0xbd: {  	s0 =	sor.u32 s1, s0  }
0xbe: {  	s0 =	sadd.s32 $0x8F2B, s0  }
0xbf: {  	[sflag:s0] =	ssyncadd.remote.s32 $0x1  }
0xc0: {  	_ =	sfence.sel $0xFFFF  }
0xc1: {  	[dreg:$0x0] =	wrdreg $0xFFFFFFFF;
	(pc) =	sbr.abs _section_cstart, $3  }
0xc2: {  	[dreg:$0x1] =	wrdreg $0xFFFFFFFF  }
0xc3: {  	_ =	task.clear_ibuf [dreg:s7], $0x2FFFF;
	_ =	strace $0x9FFFFFFF  }
0xc4: {  	(tm) =	ssettm $0x7FFFFFFF  }
0xc5: {  	_ =	shalt  }
tec
execute0_lowered:
.L_overlay_start_1:
0x0: {  	(tag) =	ssettag $0x1  }
0x1: {  	s7 =	rddreg [dreg:$0x0]  }
0x2: {  	s5 =	rddreg [dreg:$0x1]  }
0x3: {  	s2 =	rddreg [dreg:$0x2]  }
0x4: {  	s3 =	rddreg [dreg:$0x3];
	s4 =	srdreg.scid  }
0x5: {  	s0 =	rddreg [dreg:$0x4];
	s1 =	stileid.u32  }
0x6: {  	s15 =	simm.s32 $0x80;
	s16 =	simm.s32 $0x5000;
	s19 =	simm.s32 $0x10  }
0x7: {  	s21 =	simm.s32 $0x0;
	s6 =	sand.u32 $0x1, s4;
	s4 =	simm.s32 $0x0  }
0x8: {  	s9 =	sshrl.u32 s1, $0x3;
	s10 =	sshll.u32 s1, $0x1;
	s31 =	smul.u32 $0x280, s1  }
0x9: {  	s11 =	sshll.u32 s1, $0x7;
	s17 =	sshll.u32 s1, $0x6;
	s8 =	smul.u32 $0x2800, s6  }
0xa: {  	[smem:$0x7FF] =	sst s4;
	s9 =	smul.u32 $0x1400, s9;
	s10 =	sor.u32 s6, s10  }
0xb: {  	s29 =	sand.u32 $0x380, s11;
	s6 =	ssub.s32 $0x2, s6;
	s17 =	sor.u32 $0x1C01, s17  }
0xc: {  	_ =	strace $0x80000047;
	s10 =	smul.u32 $0x500, s10;
	s30 =	sshrl.u32 s6, $0x1  }
0xd: {  	s8 =	sadd.s32 s8, s9;
	s14 =	ssub.s32 s6, s30;
	s6 =	sadd.s32 s31, s3  }
0xe: {  	s8 =	sor.u32 s29, s8;
	s12 =	sadd.s32 s10, s5;
	s7 =	sadd.s32 s7, s10  }
0xf: {  	s11 =	smax.u32 s14, $0x1;
	s14 =	simm.s32 $0x2800;
	s8 =	sshrl.u32 s8, $0x3  }
0x10: {  	s20 =	sshrl.u32 s6, $0x3;
	s13 =	sadd.s32 s8, s5;
	s5 =	sadd.s32 s31, s2  }
0x11: {  	s8 =	sadd.s32 $0x1200, s12;
	s12 =	simm.s32 $0x5080;
	s9 =	sadd.s32 $0xB200, s13  }
0x12: {  	v0 =	vimm.f32 $1.000000000e+00;
	v1 =	vimm.f32 $0.0e+00;
	s10 =	sadd.s32 $0xBC00, s13;
	s13 =	simm.s32 $0x1;
	s18 =	sshrl.u32 s5, $0x3  }
.LBB2_1:
0x13: {  	[tilespmem:$0x5000] =	vst v0  }
0x14: {  	[tilespmem:$0x5010] =	vst v0  }
0x15: {  	[tilespmem:$0x5020] =	vst v0  }
0x16: {  	[tilespmem:$0x5030] =	vst v0  }
0x17: {  	[tilespmem:$0x5040] =	vst v0  }
0x18: {  	[tilespmem:$0x5050] =	vst v0  }
0x19: {  	[tilespmem:$0x5060] =	vst v0  }
0x1a: {  	[tilespmem:$0x5070] =	vst v0  }
0x1b: {  	[tilespmem:$0x5080] =	vst v1  }
0x1c: {  	[tilespmem:$0x5090] =	vst v1  }
0x1d: {  	[tilespmem:$0x50A0] =	vst v1  }
0x1e: {  	[tilespmem:$0x50B0] =	vst v1  }
0x1f: {  	[tilespmem:$0x50C0] =	vst v1  }
0x20: {  	[tilespmem:$0x50D0] =	vst v1  }
0x21: {  	[tilespmem:$0x50E0] =	vst v1  }
0x22: {  	[tilespmem:$0x50F0] =	vst v1  }
0x23: {  	[tilespmem:$0x5100] =	vst v1  }
0x24: {  	[tilespmem:$0x5110] =	vst v1  }
0x25: {  	[tilespmem:$0x5120] =	vst v1  }
0x26: {  	[tilespmem:$0x5130] =	vst v1  }
0x27: {  	[tilespmem:$0x5140] =	vst v1  }
0x28: {  	[tilespmem:$0x5150] =	vst v1  }
0x29: {  	[tilespmem:$0x5160] =	vst v1  }
0x2a: {  	[tilespmem:$0x5170] =	vst v1  }
0x2b: {  	[tilespmem:$0x5180] =	vst v1  }
0x2c: {  	[tilespmem:$0x5190] =	vst v1  }
0x2d: {  	[tilespmem:$0x51A0] =	vst v1  }
0x2e: {  	[tilespmem:$0x51B0] =	vst v1  }
0x2f: {  	[tilespmem:$0x51C0] =	vst v1  }
0x30: {  	[tilespmem:$0x51D0] =	vst v1  }
0x31: {  	[tilespmem:$0x51E0] =	vst v1  }
0x32: {  	[tilespmem:$0x51F0] =	vst v1  }
0x33: {  	[tilespmem:$0x5200] =	vst v1  }
0x34: {  	[tilespmem:$0x5210] =	vst v1  }
0x35: {  	[tilespmem:$0x5220] =	vst v1  }
0x36: {  	[tilespmem:$0x5230] =	vst v1  }
0x37: {  	[tilespmem:$0x5240] =	vst v1  }
0x38: {  	[tilespmem:$0x5250] =	vst v1  }
0x39: {  	[tilespmem:$0x5260] =	vst v1  }
0x3a: {  	[tilespmem:$0x5270] =	vst v1  }
0x3b: {  	[tilespmem:$0x5280] =	vst v1  }
0x3c: {  	[tilespmem:$0x5290] =	vst v1  }
0x3d: {  	[tilespmem:$0x52A0] =	vst v1  }
0x3e: {  	[tilespmem:$0x52B0] =	vst v1  }
0x3f: {  	[tilespmem:$0x52C0] =	vst v1  }
0x40: {  	[tilespmem:$0x52D0] =	vst v1  }
0x41: {  	[tilespmem:$0x52E0] =	vst v1  }
0x42: {  	[tilespmem:$0x52F0] =	vst v1  }
0x43: {  	[spmem:s5] =	stream.linear.scatter [tilespmem:s12], [sflag:$0x1], $0x280, $0x38;
	[tilespmem:$0x5800] =	vst v63  }
0x44: {  	_ =	swait.ge [sflag:s13], $0x280  }
0x45: {  	[sflag:s13] =	ssyncset.done $0x0  }
0x46: {  	[sflag:s13] =	ssyncadd.s32 $0xFFFFFD80  }
0x47: {  	[spmem:s6] =	stream.linear.scatter [tilespmem:s12], [sflag:$0x1], $0x280, $0x38;
	[tilespmem:$0x5800] =	vst v63  }
0x48: {  	_ =	swait.ge [sflag:s13], $0x280  }
0x49: {  	[sflag:s13] =	ssyncset.done $0x0  }
0x4a: {  	[sflag:s13] =	ssyncadd.s32 $0xFFFFFD80  }
0x4b: {  	[tilespmem:s4], [sflag:$0x1] =	stream.linear.gather [hbm4b:s7+s4], $0x2800, $0x38;
	[tilespmem:$0x5800] =	vst v63  }
0x4c: {  	_ =	swait.ge [sflag:s13], $0x2800  }
0x4d: {  	[sflag:s13] =	ssyncset.done $0x0  }
0x4e: {  	[sflag:s13] =	ssyncadd.s32 $0xFFFFD800  }
0x4f: {  	[tilespmem:s14], [sflag:$0x1] =	stream.linear.gather [hbm4b:s8+s4], $0x2800, $0x38;
	[tilespmem:$0x5800] =	vst v63  }
0x50: {  	_ =	swait.ge [sflag:s13], $0x2800  }
0x51: {  	[sflag:s13] =	ssyncset.done $0x0  }
0x52: {  	[sflag:s13] =	ssyncadd.s32 $0xFFFFD800  }
0x53: {  	s22 =	simm.s32 $0x0;
	[bflag:$0x0] =	sbarrier.arrive $0xFFFF  }
0x54: {  	[spmem:s2] =	stream.indirect.scatter.add.f32 [tilespmem:s16], [sflag:$0x1], $0x1, s22, s15, $0xb8;
	[tilespmem:$0x5800] =	vst v63  }
0x55: {  	_ =	swait.ge [sflag:s13], $0x80  }
0x56: {  	[sflag:s13] =	ssyncset.done $0x0  }
0x57: {  	s31 =	simm.s32 $0x2800;
	[sflag:s13] =	ssyncadd.s32 $0xFFFFFF80  }
0x58: {  	[spmem:s3] =	stream.indirect.scatter.add.f32 [tilespmem:s16], [sflag:$0x1], $0x1, s31, s15, $0xb8;
	[tilespmem:$0x5800] =	vst v63  }
0x59: {  	_ =	swait.ge [sflag:s13], $0x80  }
0x5a: {  	s23 =	simm.s32 $0x400;
	s22 =	simm.s32 $0x200;
	[sflag:s13] =	ssyncset.done $0x0  }
.LBB2_2:
0x5b: {  	s24 =	sshra.s32 s22, $0x2  }
0x5c: {  	[sflag:s13] =	ssyncadd.s32 $0xFFFFFF80;
	s22 =	smov.u32 s23;
	s25 =	sadd.s32 $0x200, s23  }
0x5d: {  	[spmem:s2] =	stream.indirect.scatter.add.f32 [tilespmem:s16], [sflag:$0x1], $0x1, s24, s15, $0xb8;
	[tilespmem:$0x5800] =	vst v63  }
0x5e: {  	p0 =	sne.s32 s23, $0x9E00;
	_ =	swait.ge [sflag:s13], $0x80  }
.Ltmp0:
0x5f: {  	[sflag:s13] =	ssyncset.done $0x0;
	(pc) =	sbr.rel @p0 .LBB2_2-.Ltmp0, $4  }
0x60: {  	s23 =	sadd.s32 $0x2800, s24;
	[sflag:s13] =	ssyncadd.s32 $0xFFFFFF80  }
0x61: {  	[spmem:s3] =	stream.indirect.scatter.add.f32 [tilespmem:s16], [sflag:$0x1], $0x1, s23, s15, $0xb8;
	[tilespmem:$0x5800] =	vst v63  }
0x62: {  	_ =	swait.ge [sflag:s13], $0x80  }
0x63: {  	s23 =	smov.u32 s25;
	[sflag:s13] =	ssyncset.done $0x0  }
0x64: {  	s22 =	sshra.s32 s22, $0x2;
	[sflag:s13] =	ssyncadd.s32 $0xFFFFFF80  }
0x65: {  	[spmem:s2] =	stream.indirect.scatter.add.f32 [tilespmem:s16], [sflag:$0x1], $0x1, s22, s15, $0xb8;
	[tilespmem:$0x5800] =	vst v63  }
0x66: {  	_ =	swait.ge [sflag:s13], $0x80  }
0x67: {  	[sflag:s13] =	ssyncset.done $0x0  }
0x68: {  	s22 =	sadd.s32 $0x2800, s22;
	[sflag:s13] =	ssyncadd.s32 $0xFFFFFF80  }
0x69: {  	[spmem:s3] =	stream.indirect.scatter.add.f32 [tilespmem:s16], [sflag:$0x1], $0x1, s22, s15, $0xb8;
	[tilespmem:$0x5800] =	vst v63  }
0x6a: {  	_ =	swait.ge [sflag:s13], $0x80  }
0x6b: {  	[sflag:s13] =	ssyncset.done $0x0  }
0x6c: {  	[sflag:s13] =	ssyncadd.s32 $0xFFFFFF80  }
0x6d: {  	[bflag:$0x0] =	sbarrier.arrive $0xFFFF  }
0x6e: {  	[hbm:s9@s15], [sflag:s17] =	dma.strided [spmem:s18@s19], $0x50, s13, $0x10   }
0x6f: {  	s21 =	sadd.s32 $0x1, s21;
	_ =	swait.ge [sflag:s13], $0x50  }
0x70: {  	p0 =	sne.s32 s21, s11;
	[sflag:s13] =	ssyncset.done $0x0  }
.Ltmp1:
0x71: {  	[sflag:s13] =	ssyncadd.s32 $0xFFFFFFB0;
	(pc) =	sbr.rel @p0 .LBB2_1-.Ltmp1, $4  }
0x72: {  	[hbm:s10@s15], [sflag:s17] =	dma.strided [spmem:s20@s19], $0x50, s13, $0x10   }
0x73: {  	_ =	swait.ge [sflag:s13], $0x50  }
0x74: {  	[sflag:s13] =	ssyncset.done $0x0  }
0x75: {  	[sflag:s13] =	ssyncadd.s32 $0xFFFFFFB0  }
0x76: {  	_ =	sfence.sel $0x180000  }
0x77: {  	[bflag:$0x0] =	sbarrier.arrive $0xFFFF  }
0x78: {  	p0 =	sne.s32 s1, $0x0;
	_ =	strace $0x90000047  }
0x79: {  	s0 =	sadd.s32 @!p0 $0x100000, s0;
	[bflag:$0x2] =	sbarrier.arrive $0xFFFF  }
0x7a: {  	[sflag:s0] =	ssyncadd.tile.s32 @!p0 $0x1;
	_ =	shalt  }
.Lfunc_end2:
_tile_overlayer_lowered:
.L_overlay_start_2:
0x7b: {  	(tag) =	ssettag $0x2  }
0x7c: {  	s0 =	rddreg [dreg:$0x0];
	s2 =	stileid.u32  }
0x7d: {  	s1 =	rddreg [dreg:$0x1];
	p0 =	sne.s32 s2, $0x0  }
0x7e: {  	s3 =	rddreg [dreg:$0x2];
	[bflag:$0x3] =	sbarrier.arrive $0xFFFF;
	s2 =	simm.s32 @!p0 $0x1C01  }
0x7f: {  	[timem:s3], [sflag:s2] =	dma.local @!p0 [hbm:s0], s1  }
0x80: {  	s0 =	simm.s32 @!p0 $0x1  }
0x81: {  	_ =	swait.ge @!p0 [sflag:s0], s1  }
0x82: {  	s1 =	ssub.s32 @!p0 $0x0, s1;
	[sflag:s0] =	ssyncset.done @!p0 $0x0  }
0x83: {  	[sflag:s0] =	ssyncadd.s32 @!p0 s1  }
0x84: {  	[bflag:$0x3] =	sbarrier.arrive $0xFFFF  }
0x85: {  	_ =	shalt  }

// kernel: kernel.8.cloned.1.call-start
scs
__scs_entry_jumppad:
0x0: {  	(pc) =	sbr.rel $0x88, $3  }
0x1: {  	(tag) =	ssettag $0x0;
	lr =	simm.s32 $0x1  }
0x2: {  	[smem:$0x3F9C] =	sst lr;
	_ =	strace $0xD0000000  }
0x3: {  	_ = 	snop  }
0x4: {  	_ = 	snop  }
0x5: {  	_ = 	snop  }
0x6: {  	_ = 	snop  }
0x7: {  	_ = 	snop  }
__scs_overlays_trampoline_lowered:
0x8: {  	[smem:$0x3FAB] =	sst s0  }
0x9: {  	[smem:$0x3FAC] =	sst s1  }
0xa: {  	[smem:$0x3FAD] =	sst s2  }
0xb: {  	[smem:$0x3FAE] =	sst s3  }
0xc: {  	[smem:$0x3FAF] =	sst s4  }
0xd: {  	[smem:$0x3FB0] =	sst s5  }
0xe: {  	[smem:$0x3FB1] =	sst s6  }
0xf: {  	[smem:$0x3FB2] =	sst s7  }
0x10: {  	[smem:$0x3FB3] =	sst s8  }
0x11: {  	[smem:$0x3FB4] =	sst s9;
	s0 =	simm.s32 @!p0 $0x0  }
0x12: {  	s1 =	sld [smem:$0x3F9A];
	s0 =	simm.s32 @p0 $0x1  }
0x13: {  	[smem:$0x3FB5] =	sst s0;
	s0 =	simm.s32 @!p1 $0x0  }
0x14: {  	s2 =	sld [smem:$0x3F99];
	s0 =	simm.s32 @p1 $0x1  }
0x15: {  	[smem:$0x3FB6] =	sst s0;
	s0 =	simm.s32 @!p2 $0x0  }
0x16: {  	s3 =	sld [smem:$0x3FDB];
	s0 =	simm.s32 @p2 $0x1  }
0x17: {  	s4 =	simm.s32 $0x1BF5;
	[smem:$0x3FB8] =	sst s0  }
0x18: {  	s0 =	sld [smem:$0x3F9B];
	_ =	swait.ge [sflag:s4], $0x0  }
0x19: {  	s7 =	sld [smem:$0x3F9C]  }
0x1a: {  	s8 =	sadd.s32 $0xFFFFE003, lr  }
0x1b: {  	s9 =	sadd.s32 $0xFFFFFEF7, lr;
	s5 =	simm.s32 $0xFFFFFFFF;
	p2 =	slt.u32 s8, $0xFFFFF086  }
0x1c: {  	p1 =	slt.u32 s9, $0xF7A;
	s5 =	simm.s32 @!p2 $0x0  }
0x1d: {  	s5 =	simm.s32 @p1 $0x1;
	p0 =	seq.s32 s7, s2  }
0x1e: {  	s7 =	smul.u32 @!p0 $0xF7A, s2;
	p2 =	seq.s32 @!p0 s5, $0x0  }
0x1f: {  	s9 =	smul.u32 $0xF7A, s1;
	s8 =	simm.s32 @!p0 $0x1BF5;
	p2 =	por !p2, p0  }
0x20: {  	[sflag:s8] =	ssyncset.s32 @!p0 $0xFFFFF086;
	s6 =	sadd.s32 @!p0 s3, s7;
	s7 =	simm.s32 @!p0 $0x108  }
0x21: {  	s3 =	sadd.s32 s3, s9;
	s6 =	sadd.s32 @!p0 $0x88, s6;
	s7 =	simm.s32 @p2 $0x1082  }
0x22: {  	[simem:s7], [sflag:s8] =	dma.local @!p0 [hbm:s6], $0xF7A  }
0x23: {  	s9 =	sor.u32 $0xD0000000, s2;
	s6 =	simm.s32 $0x108;
	_ =	swait.ge @!p0 [sflag:s8], $0x0  }
0x24: {  	s3 =	sadd.s32 $0x88, s3;
	s6 =	simm.s32 @!p1 $0x1082;
	[sflag:s4] =	ssyncset.s32 $0xFFFFF086  }
0x25: {  	[simem:s6], [sflag:s4] =	dma.local [hbm:s3], $0xF7A  }
0x26: {  	[smem:$0x3F9C] =	sst s1;
	(tag) =	ssettag s2;
	_ =	strace s9  }
0x27: {  	s1 =	sld [smem:$0x3FAC]  }
0x28: {  	s2 =	sld [smem:$0x3FAD]  }
0x29: {  	s4 =	sld [smem:$0x3FAF]  }
0x2a: {  	p0 =	seq.s32 s5, $0x0;
	s5 =	sld [smem:$0x3FB0]  }
0x2b: {  	s6 =	sld [smem:$0x3FB1]  }
0x2c: {  	s7 =	sld [smem:$0x3FB2]  }
0x2d: {  	s3 =	simm.s32 $0x108;
	s8 =	sld [smem:$0x3FB3]  }
0x2e: {  	s3 =	simm.s32 @!p0 $0x1082;
	s9 =	sld [smem:$0x3FB4]  }
0x2f: {  	lr =	sadd.s32 s0, s3;
	s0 =	sld [smem:$0x3FAB]  }
0x30: {  	s3 =	sld [smem:$0x3FAE]  }
0x31: {  	[smem:$0x3FB7] =	sst s10  }
0x32: {  	s10 =	sld [smem:$0x3FB5];
	_ =	sdelay $0x3  }
0x33: {  	p0 =	seq.s32 s10, $0x1;
	s10 =	sld [smem:$0x3FB7];
	_ =	sdelay $0x3  }
0x34: {  	[smem:$0x3FB7] =	sst s10  }
0x35: {  	s10 =	sld [smem:$0x3FB6];
	_ =	sdelay $0x3  }
0x36: {  	p1 =	seq.s32 s10, $0x1;
	s10 =	sld [smem:$0x3FB7];
	_ =	sdelay $0x3  }
0x37: {  	[smem:$0x3FB7] =	sst s10  }
0x38: {  	s10 =	sld [smem:$0x3FB8]  }
0x39: {  	_ = 	snop;
	(pc) =	sbr.ind lr, $3  }
0x3a: {  	_ = 	snop  }
0x3b: {  	_ = 	snop  }
0x3c: {  	p2 =	seq.s32 s10, $0x1;
	s10 =	sld [smem:$0x3FB7]  }
0x3d: {  	_ =	shalt  }
0x3e: {  	_ =	shalt  }
0x3f: {  	_ =	shalt  }
0x40: {  	_ =	shalt  }
0x41: {  	_ =	shalt  }
0x42: {  	_ =	shalt  }
0x43: {  	_ =	shalt  }
0x44: {  	_ =	shalt  }
0x45: {  	_ =	shalt  }
0x46: {  	_ =	shalt  }
0x47: {  	_ =	shalt  }
0x48: {  	_ =	shalt  }
0x49: {  	_ =	shalt  }
0x4a: {  	_ =	shalt  }
0x4b: {  	_ =	shalt  }
0x4c: {  	_ =	shalt  }
0x4d: {  	_ =	shalt  }
0x4e: {  	_ =	shalt  }
0x4f: {  	_ =	shalt  }
0x50: {  	_ =	shalt  }
0x51: {  	_ =	shalt  }
0x52: {  	_ =	shalt  }
0x53: {  	_ =	shalt  }
0x54: {  	_ =	shalt  }
0x55: {  	_ =	shalt  }
0x56: {  	_ =	shalt  }
0x57: {  	_ =	shalt  }
0x58: {  	_ =	shalt  }
0x59: {  	_ =	shalt  }
0x5a: {  	_ =	shalt  }
0x5b: {  	_ =	shalt  }
0x5c: {  	_ =	shalt  }
0x5d: {  	_ =	shalt  }
0x5e: {  	_ =	shalt  }
0x5f: {  	_ =	shalt  }
0x60: {  	_ =	shalt  }
0x61: {  	_ =	shalt  }
0x62: {  	_ =	shalt  }
0x63: {  	_ =	shalt  }
0x64: {  	_ =	shalt  }
0x65: {  	_ =	shalt  }
0x66: {  	_ =	shalt  }
0x67: {  	_ =	shalt  }
0x68: {  	_ =	shalt  }
0x69: {  	_ =	shalt  }
0x6a: {  	_ =	shalt  }
0x6b: {  	_ =	shalt  }
0x6c: {  	_ =	shalt  }
0x6d: {  	_ =	shalt  }
0x6e: {  	_ =	shalt  }
0x6f: {  	_ =	shalt  }
0x70: {  	_ =	shalt  }
0x71: {  	_ =	shalt  }
0x72: {  	_ =	shalt  }
0x73: {  	_ =	shalt  }
0x74: {  	_ =	shalt  }
0x75: {  	_ =	shalt  }
0x76: {  	_ =	shalt  }
0x77: {  	_ =	shalt  }
0x78: {  	_ =	shalt  }
0x79: {  	_ =	shalt  }
0x7a: {  	_ =	shalt  }
0x7b: {  	_ =	shalt  }
0x7c: {  	_ =	shalt  }
0x7d: {  	_ =	shalt  }
0x7e: {  	_ =	shalt  }
0x7f: {  	_ =	shalt  }
0x80: {  	_ =	shalt  }
0x81: {  	_ =	shalt  }
0x82: {  	_ =	shalt  }
0x83: {  	_ =	shalt  }
0x84: {  	_ =	shalt  }
0x85: {  	_ =	shalt  }
0x86: {  	_ =	shalt  }
0x87: {  	_ =	shalt  }
.Lfunc_end0:
.L_simem_size_0:
called_computation.1_lowered:
.L_overlay_start_0:
0x88: {  	s2 =	sld [smem:$0x3FD9]  }
0x89: {  	s3 =	sld [smem:$0x3FFE];
	_ =	sdelay $0x1  }
0x8a: {  	s1 =	srdreg.scid  }
0x8b: {  	s0 =	sand.u32 $0x1, s1  }
0x8c: {  	s17 =	sshll.u32 s0, $0xA;
	s2 =	sadd.s32 s3, s2  }
0x8d: {  	s2 =	sadd.s32 s2, s17  }
0x8e: {  	[smem:$0x3FC3] =	sst s2  }
0x8f: {  	_ = 	snop  }
0x90: {  	s2 =	sld [smem:$0x3FD0];
	(tm) =	ssettm $0x1  }
0x91: {  	s18 =	sld [smem:$0x3FFB];
	_ =	sdelay $0x3  }
0x92: {  	_ =	strace s18  }
0x93: {  	s3 =	sld [smem:$0x3FFC];
	_ =	sdelay $0x3  }
0x94: {  	_ =	strace s3  }
0x95: {  	s3 =	sld [smem:$0x3FFD];
	_ =	sdelay $0x3  }
0x96: {  	_ =	strace s3  }
0x97: {  	_ =	strace $0x8FFFFFFF  }
0x98: {  	s19 =	sld [smem:$0x3FDB];
	_ =	sdelay $0x1  }
0x99: {  	s4 =	simm.s32 $_scs_section_size  }
0x9a: {  	s5 =	simm.s32 $_size__tile_overlayer_lowered;
	s6 =	simm.s32 $_tile_overlayer_lowered  }
0x9b: {  	s22 =	simm.s32 $0x1BFF;
	s21 =	sshll.u32 s6, $0x1;
	s3 =	sadd.s32 s4, s19  }
0x9c: {  	s7 =	simm.s32 $0x0;
	s20 =	sshll.u32 s5, $0x1;
	s5 =	sadd.s32 s21, s3  }
0x9d: {  	[timem:s7], [sflag:s22] =	dma.local [hbm:s5], s20  }
0x9e: {  	_ =	swait.ge [sflag:s22], s20  }
0x9f: {  	s4 =	ssub.s32 $0x0, s20;
	[sflag:s22] =	ssyncset.done $0x0  }
0xa0: {  	[sflag:s22] =	ssyncadd.s32 s4;
	_ =	sdelay $0x1  }
0xa1: {  	s23 =	simm.s32 $0x1B8B  }
0xa2: {  	_ =	swait.ge [sflag:s23], $0x1  }
0xa3: {  	[sflag:s23] =	ssyncset.done $0x0  }
0xa4: {  	s25 =	simm.s32 $0x1B8E;
	s24 =	sld [smem:$0x3FFE];
	[sflag:s23] =	ssyncadd.s32 $0xFFFFFFFF  }
0xa5: {  	s26 =	simm.s32 $execute0_lowered;
	[smem:$0x3FD2] =	sst s25  }
0xa6: {  	s5 =	sshll.u32 s26, $0x1;
	_ =	strace $0x80000049;
	[dreg:$0x1] =	wrdreg $0xFFFFFFFF  }
0xa7: {  	s28 =	simm.s32 $_size_execute0_lowered;
	s3 =	sadd.s32 s3, s5;
	[dreg:$0x0] =	wrdreg $0x0  }
0xa8: {  	s5 =	sshll.u32 s28, $0x1;
	[dreg:$0x2] =	wrdreg s3  }
0xa9: {  	[dreg:$0x3] =	wrdreg s5  }
0xaa: {  	[dreg:$0x4] =	wrdreg $0xC0  }
0xab: {  	_ =	task [dreg:s7], $0x5FFFF  }
0xac: {  	[dreg:$0x1] =	wrdreg $0xFFFFFFFF  }
0xad: {  	[dreg:$0x0] =	wrdreg $0x60  }
0xae: {  	[dreg:$0x2] =	wrdreg s24  }
0xaf: {  	[dreg:$0x3] =	wrdreg s2  }
0xb0: {  	[dreg:$0x4] =	wrdreg $0x95200  }
0xb1: {  	[dreg:$0x5] =	wrdreg $0x135200  }
0xb2: {  	[dreg:$0x6] =	wrdreg $0x9  }
0xb3: {  	_ =	task.clear_ibuf [dreg:s7], $0x7FFFF;
	_ =	strace $0x90000049  }
0xb4: {  	s29 =	simm.s32 $0x9;
	_ =	strace $0x8000004B  }
0xb5: {  	_ =	swait.ge [sflag:s29], $0x1  }
0xb6: {  	[sflag:s29] =	ssyncadd.s32 $0xFFFFFFFF  }
0xb7: {  	_ =	strace $0x9000004B  }
0xb8: {  	_ =	sfence  }
0xb9: {  	s30 =	sld [smem:$0x0];
	_ =	sdelay $0x2  }
0xba: {  	s31 =	sshll.u32 s1, $0xD;
	s1 =	sshrl.u32 s1, $0x2  }
0xbb: {  	s3 =	sand.u32 $0x4000, s31;
	s1 =	sadd.s32 s1, s30  }
0xbc: {  	s0 =	sor.u32 s3, s0;
	s1 =	sshll.u32 s1, $0x11  }
0xbd: {  	s0 =	sor.u32 s1, s0  }
0xbe: {  	s0 =	sadd.s32 $0x8F2B, s0  }
0xbf: {  	[sflag:s0] =	ssyncadd.remote.s32 $0x1  }
0xc0: {  	_ =	sfence.sel $0xFFFF  }
0xc1: {  	[dreg:$0x0] =	wrdreg $0xFFFFFFFF;
	(pc) =	sbr.abs _section_cstart, $3  }
0xc2: {  	[dreg:$0x1] =	wrdreg $0xFFFFFFFF  }
0xc3: {  	_ =	task.clear_ibuf [dreg:s7], $0x2FFFF;
	_ =	strace $0x9FFFFFFF  }
0xc4: {  	(tm) =	ssettm $0x7FFFFFFF  }
0xc5: {  	_ =	shalt  }
tec
execute0_lowered:
.L_overlay_start_1:
0x0: {  	(tag) =	ssettag $0x1  }
0x1: {  	s0 =	rddreg [dreg:$0x0]  }
0x2: {  	s1 =	rddreg [dreg:$0x1]  }
0x3: {  	s3 =	srdreg.scid;
	s10 =	stileid.u32  }
0x4: {  	s2 =	rddreg [dreg:$0x2];
	s7 =	simm.s32 $0x0;
	s6 =	smul.u32 $0xA000, s10  }
0x5: {  	s30 =	simm.s32 $0x5;
	s31 =	simm.s32 $0x2800;
	s22 =	smul.u32 $0x280, s10  }
0x6: {  	s4 =	sand.u32 $0x1, s3;
	s3 =	rddreg [dreg:$0x3];
	s26 =	smul.u32 $0x5000, s10  }
0x7: {  	[smem:$0x7FF] =	sst s7;
	s11 =	sadd.s32 $0x1200, s0;
	s17 =	smul.u32 $0x14000, s10  }
0x8: {  	s25 =	sshll.u32 s10, $0x6;
	s5 =	smul.u32 $0xA0000, s4;
	s9 =	ssub.s32 $0x2, s4  }
0x9: {  	_ =	strace $0x8000004A;
	s23 =	sshrl.u32 s22, $0x3;
	s24 =	sshrl.u32 s9, $0x1  }
0xa: {  	s15 =	sadd.s32 $0x100, s22;
	s16 =	sadd.s32 $0x180, s22;
	s7 =	sadd.s32 $0x200, s22  }
0xb: {  	s5 =	sadd.s32 s6, s5;
	s12 =	sadd.s32 s23, s0;
	s13 =	ssub.s32 s9, s24  }
0xc: {  	s9 =	sshrl.u32 s26, $0x3;
	s18 =	sshll.u32 s16, $0x7;
	s23 =	sshll.u32 s7, $0x7  }
0xd: {  	s5 =	sshrl.u32 s5, $0x3;
	s14 =	sadd.s32 s1, s9;
	s29 =	sadd.s32 $0x500, s9  }
0xe: {  	s9 =	sadd.s32 s11, s9;
	s24 =	sadd.s32 $0x33200, s12;
	s8 =	sadd.s32 s5, s0  }
0xf: {  	s0 =	sadd.s32 $0x33E00, s0;
	s5 =	sadd.s32 s6, s2;
	[dreg:$0x7] =	wrdreg s14  }
0x10: {  	[dreg:$0x8] =	wrdreg s9;
	s10 =	sadd.s32 s1, s29;
	s9 =	sshll.u32 s4, $0x6  }
0x11: {  	s11 =	sadd.s32 s11, s29;
	[dreg:$0x9] =	wrdreg s24;
	s14 =	sadd.s32 s6, s3  }
0x12: {  	s8 =	sadd.s32 $0xB200, s8;
	s4 =	sor.u32 s9, s17;
	s18 =	sor.u32 s9, s18  }
0x13: {  	s1 =	sor.u32 s9, s23;
	s17 =	sshll.u32 s15, $0x6;
	[dreg:$0x5] =	wrdreg s8  }
0x14: {  	s8 =	sor.u32 $0x1C05, s25;
	s25 =	sadd.s32 $0x33800, s12;
	s4 =	sshrl.u32 s4, $0x3  }
0x15: {  	s1 =	sshrl.u32 s1, $0x3;
	s23 =	sadd.s32 s17, s2;
	[dreg:$0x6] =	wrdreg s8  }
0x16: {  	s8 =	sadd.s32 $0x80, s22;
	s22 =	sshll.u32 s15, $0x7;
	[dreg:$0xa] =	wrdreg s25  }
0x17: {  	s4 =	sadd.s32 s0, s4;
	s15 =	simm.s32 $0x4;
	s20 =	sshll.u32 s8, $0x7  }
0x18: {  	s19 =	sor.u32 s9, s22;
	s8 =	sshll.u32 s8, $0x6;
	[dreg:$0xb] =	wrdreg s4  }
0x19: {  	s22 =	sadd.s32 s17, s3;
	s17 =	simm.s32 $0x4F80;
	s21 =	sor.u32 s9, s20  }
0x1a: {  	s6 =	sshrl.u32 s19, $0x3;
	s9 =	sshrl.u32 s18, $0x3;
	s20 =	sadd.s32 s8, s3  }
0x1b: {  	s18 =	sshll.u32 s16, $0x6;
	s19 =	sshll.u32 s7, $0x6;
	s7 =	simm.s32 $0x1  }
0x1c: {  	s16 =	simm.s32 $0x4F00;
	s26 =	sshrl.u32 s21, $0x3;
	s4 =	sadd.s32 s0, s6  }
0x1d: {  	s12 =	sadd.s32 s0, s9;
	s21 =	sadd.s32 s8, s2;
	s24 =	sadd.s32 s18, s3  }
0x1e: {  	s25 =	sadd.s32 s18, s2;
	s28 =	sadd.s32 s19, s2;
	s6 =	simm.s32 $0x7000  }
0x1f: {  	s18 =	simm.s32 $0x40;
	s29 =	sadd.s32 s0, s26;
	[dreg:$0xd] =	wrdreg s4  }
0x20: {  	[dreg:$0xe] =	wrdreg s12;
	s0 =	sadd.s32 s0, s1;
	s26 =	sadd.s32 s19, s3  }
0x21: {  	s1 =	simm.s32 $0x80;
	s12 =	simm.s32 $0x2;
	[dreg:$0xc] =	wrdreg s29  }
0x22: {  	s19 =	simm.s32 $0x0;
	[dreg:$0xf] =	wrdreg s0;
	s29 =	smax.u32 s13, $0x1  }
0x23: {  	v0 =	vimm.f32 $0.0e+00;
	s0 =	simm.s32 $0x5000;
	s13 =	simm.s32 $0x3;
	[dreg:$0x10] =	wrdreg s29  }
.LBB2_1:
0x24: {  	s8 =	rddreg [dreg:$0x5]  }
0x25: {  	s4 =	sshrl.u32 s5, $0x3;
	s9 =	rddreg [dreg:$0x6]  }
0x26: {  	[spmem:s4], [sflag:s9] =	dma.local [hbm:s8], $0x1400  }
0x27: {  	_ =	swait.ge [sflag:s30], $0x1400  }
0x28: {  	s8 =	simm.s32 $0x0;
	[sflag:s30] =	ssyncset.done $0x0  }
0x29: {  	s9 =	simm.s32 $0x9000;
	s4 =	rddreg [dreg:$0x9];
	[sflag:s30] =	ssyncadd.s32 $0xFFFFEC00  }
0x2a: {  	[tilespmem:s9], [sflag:$0x5] =	stream.linear.gather [hbm4b:s4+s8], $0x280, $0x38;
	[tilespmem:$0x1D520] =	vst v63  }
0x2b: {  	_ =	swait.ge [sflag:s30], $0x280  }
0x2c: {  	[sflag:s30] =	ssyncset.done $0x0  }
0x2d: {  	s9 =	simm.s32 $0x9290;
	s4 =	rddreg [dreg:$0xa];
	[sflag:s30] =	ssyncadd.s32 $0xFFFFFD80  }
0x2e: {  	[tilespmem:s9], [sflag:$0x5] =	stream.linear.gather [hbm4b:s4+s8], $0x280, $0x38;
	[tilespmem:$0x1D520] =	vst v63  }
0x2f: {  	s9 =	sand.u32 $0x7F00, s8;
	s8 =	sand.u32 $0x30, s8;
	_ =	swait.ge [sflag:s30], $0x280  }
0x30: {  	s4 =	simm.s32 $0x40;
	s29 =	sshrl.u32 s9, $0x2;
	[sflag:s30] =	ssyncset.done $0x0  }
0x31: {  	s29 =	sor.u32 s8, s29;
	s8 =	simm.s32 $0x0;
	[sflag:s30] =	ssyncadd.s32 $0xFFFFFD80  }
.LBB2_2:
0x32: {  	p0 =	sne.s32 s4, $0x7FC0  }
0x33: {  	[tilespmem:s29+$0x5000] =	vst v0;
	s8 =	sadd.s32 $0x10, s8;
	s29 =	smov.u32 s4;
	s4 =	sadd.s32 $0x40, s4  }
.Ltmp0:
0x34: {  	(pc) =	sbr.rel @p0 .LBB2_2-.Ltmp0, $4  }
0x35: {  	_ = 	snop  }
0x36: {  	s29 =	sand.u32 $0x7F00, s29  }
0x37: {  	s9 =	sand.u32 $0x30, s8;
	s29 =	sshrl.u32 s29, $0x2  }
0x38: {  	s29 =	sor.u32 s9, s29  }
0x39: {  	[tilespmem:s29+$0x5000] =	vst v0  }
0x3a: {  	[spmem:s14] =	stream.linear.scatter [tilespmem:s0], [sflag:$0x5], $0x2000, $0x38;
	[tilespmem:$0x1D520] =	vst v63  }
0x3b: {  	_ =	swait.ge [sflag:s30], $0x2000  }
0x3c: {  	[sflag:s30] =	ssyncset.done $0x0  }
0x3d: {  	[sflag:s30] =	ssyncadd.s32 $0xFFFFE000  }
0x3e: {  	[spmem:s20] =	stream.linear.scatter [tilespmem:s0], [sflag:$0x5], $0x2000, $0x38;
	[tilespmem:$0x1D520] =	vst v63  }
0x3f: {  	_ =	swait.ge [sflag:s30], $0x2000  }
0x40: {  	[sflag:s30] =	ssyncset.done $0x0  }
0x41: {  	[sflag:s30] =	ssyncadd.s32 $0xFFFFE000  }
0x42: {  	[spmem:s22] =	stream.linear.scatter [tilespmem:s0], [sflag:$0x5], $0x2000, $0x38;
	[tilespmem:$0x1D520] =	vst v63  }
0x43: {  	_ =	swait.ge [sflag:s30], $0x2000  }
0x44: {  	[sflag:s30] =	ssyncset.done $0x0  }
0x45: {  	[sflag:s30] =	ssyncadd.s32 $0xFFFFE000  }
0x46: {  	[spmem:s24] =	stream.linear.scatter [tilespmem:s0], [sflag:$0x5], $0x2000, $0x38;
	[tilespmem:$0x1D520] =	vst v63  }
0x47: {  	_ =	swait.ge [sflag:s30], $0x2000  }
0x48: {  	[sflag:s30] =	ssyncset.done $0x0  }
0x49: {  	[sflag:s30] =	ssyncadd.s32 $0xFFFFE000  }
0x4a: {  	[spmem:s26] =	stream.linear.scatter [tilespmem:s0], [sflag:$0x5], $0x2000, $0x38;
	[tilespmem:$0x1D520] =	vst v63  }
0x4b: {  	_ =	swait.ge [sflag:s30], $0x2000  }
0x4c: {  	[sflag:s30] =	ssyncset.done $0x0  }
0x4d: {  	[sflag:s30] =	ssyncadd.s32 $0xFFFFE000  }
0x4e: {  	[bflag:$0x0] =	sbarrier.arrive $0xFFFF  }
0x4f: {  	s4 =	simm.s32 $0x0;
	s8 =	rddreg [dreg:$0x7]  }
0x50: {  	[tilespmem:s4], [sflag:$0x5] =	stream.linear.gather [hbm4b:s8+s4], $0x2800, $0x38;
	[tilespmem:$0x1D520] =	vst v63  }
0x51: {  	_ =	swait.ge [sflag:s30], $0x2800  }
0x52: {  	[sflag:s30] =	ssyncset.done $0x0  }
0x53: {  	s9 =	rddreg [dreg:$0x8];
	[sflag:s30] =	ssyncadd.s32 $0xFFFFD800  }
0x54: {  	[tilespmem:s31], [sflag:$0x5] =	stream.linear.gather [hbm4b:s9+s4], $0x2800, $0x38;
	[tilespmem:$0x1D520] =	vst v63  }
0x55: {  	_ =	swait.ge [sflag:s30], $0x2800  }
0x56: {  	[sflag:s30] =	ssyncset.done $0x0  }
0x57: {  	[sflag:s30] =	ssyncadd.s32 $0xFFFFD800  }
0x58: {  	[tilespmem:s0], [sflag:$0x1] =	stream.indirect.gather [spmem:s2], $0x40, s4, s1, $0xb8;
	[tilespmem:$0x1D520] =	vst v63  }
0x59: {  	_ = 	snop  }
0x5a: {  	[tilespmem:s6], [sflag:$0x2] =	stream.indirect.gather [spmem:s2], $0x40, s1, s1, $0xb8;
	[tilespmem:$0x1D520] =	vst v63  }
0x5b: {  	_ =	swait.ge [sflag:s7], $0x2000  }
0x5c: {  	[sflag:s7] =	ssyncset.done $0x0  }
0x5d: {  	s9 =	simm.s32 $0x2800;
	[sflag:s7] =	ssyncadd.s32 $0xFFFFE000  }
0x5e: {  	[spmem:s3] =	stream.indirect.scatter.add.f32 [tilespmem:s0], [sflag:$0x3], $0x40, s9, s1, $0xb8;
	[tilespmem:$0x1D520] =	vst v63  }
0x5f: {  	_ =	swait.ge [sflag:s12], $0x2000  }
0x60: {  	[sflag:s12] =	ssyncset.done $0x0  }
0x61: {  	s8 =	simm.s32 $0x2880;
	[sflag:s12] =	ssyncadd.s32 $0xFFFFE000  }
0x62: {  	[spmem:s3] =	stream.indirect.scatter.add.f32 [tilespmem:s6], [sflag:$0x4], $0x40, s8, s1, $0xb8;
	[tilespmem:$0x1D520] =	vst v63  }
0x63: {  	_ =	swait.ge [sflag:s13], $0x2000  }
0x64: {  	[sflag:s13] =	ssyncset.done $0x0  }
0x65: {  	s9 =	simm.s32 $0x100;
	[sflag:s13] =	ssyncadd.s32 $0xFFFFE000  }
0x66: {  	[tilespmem:s0], [sflag:$0x1] =	stream.indirect.gather [spmem:s2], $0x40, s9, s1, $0xb8;
	[tilespmem:$0x1D520] =	vst v63  }
0x67: {  	_ =	swait.ge [sflag:s15], $0x2000  }
0x68: {  	[sflag:s15] =	ssyncset.done $0x0  }
0x69: {  	s29 =	simm.s32 $0x400;
	s4 =	simm.s32 $0x180;
	[sflag:s15] =	ssyncadd.s32 $0xFFFFE000  }
.LBB2_4:
0x6a: {  	[tilespmem:s6], [sflag:$0x2] =	stream.indirect.gather [spmem:s2], $0x40, s4, s1, $0xb8;
	[tilespmem:$0x1D520] =	vst v63  }
0x6b: {  	s4 =	smov.u32 s29  }
0x6c: {  	p0 =	sne.s32 s29, $0x9800;
	s29 =	sadd.s32 $0x400, s29;
	_ =	swait.ge [sflag:s7], $0x2000  }
0x6d: {  	s4 =	sshra.s32 s4, $0x2;
	[sflag:s7] =	ssyncset.done $0x0  }
0x6e: {  	s8 =	sadd.s32 $0x2800, s4;
	[sflag:s7] =	ssyncadd.s32 $0xFFFFE000  }
0x6f: {  	[spmem:s3] =	stream.indirect.scatter.add.f32 [tilespmem:s0], [sflag:$0x3], $0x40, s8, s1, $0xb8;
	[tilespmem:$0x1D520] =	vst v63  }
0x70: {  	_ =	swait.ge [sflag:s12], $0x2000  }
0x71: {  	[sflag:s12] =	ssyncset.done $0x0  }
0x72: {  	s8 =	sadd.s32 $0x2880, s4;
	[sflag:s12] =	ssyncadd.s32 $0xFFFFE000  }
0x73: {  	[spmem:s3] =	stream.indirect.scatter.add.f32 [tilespmem:s6], [sflag:$0x4], $0x40, s8, s1, $0xb8;
	[tilespmem:$0x1D520] =	vst v63  }
0x74: {  	_ =	swait.ge [sflag:s13], $0x2000  }
0x75: {  	[sflag:s13] =	ssyncset.done $0x0  }
.Ltmp1:
0x76: {  	s8 =	sadd.s32 $0x100, s4;
	[sflag:s13] =	ssyncadd.s32 $0xFFFFE000;
	(pc) =	sbr.rel @p0 .LBB2_4-.Ltmp1, $4  }
0x77: {  	[tilespmem:s0], [sflag:$0x1] =	stream.indirect.gather [spmem:s2], $0x40, s8, s1, $0xb8;
	[tilespmem:$0x1D520] =	vst v63  }
0x78: {  	_ =	swait.ge [sflag:s15], $0x2000  }
0x79: {  	[sflag:s15] =	ssyncset.done $0x0  }
0x7a: {  	s4 =	sadd.s32 $0x180, s4;
	[sflag:s15] =	ssyncadd.s32 $0xFFFFE000  }
0x7b: {  	[tilespmem:s6], [sflag:$0x2] =	stream.indirect.gather [spmem:s2], $0x40, s4, s1, $0xb8;
	[tilespmem:$0x1D520] =	vst v63  }
0x7c: {  	_ =	swait.ge [sflag:s7], $0x2000  }
0x7d: {  	[sflag:s7] =	ssyncset.done $0x0  }
0x7e: {  	[sflag:s7] =	ssyncadd.s32 $0xFFFFE000  }
0x7f: {  	[spmem:s3] =	stream.indirect.scatter.add.f32 [tilespmem:s0], [sflag:$0x3], $0x40, s16, s1, $0xb8;
	[tilespmem:$0x1D520] =	vst v63  }
0x80: {  	_ =	swait.ge [sflag:s12], $0x2000  }
0x81: {  	[sflag:s12] =	ssyncset.done $0x0  }
0x82: {  	[sflag:s12] =	ssyncadd.s32 $0xFFFFE000  }
0x83: {  	[spmem:s3] =	stream.indirect.scatter.add.f32 [tilespmem:s6], [sflag:$0x4], $0x40, s17, s1, $0xb8;
	[tilespmem:$0x1D520] =	vst v63  }
0x84: {  	_ =	swait.ge [sflag:s13], $0x2000  }
0x85: {  	[sflag:s13] =	ssyncset.done $0x0  }
0x86: {  	[sflag:s13] =	ssyncadd.s32 $0xFFFFE000  }
0x87: {  	_ =	swait.ge [sflag:s15], $0x2000  }
0x88: {  	[sflag:s15] =	ssyncset.done $0x0  }
0x89: {  	s8 =	simm.s32 $0x0;
	[sflag:s15] =	ssyncadd.s32 $0xFFFFE000  }
0x8a: {  	[tilespmem:s8], [sflag:$0x5] =	stream.linear.gather [hbm4b:s10+s8], $0x2800, $0x38;
	[tilespmem:$0x1D520] =	vst v63  }
0x8b: {  	_ =	swait.ge [sflag:s30], $0x2800  }
0x8c: {  	[sflag:s30] =	ssyncset.done $0x0  }
0x8d: {  	[sflag:s30] =	ssyncadd.s32 $0xFFFFD800  }
0x8e: {  	[tilespmem:s31], [sflag:$0x5] =	stream.linear.gather [hbm4b:s11+s8], $0x2800, $0x38;
	[tilespmem:$0x1D520] =	vst v63  }
0x8f: {  	_ =	swait.ge [sflag:s30], $0x2800  }
0x90: {  	[sflag:s30] =	ssyncset.done $0x0  }
0x91: {  	[sflag:s30] =	ssyncadd.s32 $0xFFFFD800  }
0x92: {  	[tilespmem:s0], [sflag:$0x1] =	stream.indirect.gather [spmem:s2], $0x40, s8, s1, $0xb8;
	[tilespmem:$0x1D520] =	vst v63  }
0x93: {  	_ = 	snop  }
0x94: {  	[tilespmem:s6], [sflag:$0x2] =	stream.indirect.gather [spmem:s2], $0x40, s1, s1, $0xb8;
	[tilespmem:$0x1D520] =	vst v63  }
0x95: {  	_ =	swait.ge [sflag:s7], $0x2000  }
0x96: {  	[sflag:s7] =	ssyncset.done $0x0  }
0x97: {  	s9 =	simm.s32 $0x2800;
	[sflag:s7] =	ssyncadd.s32 $0xFFFFE000  }
0x98: {  	[spmem:s3] =	stream.indirect.scatter.add.f32 [tilespmem:s0], [sflag:$0x3], $0x40, s9, s1, $0xb8;
	[tilespmem:$0x1D520] =	vst v63  }
0x99: {  	_ =	swait.ge [sflag:s12], $0x2000  }
0x9a: {  	[sflag:s12] =	ssyncset.done $0x0  }
0x9b: {  	s8 =	simm.s32 $0x2880;
	[sflag:s12] =	ssyncadd.s32 $0xFFFFE000  }
0x9c: {  	[spmem:s3] =	stream.indirect.scatter.add.f32 [tilespmem:s6], [sflag:$0x4], $0x40, s8, s1, $0xb8;
	[tilespmem:$0x1D520] =	vst v63  }
0x9d: {  	_ =	swait.ge [sflag:s13], $0x2000  }
0x9e: {  	[sflag:s13] =	ssyncset.done $0x0  }
0x9f: {  	s9 =	simm.s32 $0x100;
	[sflag:s13] =	ssyncadd.s32 $0xFFFFE000  }
0xa0: {  	[tilespmem:s0], [sflag:$0x1] =	stream.indirect.gather [spmem:s2], $0x40, s9, s1, $0xb8;
	[tilespmem:$0x1D520] =	vst v63  }
0xa1: {  	_ =	swait.ge [sflag:s15], $0x2000  }
0xa2: {  	[sflag:s15] =	ssyncset.done $0x0  }
0xa3: {  	s29 =	simm.s32 $0x400;
	s4 =	simm.s32 $0x180;
	[sflag:s15] =	ssyncadd.s32 $0xFFFFE000  }
.LBB2_6:
0xa4: {  	[tilespmem:s6], [sflag:$0x2] =	stream.indirect.gather [spmem:s2], $0x40, s4, s1, $0xb8;
	[tilespmem:$0x1D520] =	vst v63  }
0xa5: {  	s4 =	smov.u32 s29  }
0xa6: {  	p0 =	sne.s32 s29, $0x9800;
	s29 =	sadd.s32 $0x400, s29;
	_ =	swait.ge [sflag:s7], $0x2000  }
0xa7: {  	s4 =	sshra.s32 s4, $0x2;
	[sflag:s7] =	ssyncset.done $0x0  }
0xa8: {  	s8 =	sadd.s32 $0x2800, s4;
	[sflag:s7] =	ssyncadd.s32 $0xFFFFE000  }
0xa9: {  	[spmem:s3] =	stream.indirect.scatter.add.f32 [tilespmem:s0], [sflag:$0x3], $0x40, s8, s1, $0xb8;
	[tilespmem:$0x1D520] =	vst v63  }
0xaa: {  	_ =	swait.ge [sflag:s12], $0x2000  }
0xab: {  	[sflag:s12] =	ssyncset.done $0x0  }
0xac: {  	s8 =	sadd.s32 $0x2880, s4;
	[sflag:s12] =	ssyncadd.s32 $0xFFFFE000  }
0xad: {  	[spmem:s3] =	stream.indirect.scatter.add.f32 [tilespmem:s6], [sflag:$0x4], $0x40, s8, s1, $0xb8;
	[tilespmem:$0x1D520] =	vst v63  }
0xae: {  	_ =	swait.ge [sflag:s13], $0x2000  }
0xaf: {  	[sflag:s13] =	ssyncset.done $0x0  }
.Ltmp2:
0xb0: {  	s8 =	sadd.s32 $0x100, s4;
	[sflag:s13] =	ssyncadd.s32 $0xFFFFE000;
	(pc) =	sbr.rel @p0 .LBB2_6-.Ltmp2, $4  }
0xb1: {  	[tilespmem:s0], [sflag:$0x1] =	stream.indirect.gather [spmem:s2], $0x40, s8, s1, $0xb8;
	[tilespmem:$0x1D520] =	vst v63  }
0xb2: {  	_ =	swait.ge [sflag:s15], $0x2000  }
0xb3: {  	[sflag:s15] =	ssyncset.done $0x0  }
0xb4: {  	s4 =	sadd.s32 $0x180, s4;
	[sflag:s15] =	ssyncadd.s32 $0xFFFFE000  }
0xb5: {  	[tilespmem:s6], [sflag:$0x2] =	stream.indirect.gather [spmem:s2], $0x40, s4, s1, $0xb8;
	[tilespmem:$0x1D520] =	vst v63  }
0xb6: {  	_ =	swait.ge [sflag:s7], $0x2000  }
0xb7: {  	[sflag:s7] =	ssyncset.done $0x0  }
0xb8: {  	[sflag:s7] =	ssyncadd.s32 $0xFFFFE000  }
0xb9: {  	[spmem:s3] =	stream.indirect.scatter.add.f32 [tilespmem:s0], [sflag:$0x3], $0x40, s16, s1, $0xb8;
	[tilespmem:$0x1D520] =	vst v63  }
0xba: {  	_ =	swait.ge [sflag:s12], $0x2000  }
0xbb: {  	[sflag:s12] =	ssyncset.done $0x0  }
0xbc: {  	[sflag:s12] =	ssyncadd.s32 $0xFFFFE000  }
0xbd: {  	[spmem:s3] =	stream.indirect.scatter.add.f32 [tilespmem:s6], [sflag:$0x4], $0x40, s17, s1, $0xb8;
	[tilespmem:$0x1D520] =	vst v63  }
0xbe: {  	_ =	swait.ge [sflag:s13], $0x2000  }
0xbf: {  	[sflag:s13] =	ssyncset.done $0x0  }
0xc0: {  	[sflag:s13] =	ssyncadd.s32 $0xFFFFE000  }
0xc1: {  	_ =	swait.ge [sflag:s15], $0x2000  }
0xc2: {  	[sflag:s15] =	ssyncset.done $0x0  }
0xc3: {  	[sflag:s15] =	ssyncadd.s32 $0xFFFFE000  }
0xc4: {  	[bflag:$0x0] =	sbarrier.arrive $0xFFFF  }
0xc5: {  	[tilespmem:s0], [sflag:$0x5] =	stream.linear.gather [spmem:s14], $0x2000, $0x38;
	[tilespmem:$0x1D520] =	vst v63  }
0xc6: {  	_ =	swait.ge [sflag:s30], $0x2000  }
0xc7: {  	[sflag:s30] =	ssyncset.done $0x0  }
0xc8: {  	s29 =	simm.s32 $0x5020;
	[sflag:s30] =	ssyncadd.s32 $0xFFFFE000  }
0xc9: {  	v1 =	vld [tilespmem:s29+$0xFFFFFFF0]  }
0xca: {  	s9 =	simm.s32 $0x0;
	v3 =	vld [tilespmem:s29+$0x10]  }
0xcb: {  	v5 =	vld.msk [tilespmem:s9+$0x9000 ss:$0x0], $0xffff  }
0xcc: {  	v2 =	vld [tilespmem:s29+$0xFFFFFFE0]  }
0xcd: {  	v6 =	vld [tilespmem:s29+$0x0];
	_ =	sdelay $0x3  }
0xce: {  	v2 =	vmul.f32 v5, v2;
	v4 =	vmul.f32 v3, v5  }
0xcf: {  	s4 =	simm.s32 $0x4;
	s8 =	simm.s32 $0x5020;
	v3 =	vmul.f32 v1, v5;
	v1 =	vmul.f32 v6, v5  }
.LBB2_8:
0xd0: {  	p0 =	sne.s32 s4, $0x1FC  }
0xd1: {  	[tilespmem:s29+$0x10] =	vst v4;
	s8 =	sadd.s32 $0x40, s8;
	s9 =	smov.u32 s4;
	s4 =	sadd.s32 $0x4, s4  }
0xd2: {  	[tilespmem:s29+$0xFFFFFFE0] =	vst v2  }
0xd3: {  	v5 =	vld [tilespmem:s8+$0xFFFFFFF0];
	[tilespmem:s29+$0xFFFFFFF0] =	vst v3  }
0xd4: {  	s9 =	sshra.s32 s9, $0x2;
	v3 =	vld [tilespmem:s8+$0x10];
	[tilespmem:s29+$0x0] =	vst v1;
	s29 =	smov.u32 s8  }
0xd5: {  	v1 =	vld.msk [tilespmem:s9+$0x9000 ss:$0x0], $0xffff  }
0xd6: {  	v2 =	vld [tilespmem:s8+$0xFFFFFFE0]  }
0xd7: {  	v6 =	vld [tilespmem:s8+$0x0]  }
.Ltmp3:
0xd8: {  	(pc) =	sbr.rel @p0 .LBB2_8-.Ltmp3, $3  }
0xd9: {  	_ =	sdelay $0x1  }
0xda: {  	v4 =	vmul.f32 v3, v1;
	v2 =	vmul.f32 v1, v2  }
0xdb: {  	v3 =	vmul.f32 v5, v1;
	v1 =	vmul.f32 v6, v1  }
0xdc: {  	[tilespmem:s29+$0x10] =	vst v4  }
0xdd: {  	[tilespmem:s29+$0xFFFFFFE0] =	vst v2  }
0xde: {  	[tilespmem:s29+$0xFFFFFFF0] =	vst v3  }
0xdf: {  	[tilespmem:s29+$0x0] =	vst v1  }
0xe0: {  	[spmem:s14] =	stream.linear.scatter [tilespmem:s0], [sflag:$0x5], $0x2000, $0x38;
	[tilespmem:$0x1D520] =	vst v63  }
0xe1: {  	_ =	swait.ge [sflag:s30], $0x2000  }
0xe2: {  	[sflag:s30] =	ssyncset.done $0x0  }
0xe3: {  	[sflag:s30] =	ssyncadd.s32 $0xFFFFE000  }
0xe4: {  	[tilespmem:s0], [sflag:$0x5] =	stream.linear.gather [spmem:s20], $0x2000, $0x38;
	[tilespmem:$0x1D520] =	vst v63  }
0xe5: {  	_ =	swait.ge [sflag:s30], $0x2000  }
0xe6: {  	[sflag:s30] =	ssyncset.done $0x0  }
0xe7: {  	s4 =	simm.s32 $0x0;
	s29 =	simm.s32 $0x5020;
	[sflag:s30] =	ssyncadd.s32 $0xFFFFE000  }
0xe8: {  	s4 =	sand.u32 $0x7F, s4;
	v1 =	vld [tilespmem:s29+$0xFFFFFFF0]  }
0xe9: {  	s4 =	sor.u32 $0x9080, s4;
	v3 =	vld [tilespmem:s29+$0x10]  }
0xea: {  	v5 =	vld.msk [tilespmem:s4+$0x0 ss:$0x0], $0xffff  }
0xeb: {  	v2 =	vld [tilespmem:s29+$0xFFFFFFE0]  }
0xec: {  	v6 =	vld [tilespmem:s29+$0x0];
	_ =	sdelay $0x3  }
0xed: {  	v2 =	vmul.f32 v5, v2;
	v4 =	vmul.f32 v3, v5  }
0xee: {  	s8 =	simm.s32 $0x5020;
	s4 =	simm.s32 $0x1;
	v3 =	vmul.f32 v1, v5;
	v1 =	vmul.f32 v6, v5  }
.LBB2_10:
0xef: {  	p0 =	sne.s32 s4, $0x7F  }
0xf0: {  	[tilespmem:s29+$0x10] =	vst v4;
	s8 =	sadd.s32 $0x40, s8;
	s9 =	smov.u32 s4;
	s4 =	sadd.s32 $0x1, s4  }
0xf1: {  	[tilespmem:s29+$0xFFFFFFE0] =	vst v2  }
0xf2: {  	s9 =	sand.u32 $0x7F, s9;
	v5 =	vld [tilespmem:s8+$0xFFFFFFF0];
	[tilespmem:s29+$0xFFFFFFF0] =	vst v3  }
0xf3: {  	s9 =	sor.u32 $0x9080, s9;
	v3 =	vld [tilespmem:s8+$0x10];
	[tilespmem:s29+$0x0] =	vst v1;
	s29 =	smov.u32 s8  }
0xf4: {  	v1 =	vld.msk [tilespmem:s9+$0x0 ss:$0x0], $0xffff  }
0xf5: {  	v2 =	vld [tilespmem:s8+$0xFFFFFFE0]  }
0xf6: {  	v6 =	vld [tilespmem:s8+$0x0]  }
.Ltmp4:
0xf7: {  	(pc) =	sbr.rel @p0 .LBB2_10-.Ltmp4, $3  }
0xf8: {  	_ =	sdelay $0x1  }
0xf9: {  	v4 =	vmul.f32 v3, v1;
	v2 =	vmul.f32 v1, v2  }
0xfa: {  	v3 =	vmul.f32 v5, v1;
	v1 =	vmul.f32 v6, v1  }
0xfb: {  	[tilespmem:s29+$0x10] =	vst v4  }
0xfc: {  	[tilespmem:s29+$0xFFFFFFE0] =	vst v2  }
0xfd: {  	[tilespmem:s29+$0xFFFFFFF0] =	vst v3  }
0xfe: {  	[tilespmem:s29+$0x0] =	vst v1  }
0xff: {  	[spmem:s20] =	stream.linear.scatter [tilespmem:s0], [sflag:$0x5], $0x2000, $0x38;
	[tilespmem:$0x1D520] =	vst v63  }
0x100: {  	_ =	swait.ge [sflag:s30], $0x2000  }
0x101: {  	[sflag:s30] =	ssyncset.done $0x0  }
0x102: {  	[sflag:s30] =	ssyncadd.s32 $0xFFFFE000  }
0x103: {  	[tilespmem:s0], [sflag:$0x5] =	stream.linear.gather [spmem:s22], $0x2000, $0x38;
	[tilespmem:$0x1D520] =	vst v63  }
0x104: {  	_ =	swait.ge [sflag:s30], $0x2000  }
0x105: {  	[sflag:s30] =	ssyncset.done $0x0  }
0x106: {  	s4 =	simm.s32 $0x0;
	s29 =	simm.s32 $0x5020;
	[sflag:s30] =	ssyncadd.s32 $0xFFFFE000  }
0x107: {  	s4 =	sand.u32 $0x7F, s4;
	v1 =	vld [tilespmem:s29+$0xFFFFFFF0]  }
0x108: {  	s4 =	sor.u32 $0x9100, s4;
	v3 =	vld [tilespmem:s29+$0x10]  }
0x109: {  	v5 =	vld.msk [tilespmem:s4+$0x0 ss:$0x0], $0xffff  }
0x10a: {  	v2 =	vld [tilespmem:s29+$0xFFFFFFE0]  }
0x10b: {  	v6 =	vld [tilespmem:s29+$0x0];
	_ =	sdelay $0x3  }
0x10c: {  	v2 =	vmul.f32 v5, v2;
	v4 =	vmul.f32 v3, v5  }
0x10d: {  	s8 =	simm.s32 $0x5020;
	s4 =	simm.s32 $0x1;
	v3 =	vmul.f32 v1, v5;
	v1 =	vmul.f32 v6, v5  }
.LBB2_12:
0x10e: {  	p0 =	sne.s32 s4, $0x7F  }
0x10f: {  	[tilespmem:s29+$0x10] =	vst v4;
	s8 =	sadd.s32 $0x40, s8;
	s9 =	smov.u32 s4;
	s4 =	sadd.s32 $0x1, s4  }
0x110: {  	[tilespmem:s29+$0xFFFFFFE0] =	vst v2  }
0x111: {  	s9 =	sand.u32 $0x7F, s9;
	v5 =	vld [tilespmem:s8+$0xFFFFFFF0];
	[tilespmem:s29+$0xFFFFFFF0] =	vst v3  }
0x112: {  	s9 =	sor.u32 $0x9100, s9;
	v3 =	vld [tilespmem:s8+$0x10];
	[tilespmem:s29+$0x0] =	vst v1;
	s29 =	smov.u32 s8  }
0x113: {  	v1 =	vld.msk [tilespmem:s9+$0x0 ss:$0x0], $0xffff  }
0x114: {  	v2 =	vld [tilespmem:s8+$0xFFFFFFE0]  }
0x115: {  	v6 =	vld [tilespmem:s8+$0x0]  }
.Ltmp5:
0x116: {  	(pc) =	sbr.rel @p0 .LBB2_12-.Ltmp5, $3  }
0x117: {  	_ =	sdelay $0x1  }
0x118: {  	v4 =	vmul.f32 v3, v1;
	v2 =	vmul.f32 v1, v2  }
0x119: {  	v3 =	vmul.f32 v5, v1;
	v1 =	vmul.f32 v6, v1  }
0x11a: {  	[tilespmem:s29+$0x10] =	vst v4  }
0x11b: {  	[tilespmem:s29+$0xFFFFFFE0] =	vst v2  }
0x11c: {  	[tilespmem:s29+$0xFFFFFFF0] =	vst v3  }
0x11d: {  	[tilespmem:s29+$0x0] =	vst v1  }
0x11e: {  	[spmem:s22] =	stream.linear.scatter [tilespmem:s0], [sflag:$0x5], $0x2000, $0x38;
	[tilespmem:$0x1D520] =	vst v63  }
0x11f: {  	_ =	swait.ge [sflag:s30], $0x2000  }
0x120: {  	[sflag:s30] =	ssyncset.done $0x0  }
0x121: {  	[sflag:s30] =	ssyncadd.s32 $0xFFFFE000  }
0x122: {  	[tilespmem:s0], [sflag:$0x5] =	stream.linear.gather [spmem:s24], $0x2000, $0x38;
	[tilespmem:$0x1D520] =	vst v63  }
0x123: {  	_ =	swait.ge [sflag:s30], $0x2000  }
0x124: {  	[sflag:s30] =	ssyncset.done $0x0  }
0x125: {  	s4 =	simm.s32 $0x0;
	s29 =	simm.s32 $0x5020;
	[sflag:s30] =	ssyncadd.s32 $0xFFFFE000  }
0x126: {  	s4 =	sand.u32 $0x7F, s4;
	v1 =	vld [tilespmem:s29+$0xFFFFFFF0]  }
0x127: {  	s4 =	sor.u32 $0x9180, s4;
	v3 =	vld [tilespmem:s29+$0x10]  }
0x128: {  	v5 =	vld.msk [tilespmem:s4+$0x0 ss:$0x0], $0xffff  }
0x129: {  	v2 =	vld [tilespmem:s29+$0xFFFFFFE0]  }
0x12a: {  	v6 =	vld [tilespmem:s29+$0x0];
	_ =	sdelay $0x3  }
0x12b: {  	v2 =	vmul.f32 v5, v2;
	v4 =	vmul.f32 v3, v5  }
0x12c: {  	s8 =	simm.s32 $0x5020;
	s4 =	simm.s32 $0x1;
	v3 =	vmul.f32 v1, v5;
	v1 =	vmul.f32 v6, v5  }
.LBB2_14:
0x12d: {  	p0 =	sne.s32 s4, $0x7F  }
0x12e: {  	[tilespmem:s29+$0x10] =	vst v4;
	s8 =	sadd.s32 $0x40, s8;
	s9 =	smov.u32 s4;
	s4 =	sadd.s32 $0x1, s4  }
0x12f: {  	[tilespmem:s29+$0xFFFFFFE0] =	vst v2  }
0x130: {  	s9 =	sand.u32 $0x7F, s9;
	v5 =	vld [tilespmem:s8+$0xFFFFFFF0];
	[tilespmem:s29+$0xFFFFFFF0] =	vst v3  }
0x131: {  	s9 =	sor.u32 $0x9180, s9;
	v3 =	vld [tilespmem:s8+$0x10];
	[tilespmem:s29+$0x0] =	vst v1;
	s29 =	smov.u32 s8  }
0x132: {  	v1 =	vld.msk [tilespmem:s9+$0x0 ss:$0x0], $0xffff  }
0x133: {  	v2 =	vld [tilespmem:s8+$0xFFFFFFE0]  }
0x134: {  	v6 =	vld [tilespmem:s8+$0x0]  }
.Ltmp6:
0x135: {  	(pc) =	sbr.rel @p0 .LBB2_14-.Ltmp6, $3  }
0x136: {  	_ =	sdelay $0x1  }
0x137: {  	v4 =	vmul.f32 v3, v1;
	v2 =	vmul.f32 v1, v2  }
0x138: {  	v3 =	vmul.f32 v5, v1;
	v1 =	vmul.f32 v6, v1  }
0x139: {  	[tilespmem:s29+$0x10] =	vst v4  }
0x13a: {  	[tilespmem:s29+$0xFFFFFFE0] =	vst v2  }
0x13b: {  	[tilespmem:s29+$0xFFFFFFF0] =	vst v3  }
0x13c: {  	[tilespmem:s29+$0x0] =	vst v1  }
0x13d: {  	[spmem:s24] =	stream.linear.scatter [tilespmem:s0], [sflag:$0x5], $0x2000, $0x38;
	[tilespmem:$0x1D520] =	vst v63  }
0x13e: {  	_ =	swait.ge [sflag:s30], $0x2000  }
0x13f: {  	[sflag:s30] =	ssyncset.done $0x0  }
0x140: {  	[sflag:s30] =	ssyncadd.s32 $0xFFFFE000  }
0x141: {  	[tilespmem:s0], [sflag:$0x5] =	stream.linear.gather [spmem:s26], $0x2000, $0x38;
	[tilespmem:$0x1D520] =	vst v63  }
0x142: {  	_ =	swait.ge [sflag:s30], $0x2000  }
0x143: {  	[sflag:s30] =	ssyncset.done $0x0  }
0x144: {  	s4 =	simm.s32 $0x0;
	s29 =	simm.s32 $0x5020;
	[sflag:s30] =	ssyncadd.s32 $0xFFFFE000  }
0x145: {  	s4 =	sand.u32 $0x7F, s4;
	v1 =	vld [tilespmem:s29+$0xFFFFFFF0]  }
0x146: {  	s4 =	sor.u32 $0x9200, s4;
	v3 =	vld [tilespmem:s29+$0x10]  }
0x147: {  	v5 =	vld.msk [tilespmem:s4+$0x0 ss:$0x0], $0xffff  }
0x148: {  	v2 =	vld [tilespmem:s29+$0xFFFFFFE0]  }
0x149: {  	v6 =	vld [tilespmem:s29+$0x0];
	_ =	sdelay $0x3  }
0x14a: {  	v2 =	vmul.f32 v5, v2;
	v4 =	vmul.f32 v3, v5  }
0x14b: {  	s8 =	simm.s32 $0x5020;
	s4 =	simm.s32 $0x1;
	v3 =	vmul.f32 v1, v5;
	v1 =	vmul.f32 v6, v5  }
.LBB2_16:
0x14c: {  	p0 =	sne.s32 s4, $0x7F  }
0x14d: {  	[tilespmem:s29+$0x10] =	vst v4;
	s8 =	sadd.s32 $0x40, s8;
	s9 =	smov.u32 s4;
	s4 =	sadd.s32 $0x1, s4  }
0x14e: {  	[tilespmem:s29+$0xFFFFFFE0] =	vst v2  }
0x14f: {  	s9 =	sand.u32 $0x7F, s9;
	v5 =	vld [tilespmem:s8+$0xFFFFFFF0];
	[tilespmem:s29+$0xFFFFFFF0] =	vst v3  }
0x150: {  	s9 =	sor.u32 $0x9200, s9;
	v3 =	vld [tilespmem:s8+$0x10];
	[tilespmem:s29+$0x0] =	vst v1;
	s29 =	smov.u32 s8  }
0x151: {  	v1 =	vld.msk [tilespmem:s9+$0x0 ss:$0x0], $0xffff  }
0x152: {  	v2 =	vld [tilespmem:s8+$0xFFFFFFE0]  }
0x153: {  	v6 =	vld [tilespmem:s8+$0x0]  }
.Ltmp7:
0x154: {  	(pc) =	sbr.rel @p0 .LBB2_16-.Ltmp7, $3  }
0x155: {  	_ =	sdelay $0x1  }
0x156: {  	v4 =	vmul.f32 v3, v1;
	v2 =	vmul.f32 v1, v2  }
0x157: {  	v3 =	vmul.f32 v5, v1;
	v1 =	vmul.f32 v6, v1  }
0x158: {  	[tilespmem:s29+$0x10] =	vst v4  }
0x159: {  	[tilespmem:s29+$0xFFFFFFE0] =	vst v2  }
0x15a: {  	[tilespmem:s29+$0xFFFFFFF0] =	vst v3  }
0x15b: {  	s4 =	simm.s32 $0x0;
	[tilespmem:s29+$0x0] =	vst v1  }
0x15c: {  	[spmem:s26] =	stream.linear.scatter [tilespmem:s0], [sflag:$0x5], $0x2000, $0x38;
	[tilespmem:$0x1D520] =	vst v63  }
0x15d: {  	s8 =	sand.u32 $0x7F00, s4;
	_ =	swait.ge [sflag:s30], $0x2000  }
0x15e: {  	s9 =	sand.u32 $0x30, s4;
	s29 =	sshrl.u32 s8, $0x2;
	[sflag:s30] =	ssyncset.done $0x0  }
0x15f: {  	s8 =	simm.s32 $0x40;
	s29 =	sor.u32 s9, s29;
	[sflag:s30] =	ssyncadd.s32 $0xFFFFE000  }
.LBB2_18:
0x160: {  	p0 =	sne.s32 s8, $0x7FC0  }
0x161: {  	[tilespmem:s29+$0x5000] =	vst v0;
	s4 =	sadd.s32 $0x10, s4;
	s9 =	smov.u32 s8;
	s8 =	sadd.s32 $0x40, s8  }
.Ltmp8:
0x162: {  	(pc) =	sbr.rel @p0 .LBB2_18-.Ltmp8, $4  }
0x163: {  	_ = 	snop  }
0x164: {  	s9 =	sand.u32 $0x7F00, s9  }
0x165: {  	s29 =	sand.u32 $0x30, s4;
	s9 =	sshrl.u32 s9, $0x2  }
0x166: {  	s29 =	sor.u32 s29, s9  }
0x167: {  	[tilespmem:s29+$0x5000] =	vst v0  }
0x168: {  	[spmem:s5] =	stream.linear.scatter [tilespmem:s0], [sflag:$0x5], $0x2000, $0x38;
	[tilespmem:$0x1D520] =	vst v63  }
0x169: {  	_ =	swait.ge [sflag:s30], $0x2000  }
0x16a: {  	[sflag:s30] =	ssyncset.done $0x0  }
0x16b: {  	[sflag:s30] =	ssyncadd.s32 $0xFFFFE000  }
0x16c: {  	[spmem:s21] =	stream.linear.scatter [tilespmem:s0], [sflag:$0x5], $0x2000, $0x38;
	[tilespmem:$0x1D520] =	vst v63  }
0x16d: {  	_ =	swait.ge [sflag:s30], $0x2000  }
0x16e: {  	[sflag:s30] =	ssyncset.done $0x0  }
0x16f: {  	[sflag:s30] =	ssyncadd.s32 $0xFFFFE000  }
0x170: {  	[spmem:s23] =	stream.linear.scatter [tilespmem:s0], [sflag:$0x5], $0x2000, $0x38;
	[tilespmem:$0x1D520] =	vst v63  }
0x171: {  	_ =	swait.ge [sflag:s30], $0x2000  }
0x172: {  	[sflag:s30] =	ssyncset.done $0x0  }
0x173: {  	[sflag:s30] =	ssyncadd.s32 $0xFFFFE000  }
0x174: {  	[spmem:s25] =	stream.linear.scatter [tilespmem:s0], [sflag:$0x5], $0x2000, $0x38;
	[tilespmem:$0x1D520] =	vst v63  }
0x175: {  	_ =	swait.ge [sflag:s30], $0x2000  }
0x176: {  	[sflag:s30] =	ssyncset.done $0x0  }
0x177: {  	[sflag:s30] =	ssyncadd.s32 $0xFFFFE000  }
0x178: {  	[spmem:s28] =	stream.linear.scatter [tilespmem:s0], [sflag:$0x5], $0x2000, $0x38;
	[tilespmem:$0x1D520] =	vst v63  }
0x179: {  	_ =	swait.ge [sflag:s30], $0x2000  }
0x17a: {  	[sflag:s30] =	ssyncset.done $0x0  }
0x17b: {  	[sflag:s30] =	ssyncadd.s32 $0xFFFFE000  }
0x17c: {  	[bflag:$0x0] =	sbarrier.arrive $0xFFFF  }
0x17d: {  	s4 =	simm.s32 $0x0;
	s8 =	rddreg [dreg:$0x8]  }
0x17e: {  	[tilespmem:s4], [sflag:$0x5] =	stream.linear.gather [hbm4b:s8+s4], $0x2800, $0x38;
	[tilespmem:$0x1D520] =	vst v63  }
0x17f: {  	_ =	swait.ge [sflag:s30], $0x2800  }
0x180: {  	[sflag:s30] =	ssyncset.done $0x0  }
0x181: {  	s9 =	rddreg [dreg:$0x7];
	[sflag:s30] =	ssyncadd.s32 $0xFFFFD800  }
0x182: {  	[tilespmem:s31], [sflag:$0x5] =	stream.linear.gather [hbm4b:s9+s4], $0x2800, $0x38;
	[tilespmem:$0x1D520] =	vst v63  }
0x183: {  	_ =	swait.ge [sflag:s30], $0x2800  }
0x184: {  	[sflag:s30] =	ssyncset.done $0x0  }
0x185: {  	[sflag:s30] =	ssyncadd.s32 $0xFFFFD800  }
0x186: {  	[tilespmem:s0], [sflag:$0x1] =	stream.indirect.gather [spmem:s3], $0x40, s4, s1, $0xb8;
	[tilespmem:$0x1D520] =	vst v63  }
0x187: {  	_ = 	snop  }
0x188: {  	[tilespmem:s6], [sflag:$0x2] =	stream.indirect.gather [spmem:s3], $0x40, s1, s1, $0xb8;
	[tilespmem:$0x1D520] =	vst v63  }
0x189: {  	_ =	swait.ge [sflag:s7], $0x2000  }
0x18a: {  	[sflag:s7] =	ssyncset.done $0x0  }
0x18b: {  	s9 =	simm.s32 $0x2800;
	[sflag:s7] =	ssyncadd.s32 $0xFFFFE000  }
0x18c: {  	[spmem:s2] =	stream.indirect.scatter.add.f32 [tilespmem:s0], [sflag:$0x3], $0x40, s9, s1, $0xb8;
	[tilespmem:$0x1D520] =	vst v63  }
0x18d: {  	_ =	swait.ge [sflag:s12], $0x2000  }
0x18e: {  	[sflag:s12] =	ssyncset.done $0x0  }
0x18f: {  	s8 =	simm.s32 $0x2880;
	[sflag:s12] =	ssyncadd.s32 $0xFFFFE000  }
0x190: {  	[spmem:s2] =	stream.indirect.scatter.add.f32 [tilespmem:s6], [sflag:$0x4], $0x40, s8, s1, $0xb8;
	[tilespmem:$0x1D520] =	vst v63  }
0x191: {  	_ =	swait.ge [sflag:s13], $0x2000  }
0x192: {  	[sflag:s13] =	ssyncset.done $0x0  }
0x193: {  	s9 =	simm.s32 $0x100;
	[sflag:s13] =	ssyncadd.s32 $0xFFFFE000  }
0x194: {  	[tilespmem:s0], [sflag:$0x1] =	stream.indirect.gather [spmem:s3], $0x40, s9, s1, $0xb8;
	[tilespmem:$0x1D520] =	vst v63  }
0x195: {  	_ =	swait.ge [sflag:s15], $0x2000  }
0x196: {  	[sflag:s15] =	ssyncset.done $0x0  }
0x197: {  	s29 =	simm.s32 $0x400;
	s4 =	simm.s32 $0x180;
	[sflag:s15] =	ssyncadd.s32 $0xFFFFE000  }
.LBB2_20:
0x198: {  	[tilespmem:s6], [sflag:$0x2] =	stream.indirect.gather [spmem:s3], $0x40, s4, s1, $0xb8;
	[tilespmem:$0x1D520] =	vst v63  }
0x199: {  	s4 =	smov.u32 s29  }
0x19a: {  	p0 =	sne.s32 s29, $0x9800;
	s29 =	sadd.s32 $0x400, s29;
	_ =	swait.ge [sflag:s7], $0x2000  }
0x19b: {  	s4 =	sshra.s32 s4, $0x2;
	[sflag:s7] =	ssyncset.done $0x0  }
0x19c: {  	s8 =	sadd.s32 $0x2800, s4;
	[sflag:s7] =	ssyncadd.s32 $0xFFFFE000  }
0x19d: {  	[spmem:s2] =	stream.indirect.scatter.add.f32 [tilespmem:s0], [sflag:$0x3], $0x40, s8, s1, $0xb8;
	[tilespmem:$0x1D520] =	vst v63  }
0x19e: {  	_ =	swait.ge [sflag:s12], $0x2000  }
0x19f: {  	[sflag:s12] =	ssyncset.done $0x0  }
0x1a0: {  	s8 =	sadd.s32 $0x2880, s4;
	[sflag:s12] =	ssyncadd.s32 $0xFFFFE000  }
0x1a1: {  	[spmem:s2] =	stream.indirect.scatter.add.f32 [tilespmem:s6], [sflag:$0x4], $0x40, s8, s1, $0xb8;
	[tilespmem:$0x1D520] =	vst v63  }
0x1a2: {  	_ =	swait.ge [sflag:s13], $0x2000  }
0x1a3: {  	[sflag:s13] =	ssyncset.done $0x0  }
.Ltmp9:
0x1a4: {  	s8 =	sadd.s32 $0x100, s4;
	[sflag:s13] =	ssyncadd.s32 $0xFFFFE000;
	(pc) =	sbr.rel @p0 .LBB2_20-.Ltmp9, $4  }
0x1a5: {  	[tilespmem:s0], [sflag:$0x1] =	stream.indirect.gather [spmem:s3], $0x40, s8, s1, $0xb8;
	[tilespmem:$0x1D520] =	vst v63  }
0x1a6: {  	_ =	swait.ge [sflag:s15], $0x2000  }
0x1a7: {  	[sflag:s15] =	ssyncset.done $0x0  }
0x1a8: {  	s4 =	sadd.s32 $0x180, s4;
	[sflag:s15] =	ssyncadd.s32 $0xFFFFE000  }
0x1a9: {  	[tilespmem:s6], [sflag:$0x2] =	stream.indirect.gather [spmem:s3], $0x40, s4, s1, $0xb8;
	[tilespmem:$0x1D520] =	vst v63  }
0x1aa: {  	_ =	swait.ge [sflag:s7], $0x2000  }
0x1ab: {  	[sflag:s7] =	ssyncset.done $0x0  }
0x1ac: {  	[sflag:s7] =	ssyncadd.s32 $0xFFFFE000  }
0x1ad: {  	[spmem:s2] =	stream.indirect.scatter.add.f32 [tilespmem:s0], [sflag:$0x3], $0x40, s16, s1, $0xb8;
	[tilespmem:$0x1D520] =	vst v63  }
0x1ae: {  	_ =	swait.ge [sflag:s12], $0x2000  }
0x1af: {  	[sflag:s12] =	ssyncset.done $0x0  }
0x1b0: {  	[sflag:s12] =	ssyncadd.s32 $0xFFFFE000  }
0x1b1: {  	[spmem:s2] =	stream.indirect.scatter.add.f32 [tilespmem:s6], [sflag:$0x4], $0x40, s17, s1, $0xb8;
	[tilespmem:$0x1D520] =	vst v63  }
0x1b2: {  	_ =	swait.ge [sflag:s13], $0x2000  }
0x1b3: {  	[sflag:s13] =	ssyncset.done $0x0  }
0x1b4: {  	[sflag:s13] =	ssyncadd.s32 $0xFFFFE000  }
0x1b5: {  	_ =	swait.ge [sflag:s15], $0x2000  }
0x1b6: {  	[sflag:s15] =	ssyncset.done $0x0  }
0x1b7: {  	s8 =	simm.s32 $0x0;
	[sflag:s15] =	ssyncadd.s32 $0xFFFFE000  }
0x1b8: {  	[tilespmem:s8], [sflag:$0x5] =	stream.linear.gather [hbm4b:s11+s8], $0x2800, $0x38;
	[tilespmem:$0x1D520] =	vst v63  }
0x1b9: {  	_ =	swait.ge [sflag:s30], $0x2800  }
0x1ba: {  	[sflag:s30] =	ssyncset.done $0x0  }
0x1bb: {  	[sflag:s30] =	ssyncadd.s32 $0xFFFFD800  }
0x1bc: {  	[tilespmem:s31], [sflag:$0x5] =	stream.linear.gather [hbm4b:s10+s8], $0x2800, $0x38;
	[tilespmem:$0x1D520] =	vst v63  }
0x1bd: {  	_ =	swait.ge [sflag:s30], $0x2800  }
0x1be: {  	[sflag:s30] =	ssyncset.done $0x0  }
0x1bf: {  	[sflag:s30] =	ssyncadd.s32 $0xFFFFD800  }
0x1c0: {  	[tilespmem:s0], [sflag:$0x1] =	stream.indirect.gather [spmem:s3], $0x40, s8, s1, $0xb8;
	[tilespmem:$0x1D520] =	vst v63  }
0x1c1: {  	_ = 	snop  }
0x1c2: {  	[tilespmem:s6], [sflag:$0x2] =	stream.indirect.gather [spmem:s3], $0x40, s1, s1, $0xb8;
	[tilespmem:$0x1D520] =	vst v63  }
0x1c3: {  	_ =	swait.ge [sflag:s7], $0x2000  }
0x1c4: {  	[sflag:s7] =	ssyncset.done $0x0  }
0x1c5: {  	s9 =	simm.s32 $0x2800;
	[sflag:s7] =	ssyncadd.s32 $0xFFFFE000  }
0x1c6: {  	[spmem:s2] =	stream.indirect.scatter.add.f32 [tilespmem:s0], [sflag:$0x3], $0x40, s9, s1, $0xb8;
	[tilespmem:$0x1D520] =	vst v63  }
0x1c7: {  	_ =	swait.ge [sflag:s12], $0x2000  }
0x1c8: {  	[sflag:s12] =	ssyncset.done $0x0  }
0x1c9: {  	s8 =	simm.s32 $0x2880;
	[sflag:s12] =	ssyncadd.s32 $0xFFFFE000  }
0x1ca: {  	[spmem:s2] =	stream.indirect.scatter.add.f32 [tilespmem:s6], [sflag:$0x4], $0x40, s8, s1, $0xb8;
	[tilespmem:$0x1D520] =	vst v63  }
0x1cb: {  	_ =	swait.ge [sflag:s13], $0x2000  }
0x1cc: {  	[sflag:s13] =	ssyncset.done $0x0  }
0x1cd: {  	s9 =	simm.s32 $0x100;
	[sflag:s13] =	ssyncadd.s32 $0xFFFFE000  }
0x1ce: {  	[tilespmem:s0], [sflag:$0x1] =	stream.indirect.gather [spmem:s3], $0x40, s9, s1, $0xb8;
	[tilespmem:$0x1D520] =	vst v63  }
0x1cf: {  	_ =	swait.ge [sflag:s15], $0x2000  }
0x1d0: {  	[sflag:s15] =	ssyncset.done $0x0  }
0x1d1: {  	s29 =	simm.s32 $0x400;
	s4 =	simm.s32 $0x180;
	[sflag:s15] =	ssyncadd.s32 $0xFFFFE000  }
.LBB2_22:
0x1d2: {  	[tilespmem:s6], [sflag:$0x2] =	stream.indirect.gather [spmem:s3], $0x40, s4, s1, $0xb8;
	[tilespmem:$0x1D520] =	vst v63  }
0x1d3: {  	s4 =	smov.u32 s29  }
0x1d4: {  	p0 =	sne.s32 s29, $0x9800;
	s29 =	sadd.s32 $0x400, s29;
	_ =	swait.ge [sflag:s7], $0x2000  }
0x1d5: {  	s4 =	sshra.s32 s4, $0x2;
	[sflag:s7] =	ssyncset.done $0x0  }
0x1d6: {  	s8 =	sadd.s32 $0x2800, s4;
	[sflag:s7] =	ssyncadd.s32 $0xFFFFE000  }
0x1d7: {  	[spmem:s2] =	stream.indirect.scatter.add.f32 [tilespmem:s0], [sflag:$0x3], $0x40, s8, s1, $0xb8;
	[tilespmem:$0x1D520] =	vst v63  }
0x1d8: {  	_ =	swait.ge [sflag:s12], $0x2000  }
0x1d9: {  	[sflag:s12] =	ssyncset.done $0x0  }
0x1da: {  	s8 =	sadd.s32 $0x2880, s4;
	[sflag:s12] =	ssyncadd.s32 $0xFFFFE000  }
0x1db: {  	[spmem:s2] =	stream.indirect.scatter.add.f32 [tilespmem:s6], [sflag:$0x4], $0x40, s8, s1, $0xb8;
	[tilespmem:$0x1D520] =	vst v63  }
0x1dc: {  	_ =	swait.ge [sflag:s13], $0x2000  }
0x1dd: {  	[sflag:s13] =	ssyncset.done $0x0  }
.Ltmp10:
0x1de: {  	s8 =	sadd.s32 $0x100, s4;
	[sflag:s13] =	ssyncadd.s32 $0xFFFFE000;
	(pc) =	sbr.rel @p0 .LBB2_22-.Ltmp10, $4  }
0x1df: {  	[tilespmem:s0], [sflag:$0x1] =	stream.indirect.gather [spmem:s3], $0x40, s8, s1, $0xb8;
	[tilespmem:$0x1D520] =	vst v63  }
0x1e0: {  	_ =	swait.ge [sflag:s15], $0x2000  }
0x1e1: {  	[sflag:s15] =	ssyncset.done $0x0  }
0x1e2: {  	s4 =	sadd.s32 $0x180, s4;
	[sflag:s15] =	ssyncadd.s32 $0xFFFFE000  }
0x1e3: {  	[tilespmem:s6], [sflag:$0x2] =	stream.indirect.gather [spmem:s3], $0x40, s4, s1, $0xb8;
	[tilespmem:$0x1D520] =	vst v63  }
0x1e4: {  	_ =	swait.ge [sflag:s7], $0x2000  }
0x1e5: {  	[sflag:s7] =	ssyncset.done $0x0  }
0x1e6: {  	[sflag:s7] =	ssyncadd.s32 $0xFFFFE000  }
0x1e7: {  	[spmem:s2] =	stream.indirect.scatter.add.f32 [tilespmem:s0], [sflag:$0x3], $0x40, s16, s1, $0xb8;
	[tilespmem:$0x1D520] =	vst v63  }
0x1e8: {  	_ =	swait.ge [sflag:s12], $0x2000  }
0x1e9: {  	[sflag:s12] =	ssyncset.done $0x0  }
0x1ea: {  	[sflag:s12] =	ssyncadd.s32 $0xFFFFE000  }
0x1eb: {  	[spmem:s2] =	stream.indirect.scatter.add.f32 [tilespmem:s6], [sflag:$0x4], $0x40, s17, s1, $0xb8;
	[tilespmem:$0x1D520] =	vst v63  }
0x1ec: {  	_ =	swait.ge [sflag:s13], $0x2000  }
0x1ed: {  	[sflag:s13] =	ssyncset.done $0x0  }
0x1ee: {  	[sflag:s13] =	ssyncadd.s32 $0xFFFFE000  }
0x1ef: {  	_ =	swait.ge [sflag:s15], $0x2000  }
0x1f0: {  	[sflag:s15] =	ssyncset.done $0x0  }
0x1f1: {  	[sflag:s15] =	ssyncadd.s32 $0xFFFFE000  }
0x1f2: {  	[bflag:$0x0] =	sbarrier.arrive $0xFFFF  }
0x1f3: {  	[tilespmem:s0], [sflag:$0x5] =	stream.linear.gather [spmem:s5], $0x2000, $0x38;
	[tilespmem:$0x1D520] =	vst v63  }
0x1f4: {  	_ =	swait.ge [sflag:s30], $0x2000  }
0x1f5: {  	[sflag:s30] =	ssyncset.done $0x0  }
0x1f6: {  	s29 =	simm.s32 $0x5020;
	[sflag:s30] =	ssyncadd.s32 $0xFFFFE000  }
0x1f7: {  	s9 =	simm.s32 $0x0;
	v1 =	vld [tilespmem:s29+$0x10]  }
0x1f8: {  	v3 =	vld.msk [tilespmem:s9+$0x9290 ss:$0x0], $0xffff  }
0x1f9: {  	v2 =	vld [tilespmem:s29+$0xFFFFFFE0]  }
0x1fa: {  	v4 =	vld [tilespmem:s29+$0xFFFFFFF0]  }
0x1fb: {  	v5 =	vld [tilespmem:s29+$0x0];
	_ =	sdelay $0x2  }
0x1fc: {  	v6 =	vmul.f32 v3, v2;
	v7 =	vmul.f32 v1, v3  }
0x1fd: {  	v2 =	vmul.f32 v4, v3  }
0x1fe: {  	s4 =	simm.s32 $0x4;
	s8 =	simm.s32 $0x5020;
	v3 =	vmul.f32 v5, v3;
	v1 =	vmax.f32 v6, $0.0e+00;
	v4 =	vmax.f32 v7, $0.0e+00  }
.LBB2_24:
0x1ff: {  	p0 =	sne.s32 s4, $0x1FC  }
0x200: {  	v2 =	vmax.f32 v2, $0.0e+00;
	v3 =	vmax.f32 v3, $0.0e+00;
	[tilespmem:s29+$0x10] =	vst v4;
	s8 =	sadd.s32 $0x40, s8;
	s9 =	smov.u32 s4;
	s4 =	sadd.s32 $0x4, s4  }
0x201: {  	[tilespmem:s29+$0xFFFFFFE0] =	vst v1  }
0x202: {  	v1 =	vld [tilespmem:s8+$0xFFFFFFF0];
	[tilespmem:s29+$0xFFFFFFF0] =	vst v2  }
0x203: {  	s9 =	sshra.s32 s9, $0x2;
	v2 =	vld [tilespmem:s8+$0x10];
	[tilespmem:s29+$0x0] =	vst v3;
	s29 =	smov.u32 s8  }
0x204: {  	v3 =	vld.msk [tilespmem:s9+$0x9290 ss:$0x0], $0xffff  }
0x205: {  	v4 =	vld [tilespmem:s8+$0xFFFFFFE0]  }
0x206: {  	v5 =	vld [tilespmem:s8+$0x0];
	_ =	sdelay $0x1  }
.Ltmp11:
0x207: {  	(pc) =	sbr.rel @p0 .LBB2_24-.Ltmp11, $4  }
0x208: {  	_ = 	snop  }
0x209: {  	v6 =	vmul.f32 v2, v3;
	v4 =	vmul.f32 v3, v4  }
0x20a: {  	v2 =	vmul.f32 v1, v3;
	v3 =	vmul.f32 v5, v3  }
0x20b: {  	v1 =	vmax.f32 v4, $0.0e+00;
	v4 =	vmax.f32 v6, $0.0e+00  }
0x20c: {  	[tilespmem:s29+$0x10] =	vst v4  }
0x20d: {  	v2 =	vmax.f32 v2, $0.0e+00;
	[tilespmem:s29+$0xFFFFFFE0] =	vst v1  }
0x20e: {  	v1 =	vmax.f32 v3, $0.0e+00;
	[tilespmem:s29+$0xFFFFFFF0] =	vst v2  }
0x20f: {  	s4 =	rddreg [dreg:$0xb];
	[tilespmem:s29+$0x0] =	vst v1  }
0x210: {  	[hbm4b:s4+s18] =	stream.strided.scatter [tilespmem:s0], [sflag:$0x5], $0x2000, s1, s18, $0x38;
	[tilespmem:$0x1D520] =	vst v63  }
0x211: {  	_ =	swait.ge [sflag:s30], $0x2000  }
0x212: {  	[sflag:s30] =	ssyncset.done $0x0  }
0x213: {  	[sflag:s30] =	ssyncadd.s32 $0xFFFFE000  }
0x214: {  	[tilespmem:s0], [sflag:$0x5] =	stream.linear.gather [spmem:s21], $0x2000, $0x38;
	[tilespmem:$0x1D520] =	vst v63  }
0x215: {  	_ =	swait.ge [sflag:s30], $0x2000  }
0x216: {  	[sflag:s30] =	ssyncset.done $0x0  }
0x217: {  	s9 =	simm.s32 $0x0;
	s29 =	simm.s32 $0x5020;
	[sflag:s30] =	ssyncadd.s32 $0xFFFFE000  }
0x218: {  	s4 =	sand.u32 $0x7F, s9;
	v1 =	vld [tilespmem:s29+$0x10]  }
0x219: {  	v3 =	vld.msk [tilespmem:s4+$0x9310 ss:$0x0], $0xffff  }
0x21a: {  	v2 =	vld [tilespmem:s29+$0xFFFFFFE0]  }
0x21b: {  	v4 =	vld [tilespmem:s29+$0xFFFFFFF0]  }
0x21c: {  	v5 =	vld [tilespmem:s29+$0x0];
	_ =	sdelay $0x2  }
0x21d: {  	v6 =	vmul.f32 v3, v2;
	v7 =	vmul.f32 v1, v3  }
0x21e: {  	v2 =	vmul.f32 v4, v3  }
0x21f: {  	s8 =	simm.s32 $0x5020;
	s4 =	simm.s32 $0x1;
	v3 =	vmul.f32 v5, v3;
	v1 =	vmax.f32 v6, $0.0e+00;
	v4 =	vmax.f32 v7, $0.0e+00  }
.LBB2_26:
0x220: {  	p0 =	sne.s32 s4, $0x7F  }
0x221: {  	v2 =	vmax.f32 v2, $0.0e+00;
	v3 =	vmax.f32 v3, $0.0e+00;
	[tilespmem:s29+$0x10] =	vst v4;
	s8 =	sadd.s32 $0x40, s8;
	s9 =	smov.u32 s4;
	s4 =	sadd.s32 $0x1, s4  }
0x222: {  	[tilespmem:s29+$0xFFFFFFE0] =	vst v1  }
0x223: {  	v1 =	vld [tilespmem:s8+$0xFFFFFFF0];
	[tilespmem:s29+$0xFFFFFFF0] =	vst v2  }
0x224: {  	s9 =	sand.u32 $0x7F, s9;
	v2 =	vld [tilespmem:s8+$0x10];
	[tilespmem:s29+$0x0] =	vst v3;
	s29 =	smov.u32 s8  }
0x225: {  	v3 =	vld.msk [tilespmem:s9+$0x9310 ss:$0x0], $0xffff  }
0x226: {  	v4 =	vld [tilespmem:s8+$0xFFFFFFE0]  }
0x227: {  	v5 =	vld [tilespmem:s8+$0x0];
	_ =	sdelay $0x1  }
.Ltmp12:
0x228: {  	(pc) =	sbr.rel @p0 .LBB2_26-.Ltmp12, $4  }
0x229: {  	_ = 	snop  }
0x22a: {  	v6 =	vmul.f32 v2, v3;
	v4 =	vmul.f32 v3, v4  }
0x22b: {  	v2 =	vmul.f32 v1, v3;
	v3 =	vmul.f32 v5, v3  }
0x22c: {  	v1 =	vmax.f32 v4, $0.0e+00;
	v4 =	vmax.f32 v6, $0.0e+00  }
0x22d: {  	[tilespmem:s29+$0x10] =	vst v4  }
0x22e: {  	v2 =	vmax.f32 v2, $0.0e+00;
	[tilespmem:s29+$0xFFFFFFE0] =	vst v1  }
0x22f: {  	v1 =	vmax.f32 v3, $0.0e+00;
	[tilespmem:s29+$0xFFFFFFF0] =	vst v2  }
0x230: {  	s4 =	rddreg [dreg:$0xc];
	[tilespmem:s29+$0x0] =	vst v1  }
0x231: {  	[hbm4b:s4+s18] =	stream.strided.scatter [tilespmem:s0], [sflag:$0x5], $0x2000, s1, s18, $0x38;
	[tilespmem:$0x1D520] =	vst v63  }
0x232: {  	_ =	swait.ge [sflag:s30], $0x2000  }
0x233: {  	[sflag:s30] =	ssyncset.done $0x0  }
0x234: {  	[sflag:s30] =	ssyncadd.s32 $0xFFFFE000  }
0x235: {  	[tilespmem:s0], [sflag:$0x5] =	stream.linear.gather [spmem:s23], $0x2000, $0x38;
	[tilespmem:$0x1D520] =	vst v63  }
0x236: {  	_ =	swait.ge [sflag:s30], $0x2000  }
0x237: {  	[sflag:s30] =	ssyncset.done $0x0  }
0x238: {  	s9 =	simm.s32 $0x0;
	s29 =	simm.s32 $0x5020;
	[sflag:s30] =	ssyncadd.s32 $0xFFFFE000  }
0x239: {  	s4 =	sand.u32 $0x7F, s9;
	v1 =	vld [tilespmem:s29+$0x10]  }
0x23a: {  	v3 =	vld.msk [tilespmem:s4+$0x9390 ss:$0x0], $0xffff  }
0x23b: {  	v2 =	vld [tilespmem:s29+$0xFFFFFFE0]  }
0x23c: {  	v4 =	vld [tilespmem:s29+$0xFFFFFFF0]  }
0x23d: {  	v5 =	vld [tilespmem:s29+$0x0];
	_ =	sdelay $0x2  }
0x23e: {  	v6 =	vmul.f32 v3, v2;
	v7 =	vmul.f32 v1, v3  }
0x23f: {  	v2 =	vmul.f32 v4, v3  }
0x240: {  	s8 =	simm.s32 $0x5020;
	s4 =	simm.s32 $0x1;
	v3 =	vmul.f32 v5, v3;
	v1 =	vmax.f32 v6, $0.0e+00;
	v4 =	vmax.f32 v7, $0.0e+00  }
.LBB2_28:
0x241: {  	p0 =	sne.s32 s4, $0x7F  }
0x242: {  	v2 =	vmax.f32 v2, $0.0e+00;
	v3 =	vmax.f32 v3, $0.0e+00;
	[tilespmem:s29+$0x10] =	vst v4;
	s8 =	sadd.s32 $0x40, s8;
	s9 =	smov.u32 s4;
	s4 =	sadd.s32 $0x1, s4  }
0x243: {  	[tilespmem:s29+$0xFFFFFFE0] =	vst v1  }
0x244: {  	v1 =	vld [tilespmem:s8+$0xFFFFFFF0];
	[tilespmem:s29+$0xFFFFFFF0] =	vst v2  }
0x245: {  	s9 =	sand.u32 $0x7F, s9;
	v2 =	vld [tilespmem:s8+$0x10];
	[tilespmem:s29+$0x0] =	vst v3;
	s29 =	smov.u32 s8  }
0x246: {  	v3 =	vld.msk [tilespmem:s9+$0x9390 ss:$0x0], $0xffff  }
0x247: {  	v4 =	vld [tilespmem:s8+$0xFFFFFFE0]  }
0x248: {  	v5 =	vld [tilespmem:s8+$0x0];
	_ =	sdelay $0x1  }
.Ltmp13:
0x249: {  	(pc) =	sbr.rel @p0 .LBB2_28-.Ltmp13, $4  }
0x24a: {  	_ = 	snop  }
0x24b: {  	v6 =	vmul.f32 v2, v3;
	v4 =	vmul.f32 v3, v4  }
0x24c: {  	v2 =	vmul.f32 v1, v3;
	v3 =	vmul.f32 v5, v3  }
0x24d: {  	v1 =	vmax.f32 v4, $0.0e+00;
	v4 =	vmax.f32 v6, $0.0e+00  }
0x24e: {  	[tilespmem:s29+$0x10] =	vst v4  }
0x24f: {  	v2 =	vmax.f32 v2, $0.0e+00;
	[tilespmem:s29+$0xFFFFFFE0] =	vst v1  }
0x250: {  	v1 =	vmax.f32 v3, $0.0e+00;
	[tilespmem:s29+$0xFFFFFFF0] =	vst v2  }
0x251: {  	s4 =	rddreg [dreg:$0xd];
	[tilespmem:s29+$0x0] =	vst v1  }
0x252: {  	[hbm4b:s4+s18] =	stream.strided.scatter [tilespmem:s0], [sflag:$0x5], $0x2000, s1, s18, $0x38;
	[tilespmem:$0x1D520] =	vst v63  }
0x253: {  	_ =	swait.ge [sflag:s30], $0x2000  }
0x254: {  	[sflag:s30] =	ssyncset.done $0x0  }
0x255: {  	[sflag:s30] =	ssyncadd.s32 $0xFFFFE000  }
0x256: {  	[tilespmem:s0], [sflag:$0x5] =	stream.linear.gather [spmem:s25], $0x2000, $0x38;
	[tilespmem:$0x1D520] =	vst v63  }
0x257: {  	_ =	swait.ge [sflag:s30], $0x2000  }
0x258: {  	[sflag:s30] =	ssyncset.done $0x0  }
0x259: {  	s9 =	simm.s32 $0x0;
	s29 =	simm.s32 $0x5020;
	[sflag:s30] =	ssyncadd.s32 $0xFFFFE000  }
0x25a: {  	s4 =	sand.u32 $0x7F, s9;
	v1 =	vld [tilespmem:s29+$0x10]  }
0x25b: {  	v3 =	vld.msk [tilespmem:s4+$0x9410 ss:$0x0], $0xffff  }
0x25c: {  	v2 =	vld [tilespmem:s29+$0xFFFFFFE0]  }
0x25d: {  	v4 =	vld [tilespmem:s29+$0xFFFFFFF0]  }
0x25e: {  	v5 =	vld [tilespmem:s29+$0x0];
	_ =	sdelay $0x2  }
0x25f: {  	v6 =	vmul.f32 v3, v2;
	v7 =	vmul.f32 v1, v3  }
0x260: {  	v2 =	vmul.f32 v4, v3  }
0x261: {  	s8 =	simm.s32 $0x5020;
	s4 =	simm.s32 $0x1;
	v3 =	vmul.f32 v5, v3;
	v1 =	vmax.f32 v6, $0.0e+00;
	v4 =	vmax.f32 v7, $0.0e+00  }
.LBB2_30:
0x262: {  	p0 =	sne.s32 s4, $0x7F  }
0x263: {  	v2 =	vmax.f32 v2, $0.0e+00;
	v3 =	vmax.f32 v3, $0.0e+00;
	[tilespmem:s29+$0x10] =	vst v4;
	s8 =	sadd.s32 $0x40, s8;
	s9 =	smov.u32 s4;
	s4 =	sadd.s32 $0x1, s4  }
0x264: {  	[tilespmem:s29+$0xFFFFFFE0] =	vst v1  }
0x265: {  	v1 =	vld [tilespmem:s8+$0xFFFFFFF0];
	[tilespmem:s29+$0xFFFFFFF0] =	vst v2  }
0x266: {  	s9 =	sand.u32 $0x7F, s9;
	v2 =	vld [tilespmem:s8+$0x10];
	[tilespmem:s29+$0x0] =	vst v3;
	s29 =	smov.u32 s8  }
0x267: {  	v3 =	vld.msk [tilespmem:s9+$0x9410 ss:$0x0], $0xffff  }
0x268: {  	v4 =	vld [tilespmem:s8+$0xFFFFFFE0]  }
0x269: {  	v5 =	vld [tilespmem:s8+$0x0];
	_ =	sdelay $0x1  }
.Ltmp14:
0x26a: {  	(pc) =	sbr.rel @p0 .LBB2_30-.Ltmp14, $4  }
0x26b: {  	_ = 	snop  }
0x26c: {  	v6 =	vmul.f32 v2, v3;
	v4 =	vmul.f32 v3, v4  }
0x26d: {  	v2 =	vmul.f32 v1, v3;
	v3 =	vmul.f32 v5, v3  }
0x26e: {  	v1 =	vmax.f32 v4, $0.0e+00;
	v4 =	vmax.f32 v6, $0.0e+00  }
0x26f: {  	[tilespmem:s29+$0x10] =	vst v4  }
0x270: {  	v2 =	vmax.f32 v2, $0.0e+00;
	[tilespmem:s29+$0xFFFFFFE0] =	vst v1  }
0x271: {  	v1 =	vmax.f32 v3, $0.0e+00;
	[tilespmem:s29+$0xFFFFFFF0] =	vst v2  }
0x272: {  	s4 =	rddreg [dreg:$0xe];
	[tilespmem:s29+$0x0] =	vst v1  }
0x273: {  	[hbm4b:s4+s18] =	stream.strided.scatter [tilespmem:s0], [sflag:$0x5], $0x2000, s1, s18, $0x38;
	[tilespmem:$0x1D520] =	vst v63  }
0x274: {  	_ =	swait.ge [sflag:s30], $0x2000  }
0x275: {  	[sflag:s30] =	ssyncset.done $0x0  }
0x276: {  	[sflag:s30] =	ssyncadd.s32 $0xFFFFE000  }
0x277: {  	[tilespmem:s0], [sflag:$0x5] =	stream.linear.gather [spmem:s28], $0x2000, $0x38;
	[tilespmem:$0x1D520] =	vst v63  }
0x278: {  	_ =	swait.ge [sflag:s30], $0x2000  }
0x279: {  	[sflag:s30] =	ssyncset.done $0x0  }
0x27a: {  	s9 =	simm.s32 $0x0;
	s29 =	simm.s32 $0x5020;
	[sflag:s30] =	ssyncadd.s32 $0xFFFFE000  }
0x27b: {  	s4 =	sand.u32 $0x7F, s9;
	v1 =	vld [tilespmem:s29+$0x10]  }
0x27c: {  	v3 =	vld.msk [tilespmem:s4+$0x9490 ss:$0x0], $0xffff  }
0x27d: {  	v2 =	vld [tilespmem:s29+$0xFFFFFFE0]  }
0x27e: {  	v4 =	vld [tilespmem:s29+$0xFFFFFFF0]  }
0x27f: {  	v5 =	vld [tilespmem:s29+$0x0];
	_ =	sdelay $0x2  }
0x280: {  	v6 =	vmul.f32 v3, v2;
	v7 =	vmul.f32 v1, v3  }
0x281: {  	v2 =	vmul.f32 v4, v3  }
0x282: {  	s8 =	simm.s32 $0x5020;
	s4 =	simm.s32 $0x1;
	v3 =	vmul.f32 v5, v3;
	v1 =	vmax.f32 v6, $0.0e+00;
	v4 =	vmax.f32 v7, $0.0e+00  }
.LBB2_32:
0x283: {  	p0 =	sne.s32 s4, $0x7F  }
0x284: {  	v2 =	vmax.f32 v2, $0.0e+00;
	v3 =	vmax.f32 v3, $0.0e+00;
	[tilespmem:s29+$0x10] =	vst v4;
	s8 =	sadd.s32 $0x40, s8;
	s9 =	smov.u32 s4;
	s4 =	sadd.s32 $0x1, s4  }
0x285: {  	[tilespmem:s29+$0xFFFFFFE0] =	vst v1  }
0x286: {  	v1 =	vld [tilespmem:s8+$0xFFFFFFF0];
	[tilespmem:s29+$0xFFFFFFF0] =	vst v2  }
0x287: {  	s9 =	sand.u32 $0x7F, s9;
	v2 =	vld [tilespmem:s8+$0x10];
	[tilespmem:s29+$0x0] =	vst v3;
	s29 =	smov.u32 s8  }
0x288: {  	v3 =	vld.msk [tilespmem:s9+$0x9490 ss:$0x0], $0xffff  }
0x289: {  	v4 =	vld [tilespmem:s8+$0xFFFFFFE0]  }
0x28a: {  	v5 =	vld [tilespmem:s8+$0x0];
	_ =	sdelay $0x1  }
.Ltmp15:
0x28b: {  	(pc) =	sbr.rel @p0 .LBB2_32-.Ltmp15, $4  }
0x28c: {  	_ = 	snop  }
0x28d: {  	v6 =	vmul.f32 v2, v3;
	v4 =	vmul.f32 v3, v4  }
0x28e: {  	v2 =	vmul.f32 v1, v3;
	v3 =	vmul.f32 v5, v3  }
0x28f: {  	v1 =	vmax.f32 v4, $0.0e+00;
	v4 =	vmax.f32 v6, $0.0e+00  }
0x290: {  	[tilespmem:s29+$0x10] =	vst v4  }
0x291: {  	v2 =	vmax.f32 v2, $0.0e+00;
	[tilespmem:s29+$0xFFFFFFE0] =	vst v1  }
0x292: {  	v1 =	vmax.f32 v3, $0.0e+00;
	[tilespmem:s29+$0xFFFFFFF0] =	vst v2  }
0x293: {  	s4 =	rddreg [dreg:$0xf];
	[tilespmem:s29+$0x0] =	vst v1  }
0x294: {  	[hbm4b:s4+s18] =	stream.strided.scatter [tilespmem:s0], [sflag:$0x5], $0x2000, s1, s18, $0x38;
	[tilespmem:$0x1D520] =	vst v63  }
0x295: {  	_ =	swait.ge [sflag:s30], $0x2000  }
0x296: {  	s19 =	sadd.s32 $0x1, s19;
	s29 =	rddreg [dreg:$0x10]  }
0x297: {  	p0 =	sne.s32 s19, s29  }
.Ltmp16:
0x298: {  	_ = 	snop;
	(pc) =	sbr.rel @p0 .LBB2_1-.Ltmp16, $3  }
0x299: {  	_ =	sdelay $0x1  }
0x29a: {  	[sflag:s30] =	ssyncset.done $0x0  }
0x29b: {  	[sflag:s30] =	ssyncadd.s32 $0xFFFFE000  }
0x29c: {  	_ =	sfence.sel $0x180000  }
0x29d: {  	[bflag:$0x0] =	sbarrier.arrive $0xFFFF  }
0x29e: {  	_ =	strace $0x9000004A  }
0x29f: {  	s0 =	stileid.u32;
	[bflag:$0x2] =	sbarrier.arrive $0xFFFF  }
0x2a0: {  	p0 =	sne.s32 s0, $0x0;
	s0 =	rddreg [dreg:$0x4]  }
0x2a1: {  	s0 =	sadd.s32 @!p0 $0x100000, s0  }
0x2a2: {  	[sflag:s0] =	ssyncadd.tile.s32 @!p0 $0x1;
	_ =	shalt  }
.Lfunc_end2:
_tile_overlayer_lowered:
.L_overlay_start_2:
0x2a3: {  	(tag) =	ssettag $0x2  }
0x2a4: {  	s0 =	rddreg [dreg:$0x0];
	s2 =	stileid.u32  }
0x2a5: {  	s1 =	rddreg [dreg:$0x1];
	p0 =	sne.s32 s2, $0x0  }
0x2a6: {  	s3 =	rddreg [dreg:$0x2];
	[bflag:$0x3] =	sbarrier.arrive $0xFFFF;
	s2 =	simm.s32 @!p0 $0x1C05  }
0x2a7: {  	[timem:s3], [sflag:s2] =	dma.local @!p0 [hbm:s0], s1  }
0x2a8: {  	s0 =	simm.s32 @!p0 $0x5  }
0x2a9: {  	_ =	swait.ge @!p0 [sflag:s0], s1  }
0x2aa: {  	s1 =	ssub.s32 @!p0 $0x0, s1;
	[sflag:s0] =	ssyncset.done @!p0 $0x0  }
0x2ab: {  	[sflag:s0] =	ssyncadd.s32 @!p0 s1  }
0x2ac: {  	[bflag:$0x3] =	sbarrier.arrive $0xFFFF  }
0x2ad: {  	_ =	shalt  }

</sc_bundles>
